<compile_context>
chip_gen: v7x
topology: tpu7x:2x2x1
jax: 0.10.2.dev20260603
libtpu: 0.0.44.dev20260713+nightly
codegen_flags: <defaults>
</compile_context>

<pallas_src>
import jax
import jax.numpy as jnp
from jax import lax
from jax.experimental import pallas as pl
from jax.experimental.pallas import tpu as pltpu, tpu_sc as plsc

B = 4096
CTX = 77
D = 512
NH = 4
NM = 3
VSLOT = NH + 1
OSLOT = NH + 2 + NM

_info = plsc.get_sparse_core_info()
_NC = _info.num_cores
_NS = _info.num_subcores
NW = _NC * _NS
ROWS_PER_W = B // NW

G = 64
NG = B // G


def _sc_body(verb_hbm, obj_hbm, vidx_hbm, oidx_hbm, vout_hbm, oout_hbm,
             idx_v, rows_v, sem):
    wid = lax.axis_index("s") * _NC + lax.axis_index("c")
    off = wid * ROWS_PER_W
    pltpu.sync_copy(vidx_hbm.at[pl.ds(off, ROWS_PER_W)], idx_v)
    pltpu.async_copy(verb_hbm.at[idx_v], rows_v, sem).wait()
    pltpu.sync_copy(rows_v, vout_hbm.at[pl.ds(off, ROWS_PER_W)])
    pltpu.sync_copy(oidx_hbm.at[pl.ds(off, ROWS_PER_W)], idx_v)
    pltpu.async_copy(obj_hbm.at[idx_v], rows_v, sem).wait()
    pltpu.sync_copy(rows_v, oout_hbm.at[pl.ds(off, ROWS_PER_W)])


NBUF = 2


def _tc_body(tokid_sref, tokemb_hbm, pos_ref, ph_ref, pm_ref,
             vrows_ref, orows_ref, out_hbm, basebuf, *bufs_and_sems):
    bigs = bufs_and_sems[:NBUF]
    gsem = bufs_and_sems[NBUF]
    sems = bufs_and_sems[NBUF + 1:]
    g = pl.program_id(0)
    ng = pl.num_programs(0)

    @pl.when(g == 0)
    def _init():
        cps = []
        for r in range(CTX):
            cp = pltpu.make_async_copy(
                tokemb_hbm.at[pl.ds(tokid_sref[r], 1)],
                basebuf.at[pl.ds(r, 1)], gsem)
            cp.start()
            cps.append(cp)
        for cp in cps:
            cp.wait()
        basebuf[1:1 + NH, :] = ph_ref[...]
        basebuf[NH + 2:NH + 2 + NM, :] = pm_ref[...]
        base_val = basebuf[...] + pos_ref[...]
        for i in range(G):
            for big in bigs:
                big[i] = base_val

    vp = vrows_ref[...] + pos_ref[VSLOT, :][None, :]
    op = orows_ref[...] + pos_ref[OSLOT, :][None, :]

    def _handle(big, sem):
        @pl.when(g >= NBUF)
        def _wait_prev():
            pltpu.make_async_copy(
                big, out_hbm.at[pl.ds((g - NBUF) * G, G)], sem).wait()

        big[:, VSLOT, :] = vp
        big[:, OSLOT, :] = op
        pltpu.make_async_copy(big, out_hbm.at[pl.ds(g * G, G)], sem).start()

    for k in range(NBUF):
        @pl.when(g % NBUF == k)
        def _go(k=k):
            _handle(bigs[k], sems[k])

    @pl.when(g == ng - 1)
    def _drain():
        for k in range(NBUF):
            pltpu.make_async_copy(
                bigs[k], out_hbm.at[pl.ds(g * G, G)], sems[k]).wait()


def kernel(pair_idx, token_ids, token_embedding, positional_embedding,
           prompt_vectors_head, prompt_vectors_mid, verb_embedding,
           obj_embedding):
    vidx = pair_idx[:, 0].astype(jnp.int32)
    oidx = pair_idx[:, 1].astype(jnp.int32)
    tokid = token_ids.reshape(CTX).astype(jnp.int32)
    pos = positional_embedding.reshape(CTX, D)
    verb2d = verb_embedding.reshape(-1, D)
    obj2d = obj_embedding.reshape(-1, D)

    mesh = plsc.VectorSubcoreMesh(core_axis_name="c", subcore_axis_name="s")
    gather = pl.kernel(
        _sc_body,
        mesh=mesh,
        out_type=(
            jax.ShapeDtypeStruct((B, D), jnp.float32),
            jax.ShapeDtypeStruct((B, D), jnp.float32),
        ),
        scratch_types=[
            pltpu.VMEM((ROWS_PER_W,), jnp.int32),
            pltpu.VMEM((ROWS_PER_W, D), jnp.float32),
            pltpu.SemaphoreType.DMA,
        ],
    )
    vrows, orows = gather(verb2d, obj2d, vidx, oidx)

    assemble = pl.pallas_call(
        _tc_body,
        grid_spec=pltpu.PrefetchScalarGridSpec(
            num_scalar_prefetch=1,
            grid=(NG,),
            in_specs=[
                pl.BlockSpec(memory_space=pl.ANY),
                pl.BlockSpec((CTX, D), lambda g, s: (0, 0)),
                pl.BlockSpec((NH, D), lambda g, s: (0, 0)),
                pl.BlockSpec((NM, D), lambda g, s: (0, 0)),
                pl.BlockSpec((G, D), lambda g, s: (g, 0)),
                pl.BlockSpec((G, D), lambda g, s: (g, 0)),
            ],
            out_specs=pl.BlockSpec(memory_space=pl.ANY),
            scratch_shapes=(
                [pltpu.VMEM((CTX, D), jnp.float32)]
                + [pltpu.VMEM((G, CTX, D), jnp.float32)] * NBUF
                + [pltpu.SemaphoreType.DMA] * (NBUF + 1)
            ),
        ),
        out_shape=jax.ShapeDtypeStruct((B, CTX, D), jnp.float32),
    )
    return assemble(tokid, token_embedding, pos, prompt_vectors_head,
                    prompt_vectors_mid, vrows, orows)

# --- scband reference (transcript-rebuilt; emitter-appended) ---
"""Pipeline reference for scband-composition-prompt-learner-32744830665007 (READ-ONLY COPY).

The authoritative reference and input builder live on the scoring server;
editing this copy changes nothing except your own understanding.
"""

import jax, jax.numpy as jnp
import numpy as np

B = 4096
CTX = 77
D = 512
VOCAB = 49408
NV = 1000
NO = 1000
NH = 4
NM = 3


def setup_inputs(seed: int = 0) -> dict:
    key = jax.random.key(seed)
    ks = jax.random.split(key, 8)
    pair_idx = jax.random.randint(ks[0], (B, 2), 0, NV)  # col0=verb_idx, col1=obj_idx (NV==NO)
    token_ids = jax.random.randint(ks[1], (1, CTX), 0, VOCAB)
    token_embedding = jax.random.normal(ks[2], (VOCAB, D), dtype=jnp.float32) * 0.02
    positional_embedding = jax.random.normal(ks[3], (1, CTX, D), dtype=jnp.float32) * 0.01
    prompt_vectors_head = jax.random.normal(ks[4], (NH, D), dtype=jnp.float32) * 0.02
    prompt_vectors_mid = jax.random.normal(ks[5], (NM, D), dtype=jnp.float32) * 0.02
    verb_embedding = jax.random.normal(ks[6], (NV, 1, D), dtype=jnp.float32) * 0.02
    obj_embedding = jax.random.normal(ks[7], (NO, 1, D), dtype=jnp.float32) * 0.02
    return {
        'pair_idx': pair_idx,
        'token_ids': token_ids,
        'token_embedding': token_embedding,
        'positional_embedding': positional_embedding,
        'prompt_vectors_head': prompt_vectors_head,
        'prompt_vectors_mid': prompt_vectors_mid,
        'verb_embedding': verb_embedding,
        'obj_embedding': obj_embedding,
    }


def reference(pair_idx, token_ids, token_embedding, positional_embedding,
              prompt_vectors_head, prompt_vectors_mid, verb_embedding, obj_embedding):
    verb_idx = pair_idx[:, 0].reshape(-1)
    obj_idx = pair_idx[:, 1].reshape(-1)
    n = pair_idx.shape[0]
    # class_token_ids = token_ids.repeat(len(pair_idx), 1)
    class_token_ids = jnp.tile(token_ids, (n, 1))            # [B, CTX]
    # token_tensor = token_embedding(class_token_ids)  -> embedding gather
    token_tensor = jnp.take(token_embedding, class_token_ids, axis=0)  # [B, CTX, D]
    # slot in learned prompt vectors and per-class verb/object embeddings
    token_tensor = token_tensor.at[:, 1:NH + 1].set(prompt_vectors_head[None, :, :])
    token_tensor = token_tensor.at[:, NH + 1:NH + 2].set(jnp.take(verb_embedding, verb_idx, axis=0))
    token_tensor = token_tensor.at[:, NH + 2:NH + 2 + NM].set(prompt_vectors_mid[None, :, :])
    token_tensor = token_tensor.at[:, NH + 2 + NM:NH + 3 + NM].set(jnp.take(obj_embedding, obj_idx, axis=0))
    return token_tensor + positional_embedding

if __name__ == "__main__":
    import jax
    _d = setup_inputs()
    print(jax.jit(kernel)(*tuple(_d.values())))

</pallas_src>

<mosaic_0001>
#map = affine_map<(d0, d1) -> (0, 0)>
#map1 = affine_map<(d0, d1) -> (0)>
module attributes {stable_mosaic.version = 14 : i64} {
  func.func @_sc_body(%arg0: i32, %arg1: i32, %arg2: memref<1000x512xf32, #tpu.memory_space<hbm>>, %arg3: memref<1000x512xf32, #tpu.memory_space<hbm>>, %arg4: memref<4096xi32, #tpu.memory_space<hbm>>, %arg5: memref<4096xi32, #tpu.memory_space<hbm>>, %arg6: memref<4096x512xf32, #tpu.memory_space<hbm>>, %arg7: memref<4096x512xf32, #tpu.memory_space<hbm>>, %arg8: memref<128xi32, #tpu.memory_space<vmem>>, %arg9: memref<128x512xf32, #tpu.memory_space<vmem>>, %arg10: memref<!tpu.dma_semaphore, #tpu.memory_space<semaphore_mem>>) attributes {dimension_semantics = [#tpu.dimension_semantics<core_parallel>, #tpu.dimension_semantics<subcore_parallel>], iteration_bounds = array<i64: 2, 16>, scalar_prefetch = 0 : i64, scratch_operands = 3 : i64, tpu.core_type = #tpu.core_type<sc_vector_subcore>, window_params = [{transform_indices = #map}, {transform_indices = #map}, {transform_indices = #map1}, {transform_indices = #map1}, {transform_indices = #map}, {transform_indices = #map}]} {
    %mul3A = arith.constant 2 : i32
    %mul3A_0 = arith.muli %arg1, %mul3A : i32
    %add3A = arith.addi %mul3A_0, %arg0 : i32
    %mul3A_1 = arith.constant 128 : i32
    %mul3A_2 = arith.muli %add3A, %mul3A_1 : i32
    "tpu.region"() ({
      %run_scoped3A = tpu.sem_alloc : memref<!tpu.dma_semaphore, #tpu.memory_space<semaphore_mem>>
      %dma_start3A_13 = tpu.memref_slice %arg4[%mul3A_2] : memref<4096xi32, #tpu.memory_space<hbm>> -> memref<128xi32, #tpu.memory_space<hbm>>
      %dma_start3A_14 = tpu.memref_slice %arg4[%mul3A_2] : memref<4096xi32, #tpu.memory_space<hbm>> -> memref<128xi32, #tpu.memory_space<hbm>>
      tpu.enqueue_dma source(%dma_start3A_14 : memref<128xi32, #tpu.memory_space<hbm>>) target(%arg8 : memref<128xi32, #tpu.memory_space<vmem>>) target_semaphore(%run_scoped3A : memref<!tpu.dma_semaphore, #tpu.memory_space<semaphore_mem>>)
      %dma_wait3A_15 = tpu.memref_slice %arg4[%mul3A_2] : memref<4096xi32, #tpu.memory_space<hbm>> -> memref<128xi32, #tpu.memory_space<hbm>>
      %dma_wait3A_16 = tpu.memref_slice %arg4[%mul3A_2] : memref<4096xi32, #tpu.memory_space<hbm>> -> memref<128xi32, #tpu.memory_space<hbm>>
      tpu.wait_dma2 semaphore(%run_scoped3A : memref<!tpu.dma_semaphore, #tpu.memory_space<semaphore_mem>>) src(%dma_wait3A_16 : memref<128xi32, #tpu.memory_space<hbm>>) dst(%arg8 : memref<128xi32, #tpu.memory_space<vmem>>)
      tpu.yield
    }) : () -> ()
    %dma_start3A = arith.constant 0 : i32
    %dma_start3A_3 = arith.constant 0 : i32
    %dma_start3A_4 = tpu.memref_slice %arg2[%dma_start3A, %dma_start3A_3] : memref<1000x512xf32, #tpu.memory_space<hbm>> -> memref<1000x512xf32, #tpu.memory_space<hbm>>
    tpu.enqueue_indirect_dma source(%dma_start3A_4 : memref<1000x512xf32, #tpu.memory_space<hbm>>) target(%arg9 : memref<128x512xf32, #tpu.memory_space<vmem>>) offsets(%arg8 : memref<128xi32, #tpu.memory_space<vmem>>) semaphore(%arg10 : memref<!tpu.dma_semaphore, #tpu.memory_space<semaphore_mem>>)
    %dma_wait3A = arith.constant 0 : i32
    %dma_wait3A_5 = arith.constant 0 : i32
    %dma_wait3A_6 = tpu.memref_slice %arg2[%dma_wait3A, %dma_wait3A_5] : memref<1000x512xf32, #tpu.memory_space<hbm>> -> memref<1000x512xf32, #tpu.memory_space<hbm>>
    tpu.wait_indirect_dma semaphore(%arg10 : memref<!tpu.dma_semaphore, #tpu.memory_space<semaphore_mem>>) src(%dma_wait3A_6 : memref<1000x512xf32, #tpu.memory_space<hbm>>) dst(%arg9 : memref<128x512xf32, #tpu.memory_space<vmem>>)
    "tpu.region"() ({
      %run_scoped3A = tpu.sem_alloc : memref<!tpu.dma_semaphore, #tpu.memory_space<semaphore_mem>>
      %dma_start3A_13 = arith.constant 0 : i32
      %dma_start3A_14 = tpu.memref_slice %arg6[%mul3A_2, %dma_start3A_13] : memref<4096x512xf32, #tpu.memory_space<hbm>> -> memref<128x512xf32, #tpu.memory_space<hbm>>
      %dma_start3A_15 = arith.constant 0 : i32
      %dma_start3A_16 = tpu.memref_slice %arg6[%mul3A_2, %dma_start3A_15] : memref<4096x512xf32, #tpu.memory_space<hbm>> -> memref<128x512xf32, #tpu.memory_space<hbm>>
      tpu.enqueue_dma source(%arg9 : memref<128x512xf32, #tpu.memory_space<vmem>>) target(%dma_start3A_16 : memref<128x512xf32, #tpu.memory_space<hbm>>) target_semaphore(%run_scoped3A : memref<!tpu.dma_semaphore, #tpu.memory_space<semaphore_mem>>)
      %dma_wait3A_17 = arith.constant 0 : i32
      %dma_wait3A_18 = tpu.memref_slice %arg6[%mul3A_2, %dma_wait3A_17] : memref<4096x512xf32, #tpu.memory_space<hbm>> -> memref<128x512xf32, #tpu.memory_space<hbm>>
      %dma_wait3A_19 = arith.constant 0 : i32
      %dma_wait3A_20 = tpu.memref_slice %arg6[%mul3A_2, %dma_wait3A_19] : memref<4096x512xf32, #tpu.memory_space<hbm>> -> memref<128x512xf32, #tpu.memory_space<hbm>>
      tpu.wait_dma2 semaphore(%run_scoped3A : memref<!tpu.dma_semaphore, #tpu.memory_space<semaphore_mem>>) src(%arg9 : memref<128x512xf32, #tpu.memory_space<vmem>>) dst(%dma_wait3A_20 : memref<128x512xf32, #tpu.memory_space<hbm>>)
      tpu.yield
    }) : () -> ()
    "tpu.region"() ({
      %run_scoped3A = tpu.sem_alloc : memref<!tpu.dma_semaphore, #tpu.memory_space<semaphore_mem>>
      %dma_start3A_13 = tpu.memref_slice %arg5[%mul3A_2] : memref<4096xi32, #tpu.memory_space<hbm>> -> memref<128xi32, #tpu.memory_space<hbm>>
      %dma_start3A_14 = tpu.memref_slice %arg5[%mul3A_2] : memref<4096xi32, #tpu.memory_space<hbm>> -> memref<128xi32, #tpu.memory_space<hbm>>
      tpu.enqueue_dma source(%dma_start3A_14 : memref<128xi32, #tpu.memory_space<hbm>>) target(%arg8 : memref<128xi32, #tpu.memory_space<vmem>>) target_semaphore(%run_scoped3A : memref<!tpu.dma_semaphore, #tpu.memory_space<semaphore_mem>>)
      %dma_wait3A_15 = tpu.memref_slice %arg5[%mul3A_2] : memref<4096xi32, #tpu.memory_space<hbm>> -> memref<128xi32, #tpu.memory_space<hbm>>
      %dma_wait3A_16 = tpu.memref_slice %arg5[%mul3A_2] : memref<4096xi32, #tpu.memory_space<hbm>> -> memref<128xi32, #tpu.memory_space<hbm>>
      tpu.wait_dma2 semaphore(%run_scoped3A : memref<!tpu.dma_semaphore, #tpu.memory_space<semaphore_mem>>) src(%dma_wait3A_16 : memref<128xi32, #tpu.memory_space<hbm>>) dst(%arg8 : memref<128xi32, #tpu.memory_space<vmem>>)
      tpu.yield
    }) : () -> ()
    %dma_start3A_7 = arith.constant 0 : i32
    %dma_start3A_8 = arith.constant 0 : i32
    %dma_start3A_9 = tpu.memref_slice %arg3[%dma_start3A_7, %dma_start3A_8] : memref<1000x512xf32, #tpu.memory_space<hbm>> -> memref<1000x512xf32, #tpu.memory_space<hbm>>
    tpu.enqueue_indirect_dma source(%dma_start3A_9 : memref<1000x512xf32, #tpu.memory_space<hbm>>) target(%arg9 : memref<128x512xf32, #tpu.memory_space<vmem>>) offsets(%arg8 : memref<128xi32, #tpu.memory_space<vmem>>) semaphore(%arg10 : memref<!tpu.dma_semaphore, #tpu.memory_space<semaphore_mem>>)
    %dma_wait3A_10 = arith.constant 0 : i32
    %dma_wait3A_11 = arith.constant 0 : i32
    %dma_wait3A_12 = tpu.memref_slice %arg3[%dma_wait3A_10, %dma_wait3A_11] : memref<1000x512xf32, #tpu.memory_space<hbm>> -> memref<1000x512xf32, #tpu.memory_space<hbm>>
    tpu.wait_indirect_dma semaphore(%arg10 : memref<!tpu.dma_semaphore, #tpu.memory_space<semaphore_mem>>) src(%dma_wait3A_12 : memref<1000x512xf32, #tpu.memory_space<hbm>>) dst(%arg9 : memref<128x512xf32, #tpu.memory_space<vmem>>)
    "tpu.region"() ({
      %run_scoped3A = tpu.sem_alloc : memref<!tpu.dma_semaphore, #tpu.memory_space<semaphore_mem>>
      %dma_start3A_13 = arith.constant 0 : i32
      %dma_start3A_14 = tpu.memref_slice %arg7[%mul3A_2, %dma_start3A_13] : memref<4096x512xf32, #tpu.memory_space<hbm>> -> memref<128x512xf32, #tpu.memory_space<hbm>>
      %dma_start3A_15 = arith.constant 0 : i32
      %dma_start3A_16 = tpu.memref_slice %arg7[%mul3A_2, %dma_start3A_15] : memref<4096x512xf32, #tpu.memory_space<hbm>> -> memref<128x512xf32, #tpu.memory_space<hbm>>
      tpu.enqueue_dma source(%arg9 : memref<128x512xf32, #tpu.memory_space<vmem>>) target(%dma_start3A_16 : memref<128x512xf32, #tpu.memory_space<hbm>>) target_semaphore(%run_scoped3A : memref<!tpu.dma_semaphore, #tpu.memory_space<semaphore_mem>>)
      %dma_wait3A_17 = arith.constant 0 : i32
      %dma_wait3A_18 = tpu.memref_slice %arg7[%mul3A_2, %dma_wait3A_17] : memref<4096x512xf32, #tpu.memory_space<hbm>> -> memref<128x512xf32, #tpu.memory_space<hbm>>
      %dma_wait3A_19 = arith.constant 0 : i32
      %dma_wait3A_20 = tpu.memref_slice %arg7[%mul3A_2, %dma_wait3A_19] : memref<4096x512xf32, #tpu.memory_space<hbm>> -> memref<128x512xf32, #tpu.memory_space<hbm>>
      tpu.wait_dma2 semaphore(%run_scoped3A : memref<!tpu.dma_semaphore, #tpu.memory_space<semaphore_mem>>) src(%arg9 : memref<128x512xf32, #tpu.memory_space<vmem>>) dst(%dma_wait3A_20 : memref<128x512xf32, #tpu.memory_space<hbm>>)
      tpu.yield
    }) : () -> ()
    return
  }
}

module attributes {stable_mosaic.version = 14 : i64} {
  func.func @_tc_body(%arg0: i32, %arg1: memref<77xi32, #tpu.memory_space<smem>>, %arg2: memref<49408x512xf32, #tpu.memory_space<any>>, %arg3: memref<77x512xf32, #tpu.memory_space<vmem>>, %arg4: memref<4x512xf32, #tpu.memory_space<vmem>>, %arg5: memref<3x512xf32, #tpu.memory_space<vmem>>, %arg6: memref<64x512xf32, #tpu.memory_space<vmem>>, %arg7: memref<64x512xf32, #tpu.memory_space<vmem>>, %arg8: memref<4096x77x512xf32, #tpu.memory_space<any>>, %arg9: memref<77x512xf32, #tpu.memory_space<vmem>>, %arg10: memref<64x77x512xf32, #tpu.memory_space<vmem>>, %arg11: memref<64x77x512xf32, #tpu.memory_space<vmem>>, %arg12: memref<!tpu.dma_semaphore, #tpu.memory_space<semaphore_mem>>, %arg13: memref<!tpu.dma_semaphore, #tpu.memory_space<semaphore_mem>>, %arg14: memref<!tpu.dma_semaphore, #tpu.memory_space<semaphore_mem>>) attributes {dimension_semantics = [#tpu.dimension_semantics<arbitrary>], iteration_bounds = array<i64: 64>, scalar_prefetch = 1 : i64, scratch_operands = 6 : i64, tpu.core_type = #tpu.core_type<tc>, window_params = [{}, {pipeline_mode = #tpu.pipeline_mode<synchronous>, transform_indices = @transform_1, window_bounds = array<i64: 77, 512>}, {pipeline_mode = #tpu.pipeline_mode<synchronous>, transform_indices = @transform_2, window_bounds = array<i64: 4, 512>}, {pipeline_mode = #tpu.pipeline_mode<synchronous>, transform_indices = @transform_3, window_bounds = array<i64: 3, 512>}, {transform_indices = @transform_4, window_bounds = array<i64: 64, 512>}, {transform_indices = @transform_5, window_bounds = array<i64: 64, 512>}, {}]} {
    %eq3A = arith.constant 0 : i32
    %eq3A_0 = arith.cmpi eq, %arg0, %eq3A : i32
    %convert_element_type3A = arith.extui %eq3A_0 : i1 to i32
    %cond3A = arith.constant 0 : i32
    %cond3A_1 = arith.cmpi ne, %convert_element_type3A, %cond3A : i32
    scf.if %cond3A_1 {
      %get3A_60 = arith.constant 0 : index
      %get3A_61 = memref.load %arg1[%get3A_60] : memref<77xi32, #tpu.memory_space<smem>>
      %dma_start3A = arith.constant 0 : i32
      %dma_start3A_62 = arith.constant 0 : i32
      %dma_start3A_63 = tpu.memref_slice %arg9[%dma_start3A, %dma_start3A_62] : memref<77x512xf32, #tpu.memory_space<vmem>> -> memref<1x512xf32, #tpu.memory_space<vmem>>
      %dma_start3A_64 = arith.constant 0 : i32
      %dma_start3A_65 = tpu.memref_slice %arg2[%get3A_61, %dma_start3A_64] : memref<49408x512xf32, #tpu.memory_space<any>> -> memref<1x512xf32, #tpu.memory_space<any>>
      tpu.enqueue_dma source(%dma_start3A_65 : memref<1x512xf32, #tpu.memory_space<any>>) target(%dma_start3A_63 : memref<1x512xf32, #tpu.memory_space<vmem>>) target_semaphore(%arg12 : memref<!tpu.dma_semaphore, #tpu.memory_space<semaphore_mem>>)
      %get3A_66 = arith.constant 1 : index
      %get3A_67 = memref.load %arg1[%get3A_66] : memref<77xi32, #tpu.memory_space<smem>>
      %dma_start3A_68 = arith.constant 1 : i32
      %dma_start3A_69 = arith.constant 0 : i32
      %dma_start3A_70 = tpu.memref_slice %arg9[%dma_start3A_68, %dma_start3A_69] : memref<77x512xf32, #tpu.memory_space<vmem>> -> memref<1x512xf32, #tpu.memory_space<vmem>>
      %dma_start3A_71 = arith.constant 0 : i32
      %dma_start3A_72 = tpu.memref_slice %arg2[%get3A_67, %dma_start3A_71] : memref<49408x512xf32, #tpu.memory_space<any>> -> memref<1x512xf32, #tpu.memory_space<any>>
      tpu.enqueue_dma source(%dma_start3A_72 : memref<1x512xf32, #tpu.memory_space<any>>) target(%dma_start3A_70 : memref<1x512xf32, #tpu.memory_space<vmem>>) target_semaphore(%arg12 : memref<!tpu.dma_semaphore, #tpu.memory_space<semaphore_mem>>)
      %get3A_73 = arith.constant 2 : index
      %get3A_74 = memref.load %arg1[%get3A_73] : memref<77xi32, #tpu.memory_space<smem>>
      %dma_start3A_75 = arith.constant 2 : i32
      %dma_start3A_76 = arith.constant 0 : i32
      %dma_start3A_77 = tpu.memref_slice %arg9[%dma_start3A_75, %dma_start3A_76] : memref<77x512xf32, #tpu.memory_space<vmem>> -> memref<1x512xf32, #tpu.memory_space<vmem>>
      %dma_start3A_78 = arith.constant 0 : i32
      %dma_start3A_79 = tpu.memref_slice %arg2[%get3A_74, %dma_start3A_78] : memref<49408x512xf32, #tpu.memory_space<any>> -> memref<1x512xf32, #tpu.memory_space<any>>
      tpu.enqueue_dma source(%dma_start3A_79 : memref<1x512xf32, #tpu.memory_space<any>>) target(%dma_start3A_77 : memref<1x512xf32, #tpu.memory_space<vmem>>) target_semaphore(%arg12 : memref<!tpu.dma_semaphore, #tpu.memory_space<semaphore_mem>>)
      %get3A_80 = arith.constant 3 : index
      %get3A_81 = memref.load %arg1[%get3A_80] : memref<77xi32, #tpu.memory_space<smem>>
      %dma_start3A_82 = arith.constant 3 : i32
      %dma_start3A_83 = arith.constant 0 : i32
      %dma_start3A_84 = tpu.memref_slice %arg9[%dma_start3A_82, %dma_start3A_83] : memref<77x512xf32, #tpu.memory_space<vmem>> -> memref<1x512xf32, #tpu.memory_space<vmem>>
      %dma_start3A_85 = arith.constant 0 : i32
      %dma_start3A_86 = tpu.memref_slice %arg2[%get3A_81, %dma_start3A_85] : memref<49408x512xf32, #tpu.memory_space<any>> -> memref<1x512xf32, #tpu.memory_space<any>>
      tpu.enqueue_dma source(%dma_start3A_86 : memref<1x512xf32, #tpu.memory_space<any>>) target(%dma_start3A_84 : memref<1x512xf32, #tpu.memory_space<vmem>>) target_semaphore(%arg12 : memref<!tpu.dma_semaphore, #tpu.memory_space<semaphore_mem>>)
      %get3A_87 = arith.constant 4 : index
      %get3A_88 = memref.load %arg1[%get3A_87] : memref<77xi32, #tpu.memory_space<smem>>
      %dma_start3A_89 = arith.constant 4 : i32
      %dma_start3A_90 = arith.constant 0 : i32
      %dma_start3A_91 = tpu.memref_slice %arg9[%dma_start3A_89, %dma_start3A_90] : memref<77x512xf32, #tpu.memory_space<vmem>> -> memref<1x512xf32, #tpu.memory_space<vmem>>
      %dma_start3A_92 = arith.constant 0 : i32
      %dma_start3A_93 = tpu.memref_slice %arg2[%get3A_88, %dma_start3A_92] : memref<49408x512xf32, #tpu.memory_space<any>> -> memref<1x512xf32, #tpu.memory_space<any>>
      tpu.enqueue_dma source(%dma_start3A_93 : memref<1x512xf32, #tpu.memory_space<any>>) target(%dma_start3A_91 : memref<1x512xf32, #tpu.memory_space<vmem>>) target_semaphore(%arg12 : memref<!tpu.dma_semaphore, #tpu.memory_space<semaphore_mem>>)
      %get3A_94 = arith.constant 5 : index
      %get3A_95 = memref.load %arg1[%get3A_94] : memref<77xi32, #tpu.memory_space<smem>>
      %dma_start3A_96 = arith.constant 5 : i32
      %dma_start3A_97 = arith.constant 0 : i32
      %dma_start3A_98 = tpu.memref_slice %arg9[%dma_start3A_96, %dma_start3A_97] : memref<77x512xf32, #tpu.memory_space<vmem>> -> memref<1x512xf32, #tpu.memory_space<vmem>>
      %dma_start3A_99 = arith.constant 0 : i32
      %dma_start3A_100 = tpu.memref_slice %arg2[%get3A_95, %dma_start3A_99] : memref<49408x512xf32, #tpu.memory_space<any>> -> memref<1x512xf32, #tpu.memory_space<any>>
      tpu.enqueue_dma source(%dma_start3A_100 : memref<1x512xf32, #tpu.memory_space<any>>) target(%dma_start3A_98 : memref<1x512xf32, #tpu.memory_space<vmem>>) target_semaphore(%arg12 : memref<!tpu.dma_semaphore, #tpu.memory_space<semaphore_mem>>)
      %get3A_101 = arith.constant 6 : index
      %get3A_102 = memref.load %arg1[%get3A_101] : memref<77xi32, #tpu.memory_space<smem>>
      %dma_start3A_103 = arith.constant 6 : i32
      %dma_start3A_104 = arith.constant 0 : i32
      %dma_start3A_105 = tpu.memref_slice %arg9[%dma_start3A_103, %dma_start3A_104] : memref<77x512xf32, #tpu.memory_space<vmem>> -> memref<1x512xf32, #tpu.memory_space<vmem>>
      %dma_start3A_106 = arith.constant 0 : i32
      %dma_start3A_107 = tpu.memref_slice %arg2[%get3A_102, %dma_start3A_106] : memref<49408x512xf32, #tpu.memory_space<any>> -> memref<1x512xf32, #tpu.memory_space<any>>
      tpu.enqueue_dma source(%dma_start3A_107 : memref<1x512xf32, #tpu.memory_space<any>>) target(%dma_start3A_105 : memref<1x512xf32, #tpu.memory_space<vmem>>) target_semaphore(%arg12 : memref<!tpu.dma_semaphore, #tpu.memory_space<semaphore_mem>>)
      %get3A_108 = arith.constant 7 : index
      %get3A_109 = memref.load %arg1[%get3A_108] : memref<77xi32, #tpu.memory_space<smem>>
      %dma_start3A_110 = arith.constant 7 : i32
      %dma_start3A_111 = arith.constant 0 : i32
      %dma_start3A_112 = tpu.memref_slice %arg9[%dma_start3A_110, %dma_start3A_111] : memref<77x512xf32, #tpu.memory_space<vmem>> -> memref<1x512xf32, #tpu.memory_space<vmem>>
      %dma_start3A_113 = arith.constant 0 : i32
      %dma_start3A_114 = tpu.memref_slice %arg2[%get3A_109, %dma_start3A_113] : memref<49408x512xf32, #tpu.memory_space<any>> -> memref<1x512xf32, #tpu.memory_space<any>>
      tpu.enqueue_dma source(%dma_start3A_114 : memref<1x512xf32, #tpu.memory_space<any>>) target(%dma_start3A_112 : memref<1x512xf32, #tpu.memory_space<vmem>>) target_semaphore(%arg12 : memref<!tpu.dma_semaphore, #tpu.memory_space<semaphore_mem>>)
      %get3A_115 = arith.constant 8 : index
      %get3A_116 = memref.load %arg1[%get3A_115] : memref<77xi32, #tpu.memory_space<smem>>
      %dma_start3A_117 = arith.constant 8 : i32
      %dma_start3A_118 = arith.constant 0 : i32
      %dma_start3A_119 = tpu.memref_slice %arg9[%dma_start3A_117, %dma_start3A_118] : memref<77x512xf32, #tpu.memory_space<vmem>> -> memref<1x512xf32, #tpu.memory_space<vmem>>
      %dma_start3A_120 = arith.constant 0 : i32
      %dma_start3A_121 = tpu.memref_slice %arg2[%get3A_116, %dma_start3A_120] : memref<49408x512xf32, #tpu.memory_space<any>> -> memref<1x512xf32, #tpu.memory_space<any>>
      tpu.enqueue_dma source(%dma_start3A_121 : memref<1x512xf32, #tpu.memory_space<any>>) target(%dma_start3A_119 : memref<1x512xf32, #tpu.memory_space<vmem>>) target_semaphore(%arg12 : memref<!tpu.dma_semaphore, #tpu.memory_space<semaphore_mem>>)
      %get3A_122 = arith.constant 9 : index
      %get3A_123 = memref.load %arg1[%get3A_122] : memref<77xi32, #tpu.memory_space<smem>>
      %dma_start3A_124 = arith.constant 9 : i32
      %dma_start3A_125 = arith.constant 0 : i32
      %dma_start3A_126 = tpu.memref_slice %arg9[%dma_start3A_124, %dma_start3A_125] : memref<77x512xf32, #tpu.memory_space<vmem>> -> memref<1x512xf32, #tpu.memory_space<vmem>>
      %dma_start3A_127 = arith.constant 0 : i32
      %dma_start3A_128 = tpu.memref_slice %arg2[%get3A_123, %dma_start3A_127] : memref<49408x512xf32, #tpu.memory_space<any>> -> memref<1x512xf32, #tpu.memory_space<any>>
      tpu.enqueue_dma source(%dma_start3A_128 : memref<1x512xf32, #tpu.memory_space<any>>) target(%dma_start3A_126 : memref<1x512xf32, #tpu.memory_space<vmem>>) target_semaphore(%arg12 : memref<!tpu.dma_semaphore, #tpu.memory_space<semaphore_mem>>)
      %get3A_129 = arith.constant 10 : index
      %get3A_130 = memref.load %arg1[%get3A_129] : memref<77xi32, #tpu.memory_space<smem>>
      %dma_start3A_131 = arith.constant 10 : i32
      %dma_start3A_132 = arith.constant 0 : i32
      %dma_start3A_133 = tpu.memref_slice %arg9[%dma_start3A_131, %dma_start3A_132] : memref<77x512xf32, #tpu.memory_space<vmem>> -> memref<1x512xf32, #tpu.memory_space<vmem>>
      %dma_start3A_134 = arith.constant 0 : i32
      %dma_start3A_135 = tpu.memref_slice %arg2[%get3A_130, %dma_start3A_134] : memref<49408x512xf32, #tpu.memory_space<any>> -> memref<1x512xf32, #tpu.memory_space<any>>
      tpu.enqueue_dma source(%dma_start3A_135 : memref<1x512xf32, #tpu.memory_space<any>>) target(%dma_start3A_133 : memref<1x512xf32, #tpu.memory_space<vmem>>) target_semaphore(%arg12 : memref<!tpu.dma_semaphore, #tpu.memory_space<semaphore_mem>>)
      %get3A_136 = arith.constant 11 : index
      %get3A_137 = memref.load %arg1[%get3A_136] : memref<77xi32, #tpu.memory_space<smem>>
      %dma_start3A_138 = arith.constant 11 : i32
      %dma_start3A_139 = arith.constant 0 : i32
      %dma_start3A_140 = tpu.memref_slice %arg9[%dma_start3A_138, %dma_start3A_139] : memref<77x512xf32, #tpu.memory_space<vmem>> -> memref<1x512xf32, #tpu.memory_space<vmem>>
      %dma_start3A_141 = arith.constant 0 : i32
      %dma_start3A_142 = tpu.memref_slice %arg2[%get3A_137, %dma_start3A_141] : memref<49408x512xf32, #tpu.memory_space<any>> -> memref<1x512xf32, #tpu.memory_space<any>>
      tpu.enqueue_dma source(%dma_start3A_142 : memref<1x512xf32, #tpu.memory_space<any>>) target(%dma_start3A_140 : memref<1x512xf32, #tpu.memory_space<vmem>>) target_semaphore(%arg12 : memref<!tpu.dma_semaphore, #tpu.memory_space<semaphore_mem>>)
      %get3A_143 = arith.constant 12 : index
      %get3A_144 = memref.load %arg1[%get3A_143] : memref<77xi32, #tpu.memory_space<smem>>
      %dma_start3A_145 = arith.constant 12 : i32
      %dma_start3A_146 = arith.constant 0 : i32
      %dma_start3A_147 = tpu.memref_slice %arg9[%dma_start3A_145, %dma_start3A_146] : memref<77x512xf32, #tpu.memory_space<vmem>> -> memref<1x512xf32, #tpu.memory_space<vmem>>
      %dma_start3A_148 = arith.constant 0 : i32
      %dma_start3A_149 = tpu.memref_slice %arg2[%get3A_144, %dma_start3A_148] : memref<49408x512xf32, #tpu.memory_space<any>> -> memref<1x512xf32, #tpu.memory_space<any>>
      tpu.enqueue_dma source(%dma_start3A_149 : memref<1x512xf32, #tpu.memory_space<any>>) target(%dma_start3A_147 : memref<1x512xf32, #tpu.memory_space<vmem>>) target_semaphore(%arg12 : memref<!tpu.dma_semaphore, #tpu.memory_space<semaphore_mem>>)
      %get3A_150 = arith.constant 13 : index
      %get3A_151 = memref.load %arg1[%get3A_150] : memref<77xi32, #tpu.memory_space<smem>>
      %dma_start3A_152 = arith.constant 13 : i32
      %dma_start3A_153 = arith.constant 0 : i32
      %dma_start3A_154 = tpu.memref_slice %arg9[%dma_start3A_152, %dma_start3A_153] : memref<77x512xf32, #tpu.memory_space<vmem>> -> memref<1x512xf32, #tpu.memory_space<vmem>>
      %dma_start3A_155 = arith.constant 0 : i32
      %dma_start3A_156 = tpu.memref_slice %arg2[%get3A_151, %dma_start3A_155] : memref<49408x512xf32, #tpu.memory_space<any>> -> memref<1x512xf32, #tpu.memory_space<any>>
      tpu.enqueue_dma source(%dma_start3A_156 : memref<1x512xf32, #tpu.memory_space<any>>) target(%dma_start3A_154 : memref<1x512xf32, #tpu.memory_space<vmem>>) target_semaphore(%arg12 : memref<!tpu.dma_semaphore, #tpu.memory_space<semaphore_mem>>)
      %get3A_157 = arith.constant 14 : index
      %get3A_158 = memref.load %arg1[%get3A_157] : memref<77xi32, #tpu.memory_space<smem>>
      %dma_start3A_159 = arith.constant 14 : i32
      %dma_start3A_160 = arith.constant 0 : i32
      %dma_start3A_161 = tpu.memref_slice %arg9[%dma_start3A_159, %dma_start3A_160] : memref<77x512xf32, #tpu.memory_space<vmem>> -> memref<1x512xf32, #tpu.memory_space<vmem>>
      %dma_start3A_162 = arith.constant 0 : i32
      %dma_start3A_163 = tpu.memref_slice %arg2[%get3A_158, %dma_start3A_162] : memref<49408x512xf32, #tpu.memory_space<any>> -> memref<1x512xf32, #tpu.memory_space<any>>
      tpu.enqueue_dma source(%dma_start3A_163 : memref<1x512xf32, #tpu.memory_space<any>>) target(%dma_start3A_161 : memref<1x512xf32, #tpu.memory_space<vmem>>) target_semaphore(%arg12 : memref<!tpu.dma_semaphore, #tpu.memory_space<semaphore_mem>>)
      %get3A_164 = arith.constant 15 : index
      %get3A_165 = memref.load %arg1[%get3A_164] : memref<77xi32, #tpu.memory_space<smem>>
      %dma_start3A_166 = arith.constant 15 : i32
      %dma_start3A_167 = arith.constant 0 : i32
      %dma_start3A_168 = tpu.memref_slice %arg9[%dma_start3A_166, %dma_start3A_167] : memref<77x512xf32, #tpu.memory_space<vmem>> -> memref<1x512xf32, #tpu.memory_space<vmem>>
      %dma_start3A_169 = arith.constant 0 : i32
      %dma_start3A_170 = tpu.memref_slice %arg2[%get3A_165, %dma_start3A_169] : memref<49408x512xf32, #tpu.memory_space<any>> -> memref<1x512xf32, #tpu.memory_space<any>>
      tpu.enqueue_dma source(%dma_start3A_170 : memref<1x512xf32, #tpu.memory_space<any>>) target(%dma_start3A_168 : memref<1x512xf32, #tpu.memory_space<vmem>>) target_semaphore(%arg12 : memref<!tpu.dma_semaphore, #tpu.memory_space<semaphore_mem>>)
      %get3A_171 = arith.constant 16 : index
      %get3A_172 = memref.load %arg1[%get3A_171] : memref<77xi32, #tpu.memory_space<smem>>
      %dma_start3A_173 = arith.constant 16 : i32
      %dma_start3A_174 = arith.constant 0 : i32
      %dma_start3A_175 = tpu.memref_slice %arg9[%dma_start3A_173, %dma_start3A_174] : memref<77x512xf32, #tpu.memory_space<vmem>> -> memref<1x512xf32, #tpu.memory_space<vmem>>
      %dma_start3A_176 = arith.constant 0 : i32
      %dma_start3A_177 = tpu.memref_slice %arg2[%get3A_172, %dma_start3A_176] : memref<49408x512xf32, #tpu.memory_space<any>> -> memref<1x512xf32, #tpu.memory_space<any>>
      tpu.enqueue_dma source(%dma_start3A_177 : memref<1x512xf32, #tpu.memory_space<any>>) target(%dma_start3A_175 : memref<1x512xf32, #tpu.memory_space<vmem>>) target_semaphore(%arg12 : memref<!tpu.dma_semaphore, #tpu.memory_space<semaphore_mem>>)
      %get3A_178 = arith.constant 17 : index
      %get3A_179 = memref.load %arg1[%get3A_178] : memref<77xi32, #tpu.memory_space<smem>>
      %dma_start3A_180 = arith.constant 17 : i32
      %dma_start3A_181 = arith.constant 0 : i32
      %dma_start3A_182 = tpu.memref_slice %arg9[%dma_start3A_180, %dma_start3A_181] : memref<77x512xf32, #tpu.memory_space<vmem>> -> memref<1x512xf32, #tpu.memory_space<vmem>>
      %dma_start3A_183 = arith.constant 0 : i32
      %dma_start3A_184 = tpu.memref_slice %arg2[%get3A_179, %dma_start3A_183] : memref<49408x512xf32, #tpu.memory_space<any>> -> memref<1x512xf32, #tpu.memory_space<any>>
      tpu.enqueue_dma source(%dma_start3A_184 : memref<1x512xf32, #tpu.memory_space<any>>) target(%dma_start3A_182 : memref<1x512xf32, #tpu.memory_space<vmem>>) target_semaphore(%arg12 : memref<!tpu.dma_semaphore, #tpu.memory_space<semaphore_mem>>)
      %get3A_185 = arith.constant 18 : index
      %get3A_186 = memref.load %arg1[%get3A_185] : memref<77xi32, #tpu.memory_space<smem>>
      %dma_start3A_187 = arith.constant 18 : i32
      %dma_start3A_188 = arith.constant 0 : i32
      %dma_start3A_189 = tpu.memref_slice %arg9[%dma_start3A_187, %dma_start3A_188] : memref<77x512xf32, #tpu.memory_space<vmem>> -> memref<1x512xf32, #tpu.memory_space<vmem>>
      %dma_start3A_190 = arith.constant 0 : i32
      %dma_start3A_191 = tpu.memref_slice %arg2[%get3A_186, %dma_start3A_190] : memref<49408x512xf32, #tpu.memory_space<any>> -> memref<1x512xf32, #tpu.memory_space<any>>
      tpu.enqueue_dma source(%dma_start3A_191 : memref<1x512xf32, #tpu.memory_space<any>>) target(%dma_start3A_189 : memref<1x512xf32, #tpu.memory_space<vmem>>) target_semaphore(%arg12 : memref<!tpu.dma_semaphore, #tpu.memory_space<semaphore_mem>>)
      %get3A_192 = arith.constant 19 : index
      %get3A_193 = memref.load %arg1[%get3A_192] : memref<77xi32, #tpu.memory_space<smem>>
      %dma_start3A_194 = arith.constant 19 : i32
      %dma_start3A_195 = arith.constant 0 : i32
      %dma_start3A_196 = tpu.memref_slice %arg9[%dma_start3A_194, %dma_start3A_195] : memref<77x512xf32, #tpu.memory_space<vmem>> -> memref<1x512xf32, #tpu.memory_space<vmem>>
      %dma_start3A_197 = arith.constant 0 : i32
      %dma_start3A_198 = tpu.memref_slice %arg2[%get3A_193, %dma_start3A_197] : memref<49408x512xf32, #tpu.memory_space<any>> -> memref<1x512xf32, #tpu.memory_space<any>>
      tpu.enqueue_dma source(%dma_start3A_198 : memref<1x512xf32, #tpu.memory_space<any>>) target(%dma_start3A_196 : memref<1x512xf32, #tpu.memory_space<vmem>>) target_semaphore(%arg12 : memref<!tpu.dma_semaphore, #tpu.memory_space<semaphore_mem>>)
      %get3A_199 = arith.constant 20 : index
      %get3A_200 = memref.load %arg1[%get3A_199] : memref<77xi32, #tpu.memory_space<smem>>
      %dma_start3A_201 = arith.constant 20 : i32
      %dma_start3A_202 = arith.constant 0 : i32
      %dma_start3A_203 = tpu.memref_slice %arg9[%dma_start3A_201, %dma_start3A_202] : memref<77x512xf32, #tpu.memory_space<vmem>> -> memref<1x512xf32, #tpu.memory_space<vmem>>
      %dma_start3A_204 = arith.constant 0 : i32
      %dma_start3A_205 = tpu.memref_slice %arg2[%get3A_200, %dma_start3A_204] : memref<49408x512xf32, #tpu.memory_space<any>> -> memref<1x512xf32, #tpu.memory_space<any>>
      tpu.enqueue_dma source(%dma_start3A_205 : memref<1x512xf32, #tpu.memory_space<any>>) target(%dma_start3A_203 : memref<1x512xf32, #tpu.memory_space<vmem>>) target_semaphore(%arg12 : memref<!tpu.dma_semaphore, #tpu.memory_space<semaphore_mem>>)
      %get3A_206 = arith.constant 21 : index
      %get3A_207 = memref.load %arg1[%get3A_206] : memref<77xi32, #tpu.memory_space<smem>>
      %dma_start3A_208 = arith.constant 21 : i32
      %dma_start3A_209 = arith.constant 0 : i32
      %dma_start3A_210 = tpu.memref_slice %arg9[%dma_start3A_208, %dma_start3A_209] : memref<77x512xf32, #tpu.memory_space<vmem>> -> memref<1x512xf32, #tpu.memory_space<vmem>>
      %dma_start3A_211 = arith.constant 0 : i32
      %dma_start3A_212 = tpu.memref_slice %arg2[%get3A_207, %dma_start3A_211] : memref<49408x512xf32, #tpu.memory_space<any>> -> memref<1x512xf32, #tpu.memory_space<any>>
      tpu.enqueue_dma source(%dma_start3A_212 : memref<1x512xf32, #tpu.memory_space<any>>) target(%dma_start3A_210 : memref<1x512xf32, #tpu.memory_space<vmem>>) target_semaphore(%arg12 : memref<!tpu.dma_semaphore, #tpu.memory_space<semaphore_mem>>)
      %get3A_213 = arith.constant 22 : index
      %get3A_214 = memref.load %arg1[%get3A_213] : memref<77xi32, #tpu.memory_space<smem>>
      %dma_start3A_215 = arith.constant 22 : i32
      %dma_start3A_216 = arith.constant 0 : i32
      %dma_start3A_217 = tpu.memref_slice %arg9[%dma_start3A_215, %dma_start3A_216] : memref<77x512xf32, #tpu.memory_space<vmem>> -> memref<1x512xf32, #tpu.memory_space<vmem>>
      %dma_start3A_218 = arith.constant 0 : i32
      %dma_start3A_219 = tpu.memref_slice %arg2[%get3A_214, %dma_start3A_218] : memref<49408x512xf32, #tpu.memory_space<any>> -> memref<1x512xf32, #tpu.memory_space<any>>
      tpu.enqueue_dma source(%dma_start3A_219 : memref<1x512xf32, #tpu.memory_space<any>>) target(%dma_start3A_217 : memref<1x512xf32, #tpu.memory_space<vmem>>) target_semaphore(%arg12 : memref<!tpu.dma_semaphore, #tpu.memory_space<semaphore_mem>>)
      %get3A_220 = arith.constant 23 : index
      %get3A_221 = memref.load %arg1[%get3A_220] : memref<77xi32, #tpu.memory_space<smem>>
      %dma_start3A_222 = arith.constant 23 : i32
      %dma_start3A_223 = arith.constant 0 : i32
      %dma_start3A_224 = tpu.memref_slice %arg9[%dma_start3A_222, %dma_start3A_223] : memref<77x512xf32, #tpu.memory_space<vmem>> -> memref<1x512xf32, #tpu.memory_space<vmem>>
      %dma_start3A_225 = arith.constant 0 : i32
      %dma_start3A_226 = tpu.memref_slice %arg2[%get3A_221, %dma_start3A_225] : memref<49408x512xf32, #tpu.memory_space<any>> -> memref<1x512xf32, #tpu.memory_space<any>>
      tpu.enqueue_dma source(%dma_start3A_226 : memref<1x512xf32, #tpu.memory_space<any>>) target(%dma_start3A_224 : memref<1x512xf32, #tpu.memory_space<vmem>>) target_semaphore(%arg12 : memref<!tpu.dma_semaphore, #tpu.memory_space<semaphore_mem>>)
      %get3A_227 = arith.constant 24 : index
      %get3A_228 = memref.load %arg1[%get3A_227] : memref<77xi32, #tpu.memory_space<smem>>
      %dma_start3A_229 = arith.constant 24 : i32
      %dma_start3A_230 = arith.constant 0 : i32
      %dma_start3A_231 = tpu.memref_slice %arg9[%dma_start3A_229, %dma_start3A_230] : memref<77x512xf32, #tpu.memory_space<vmem>> -> memref<1x512xf32, #tpu.memory_space<vmem>>
      %dma_start3A_232 = arith.constant 0 : i32
      %dma_start3A_233 = tpu.memref_slice %arg2[%get3A_228, %dma_start3A_232] : memref<49408x512xf32, #tpu.memory_space<any>> -> memref<1x512xf32, #tpu.memory_space<any>>
      tpu.enqueue_dma source(%dma_start3A_233 : memref<1x512xf32, #tpu.memory_space<any>>) target(%dma_start3A_231 : memref<1x512xf32, #tpu.memory_space<vmem>>) target_semaphore(%arg12 : memref<!tpu.dma_semaphore, #tpu.memory_space<semaphore_mem>>)
      %get3A_234 = arith.constant 25 : index
      %get3A_235 = memref.load %arg1[%get3A_234] : memref<77xi32, #tpu.memory_space<smem>>
      %dma_start3A_236 = arith.constant 25 : i32
      %dma_start3A_237 = arith.constant 0 : i32
      %dma_start3A_238 = tpu.memref_slice %arg9[%dma_start3A_236, %dma_start3A_237] : memref<77x512xf32, #tpu.memory_space<vmem>> -> memref<1x512xf32, #tpu.memory_space<vmem>>
      %dma_start3A_239 = arith.constant 0 : i32
      %dma_start3A_240 = tpu.memref_slice %arg2[%get3A_235, %dma_start3A_239] : memref<49408x512xf32, #tpu.memory_space<any>> -> memref<1x512xf32, #tpu.memory_space<any>>
      tpu.enqueue_dma source(%dma_start3A_240 : memref<1x512xf32, #tpu.memory_space<any>>) target(%dma_start3A_238 : memref<1x512xf32, #tpu.memory_space<vmem>>) target_semaphore(%arg12 : memref<!tpu.dma_semaphore, #tpu.memory_space<semaphore_mem>>)
      %get3A_241 = arith.constant 26 : index
      %get3A_242 = memref.load %arg1[%get3A_241] : memref<77xi32, #tpu.memory_space<smem>>
      %dma_start3A_243 = arith.constant 26 : i32
      %dma_start3A_244 = arith.constant 0 : i32
      %dma_start3A_245 = tpu.memref_slice %arg9[%dma_start3A_243, %dma_start3A_244] : memref<77x512xf32, #tpu.memory_space<vmem>> -> memref<1x512xf32, #tpu.memory_space<vmem>>
      %dma_start3A_246 = arith.constant 0 : i32
      %dma_start3A_247 = tpu.memref_slice %arg2[%get3A_242, %dma_start3A_246] : memref<49408x512xf32, #tpu.memory_space<any>> -> memref<1x512xf32, #tpu.memory_space<any>>
      tpu.enqueue_dma source(%dma_start3A_247 : memref<1x512xf32, #tpu.memory_space<any>>) target(%dma_start3A_245 : memref<1x512xf32, #tpu.memory_space<vmem>>) target_semaphore(%arg12 : memref<!tpu.dma_semaphore, #tpu.memory_space<semaphore_mem>>)
      %get3A_248 = arith.constant 27 : index
      %get3A_249 = memref.load %arg1[%get3A_248] : memref<77xi32, #tpu.memory_space<smem>>
      %dma_start3A_250 = arith.constant 27 : i32
      %dma_start3A_251 = arith.constant 0 : i32
      %dma_start3A_252 = tpu.memref_slice %arg9[%dma_start3A_250, %dma_start3A_251] : memref<77x512xf32, #tpu.memory_space<vmem>> -> memref<1x512xf32, #tpu.memory_space<vmem>>
      %dma_start3A_253 = arith.constant 0 : i32
      %dma_start3A_254 = tpu.memref_slice %arg2[%get3A_249, %dma_start3A_253] : memref<49408x512xf32, #tpu.memory_space<any>> -> memref<1x512xf32, #tpu.memory_space<any>>
      tpu.enqueue_dma source(%dma_start3A_254 : memref<1x512xf32, #tpu.memory_space<any>>) target(%dma_start3A_252 : memref<1x512xf32, #tpu.memory_space<vmem>>) target_semaphore(%arg12 : memref<!tpu.dma_semaphore, #tpu.memory_space<semaphore_mem>>)
      %get3A_255 = arith.constant 28 : index
      %get3A_256 = memref.load %arg1[%get3A_255] : memref<77xi32, #tpu.memory_space<smem>>
      %dma_start3A_257 = arith.constant 28 : i32
      %dma_start3A_258 = arith.constant 0 : i32
      %dma_start3A_259 = tpu.memref_slice %arg9[%dma_start3A_257, %dma_start3A_258] : memref<77x512xf32, #tpu.memory_space<vmem>> -> memref<1x512xf32, #tpu.memory_space<vmem>>
      %dma_start3A_260 = arith.constant 0 : i32
      %dma_start3A_261 = tpu.memref_slice %arg2[%get3A_256, %dma_start3A_260] : memref<49408x512xf32, #tpu.memory_space<any>> -> memref<1x512xf32, #tpu.memory_space<any>>
      tpu.enqueue_dma source(%dma_start3A_261 : memref<1x512xf32, #tpu.memory_space<any>>) target(%dma_start3A_259 : memref<1x512xf32, #tpu.memory_space<vmem>>) target_semaphore(%arg12 : memref<!tpu.dma_semaphore, #tpu.memory_space<semaphore_mem>>)
      %get3A_262 = arith.constant 29 : index
      %get3A_263 = memref.load %arg1[%get3A_262] : memref<77xi32, #tpu.memory_space<smem>>
      %dma_start3A_264 = arith.constant 29 : i32
      %dma_start3A_265 = arith.constant 0 : i32
      %dma_start3A_266 = tpu.memref_slice %arg9[%dma_start3A_264, %dma_start3A_265] : memref<77x512xf32, #tpu.memory_space<vmem>> -> memref<1x512xf32, #tpu.memory_space<vmem>>
      %dma_start3A_267 = arith.constant 0 : i32
      %dma_start3A_268 = tpu.memref_slice %arg2[%get3A_263, %dma_start3A_267] : memref<49408x512xf32, #tpu.memory_space<any>> -> memref<1x512xf32, #tpu.memory_space<any>>
      tpu.enqueue_dma source(%dma_start3A_268 : memref<1x512xf32, #tpu.memory_space<any>>) target(%dma_start3A_266 : memref<1x512xf32, #tpu.memory_space<vmem>>) target_semaphore(%arg12 : memref<!tpu.dma_semaphore, #tpu.memory_space<semaphore_mem>>)
      %get3A_269 = arith.constant 30 : index
      %get3A_270 = memref.load %arg1[%get3A_269] : memref<77xi32, #tpu.memory_space<smem>>
      %dma_start3A_271 = arith.constant 30 : i32
      %dma_start3A_272 = arith.constant 0 : i32
      %dma_start3A_273 = tpu.memref_slice %arg9[%dma_start3A_271, %dma_start3A_272] : memref<77x512xf32, #tpu.memory_space<vmem>> -> memref<1x512xf32, #tpu.memory_space<vmem>>
      %dma_start3A_274 = arith.constant 0 : i32
      %dma_start3A_275 = tpu.memref_slice %arg2[%get3A_270, %dma_start3A_274] : memref<49408x512xf32, #tpu.memory_space<any>> -> memref<1x512xf32, #tpu.memory_space<any>>
      tpu.enqueue_dma source(%dma_start3A_275 : memref<1x512xf32, #tpu.memory_space<any>>) target(%dma_start3A_273 : memref<1x512xf32, #tpu.memory_space<vmem>>) target_semaphore(%arg12 : memref<!tpu.dma_semaphore, #tpu.memory_space<semaphore_mem>>)
      %get3A_276 = arith.constant 31 : index
      %get3A_277 = memref.load %arg1[%get3A_276] : memref<77xi32, #tpu.memory_space<smem>>
      %dma_start3A_278 = arith.constant 31 : i32
      %dma_start3A_279 = arith.constant 0 : i32
      %dma_start3A_280 = tpu.memref_slice %arg9[%dma_start3A_278, %dma_start3A_279] : memref<77x512xf32, #tpu.memory_space<vmem>> -> memref<1x512xf32, #tpu.memory_space<vmem>>
      %dma_start3A_281 = arith.constant 0 : i32
      %dma_start3A_282 = tpu.memref_slice %arg2[%get3A_277, %dma_start3A_281] : memref<49408x512xf32, #tpu.memory_space<any>> -> memref<1x512xf32, #tpu.memory_space<any>>
      tpu.enqueue_dma source(%dma_start3A_282 : memref<1x512xf32, #tpu.memory_space<any>>) target(%dma_start3A_280 : memref<1x512xf32, #tpu.memory_space<vmem>>) target_semaphore(%arg12 : memref<!tpu.dma_semaphore, #tpu.memory_space<semaphore_mem>>)
      %get3A_283 = arith.constant 32 : index
      %get3A_284 = memref.load %arg1[%get3A_283] : memref<77xi32, #tpu.memory_space<smem>>
      %dma_start3A_285 = arith.constant 32 : i32
      %dma_start3A_286 = arith.constant 0 : i32
      %dma_start3A_287 = tpu.memref_slice %arg9[%dma_start3A_285, %dma_start3A_286] : memref<77x512xf32, #tpu.memory_space<vmem>> -> memref<1x512xf32, #tpu.memory_space<vmem>>
      %dma_start3A_288 = arith.constant 0 : i32
      %dma_start3A_289 = tpu.memref_slice %arg2[%get3A_284, %dma_start3A_288] : memref<49408x512xf32, #tpu.memory_space<any>> -> memref<1x512xf32, #tpu.memory_space<any>>
      tpu.enqueue_dma source(%dma_start3A_289 : memref<1x512xf32, #tpu.memory_space<any>>) target(%dma_start3A_287 : memref<1x512xf32, #tpu.memory_space<vmem>>) target_semaphore(%arg12 : memref<!tpu.dma_semaphore, #tpu.memory_space<semaphore_mem>>)
      %get3A_290 = arith.constant 33 : index
      %get3A_291 = memref.load %arg1[%get3A_290] : memref<77xi32, #tpu.memory_space<smem>>
      %dma_start3A_292 = arith.constant 33 : i32
      %dma_start3A_293 = arith.constant 0 : i32
      %dma_start3A_294 = tpu.memref_slice %arg9[%dma_start3A_292, %dma_start3A_293] : memref<77x512xf32, #tpu.memory_space<vmem>> -> memref<1x512xf32, #tpu.memory_space<vmem>>
      %dma_start3A_295 = arith.constant 0 : i32
      %dma_start3A_296 = tpu.memref_slice %arg2[%get3A_291, %dma_start3A_295] : memref<49408x512xf32, #tpu.memory_space<any>> -> memref<1x512xf32, #tpu.memory_space<any>>
      tpu.enqueue_dma source(%dma_start3A_296 : memref<1x512xf32, #tpu.memory_space<any>>) target(%dma_start3A_294 : memref<1x512xf32, #tpu.memory_space<vmem>>) target_semaphore(%arg12 : memref<!tpu.dma_semaphore, #tpu.memory_space<semaphore_mem>>)
      %get3A_297 = arith.constant 34 : index
      %get3A_298 = memref.load %arg1[%get3A_297] : memref<77xi32, #tpu.memory_space<smem>>
      %dma_start3A_299 = arith.constant 34 : i32
      %dma_start3A_300 = arith.constant 0 : i32
      %dma_start3A_301 = tpu.memref_slice %arg9[%dma_start3A_299, %dma_start3A_300] : memref<77x512xf32, #tpu.memory_space<vmem>> -> memref<1x512xf32, #tpu.memory_space<vmem>>
      %dma_start3A_302 = arith.constant 0 : i32
      %dma_start3A_303 = tpu.memref_slice %arg2[%get3A_298, %dma_start3A_302] : memref<49408x512xf32, #tpu.memory_space<any>> -> memref<1x512xf32, #tpu.memory_space<any>>
      tpu.enqueue_dma source(%dma_start3A_303 : memref<1x512xf32, #tpu.memory_space<any>>) target(%dma_start3A_301 : memref<1x512xf32, #tpu.memory_space<vmem>>) target_semaphore(%arg12 : memref<!tpu.dma_semaphore, #tpu.memory_space<semaphore_mem>>)
      %get3A_304 = arith.constant 35 : index
      %get3A_305 = memref.load %arg1[%get3A_304] : memref<77xi32, #tpu.memory_space<smem>>
      %dma_start3A_306 = arith.constant 35 : i32
      %dma_start3A_307 = arith.constant 0 : i32
      %dma_start3A_308 = tpu.memref_slice %arg9[%dma_start3A_306, %dma_start3A_307] : memref<77x512xf32, #tpu.memory_space<vmem>> -> memref<1x512xf32, #tpu.memory_space<vmem>>
      %dma_start3A_309 = arith.constant 0 : i32
      %dma_start3A_310 = tpu.memref_slice %arg2[%get3A_305, %dma_start3A_309] : memref<49408x512xf32, #tpu.memory_space<any>> -> memref<1x512xf32, #tpu.memory_space<any>>
      tpu.enqueue_dma source(%dma_start3A_310 : memref<1x512xf32, #tpu.memory_space<any>>) target(%dma_start3A_308 : memref<1x512xf32, #tpu.memory_space<vmem>>) target_semaphore(%arg12 : memref<!tpu.dma_semaphore, #tpu.memory_space<semaphore_mem>>)
      %get3A_311 = arith.constant 36 : index
      %get3A_312 = memref.load %arg1[%get3A_311] : memref<77xi32, #tpu.memory_space<smem>>
      %dma_start3A_313 = arith.constant 36 : i32
      %dma_start3A_314 = arith.constant 0 : i32
      %dma_start3A_315 = tpu.memref_slice %arg9[%dma_start3A_313, %dma_start3A_314] : memref<77x512xf32, #tpu.memory_space<vmem>> -> memref<1x512xf32, #tpu.memory_space<vmem>>
      %dma_start3A_316 = arith.constant 0 : i32
      %dma_start3A_317 = tpu.memref_slice %arg2[%get3A_312, %dma_start3A_316] : memref<49408x512xf32, #tpu.memory_space<any>> -> memref<1x512xf32, #tpu.memory_space<any>>
      tpu.enqueue_dma source(%dma_start3A_317 : memref<1x512xf32, #tpu.memory_space<any>>) target(%dma_start3A_315 : memref<1x512xf32, #tpu.memory_space<vmem>>) target_semaphore(%arg12 : memref<!tpu.dma_semaphore, #tpu.memory_space<semaphore_mem>>)
      %get3A_318 = arith.constant 37 : index
      %get3A_319 = memref.load %arg1[%get3A_318] : memref<77xi32, #tpu.memory_space<smem>>
      %dma_start3A_320 = arith.constant 37 : i32
      %dma_start3A_321 = arith.constant 0 : i32
      %dma_start3A_322 = tpu.memref_slice %arg9[%dma_start3A_320, %dma_start3A_321] : memref<77x512xf32, #tpu.memory_space<vmem>> -> memref<1x512xf32, #tpu.memory_space<vmem>>
      %dma_start3A_323 = arith.constant 0 : i32
      %dma_start3A_324 = tpu.memref_slice %arg2[%get3A_319, %dma_start3A_323] : memref<49408x512xf32, #tpu.memory_space<any>> -> memref<1x512xf32, #tpu.memory_space<any>>
      tpu.enqueue_dma source(%dma_start3A_324 : memref<1x512xf32, #tpu.memory_space<any>>) target(%dma_start3A_322 : memref<1x512xf32, #tpu.memory_space<vmem>>) target_semaphore(%arg12 : memref<!tpu.dma_semaphore, #tpu.memory_space<semaphore_mem>>)
      %get3A_325 = arith.constant 38 : index
      %get3A_326 = memref.load %arg1[%get3A_325] : memref<77xi32, #tpu.memory_space<smem>>
      %dma_start3A_327 = arith.constant 38 : i32
      %dma_start3A_328 = arith.constant 0 : i32
      %dma_start3A_329 = tpu.memref_slice %arg9[%dma_start3A_327, %dma_start3A_328] : memref<77x512xf32, #tpu.memory_space<vmem>> -> memref<1x512xf32, #tpu.memory_space<vmem>>
      %dma_start3A_330 = arith.constant 0 : i32
      %dma_start3A_331 = tpu.memref_slice %arg2[%get3A_326, %dma_start3A_330] : memref<49408x512xf32, #tpu.memory_space<any>> -> memref<1x512xf32, #tpu.memory_space<any>>
      tpu.enqueue_dma source(%dma_start3A_331 : memref<1x512xf32, #tpu.memory_space<any>>) target(%dma_start3A_329 : memref<1x512xf32, #tpu.memory_space<vmem>>) target_semaphore(%arg12 : memref<!tpu.dma_semaphore, #tpu.memory_space<semaphore_mem>>)
      %get3A_332 = arith.constant 39 : index
      %get3A_333 = memref.load %arg1[%get3A_332] : memref<77xi32, #tpu.memory_space<smem>>
      %dma_start3A_334 = arith.constant 39 : i32
      %dma_start3A_335 = arith.constant 0 : i32
      %dma_start3A_336 = tpu.memref_slice %arg9[%dma_start3A_334, %dma_start3A_335] : memref<77x512xf32, #tpu.memory_space<vmem>> -> memref<1x512xf32, #tpu.memory_space<vmem>>
      %dma_start3A_337 = arith.constant 0 : i32
      %dma_start3A_338 = tpu.memref_slice %arg2[%get3A_333, %dma_start3A_337] : memref<49408x512xf32, #tpu.memory_space<any>> -> memref<1x512xf32, #tpu.memory_space<any>>
      tpu.enqueue_dma source(%dma_start3A_338 : memref<1x512xf32, #tpu.memory_space<any>>) target(%dma_start3A_336 : memref<1x512xf32, #tpu.memory_space<vmem>>) target_semaphore(%arg12 : memref<!tpu.dma_semaphore, #tpu.memory_space<semaphore_mem>>)
      %get3A_339 = arith.constant 40 : index
      %get3A_340 = memref.load %arg1[%get3A_339] : memref<77xi32, #tpu.memory_space<smem>>
      %dma_start3A_341 = arith.constant 40 : i32
      %dma_start3A_342 = arith.constant 0 : i32
      %dma_start3A_343 = tpu.memref_slice %arg9[%dma_start3A_341, %dma_start3A_342] : memref<77x512xf32, #tpu.memory_space<vmem>> -> memref<1x512xf32, #tpu.memory_space<vmem>>
      %dma_start3A_344 = arith.constant 0 : i32
      %dma_start3A_345 = tpu.memref_slice %arg2[%get3A_340, %dma_start3A_344] : memref<49408x512xf32, #tpu.memory_space<any>> -> memref<1x512xf32, #tpu.memory_space<any>>
      tpu.enqueue_dma source(%dma_start3A_345 : memref<1x512xf32, #tpu.memory_space<any>>) target(%dma_start3A_343 : memref<1x512xf32, #tpu.memory_space<vmem>>) target_semaphore(%arg12 : memref<!tpu.dma_semaphore, #tpu.memory_space<semaphore_mem>>)
      %get3A_346 = arith.constant 41 : index
      %get3A_347 = memref.load %arg1[%get3A_346] : memref<77xi32, #tpu.memory_space<smem>>
      %dma_start3A_348 = arith.constant 41 : i32
      %dma_start3A_349 = arith.constant 0 : i32
      %dma_start3A_350 = tpu.memref_slice %arg9[%dma_start3A_348, %dma_start3A_349] : memref<77x512xf32, #tpu.memory_space<vmem>> -> memref<1x512xf32, #tpu.memory_space<vmem>>
      %dma_start3A_351 = arith.constant 0 : i32
      %dma_start3A_352 = tpu.memref_slice %arg2[%get3A_347, %dma_start3A_351] : memref<49408x512xf32, #tpu.memory_space<any>> -> memref<1x512xf32, #tpu.memory_space<any>>
      tpu.enqueue_dma source(%dma_start3A_352 : memref<1x512xf32, #tpu.memory_space<any>>) target(%dma_start3A_350 : memref<1x512xf32, #tpu.memory_space<vmem>>) target_semaphore(%arg12 : memref<!tpu.dma_semaphore, #tpu.memory_space<semaphore_mem>>)
      %get3A_353 = arith.constant 42 : index
      %get3A_354 = memref.load %arg1[%get3A_353] : memref<77xi32, #tpu.memory_space<smem>>
      %dma_start3A_355 = arith.constant 42 : i32
      %dma_start3A_356 = arith.constant 0 : i32
      %dma_start3A_357 = tpu.memref_slice %arg9[%dma_start3A_355, %dma_start3A_356] : memref<77x512xf32, #tpu.memory_space<vmem>> -> memref<1x512xf32, #tpu.memory_space<vmem>>
      %dma_start3A_358 = arith.constant 0 : i32
      %dma_start3A_359 = tpu.memref_slice %arg2[%get3A_354, %dma_start3A_358] : memref<49408x512xf32, #tpu.memory_space<any>> -> memref<1x512xf32, #tpu.memory_space<any>>
      tpu.enqueue_dma source(%dma_start3A_359 : memref<1x512xf32, #tpu.memory_space<any>>) target(%dma_start3A_357 : memref<1x512xf32, #tpu.memory_space<vmem>>) target_semaphore(%arg12 : memref<!tpu.dma_semaphore, #tpu.memory_space<semaphore_mem>>)
      %get3A_360 = arith.constant 43 : index
      %get3A_361 = memref.load %arg1[%get3A_360] : memref<77xi32, #tpu.memory_space<smem>>
      %dma_start3A_362 = arith.constant 43 : i32
      %dma_start3A_363 = arith.constant 0 : i32
      %dma_start3A_364 = tpu.memref_slice %arg9[%dma_start3A_362, %dma_start3A_363] : memref<77x512xf32, #tpu.memory_space<vmem>> -> memref<1x512xf32, #tpu.memory_space<vmem>>
      %dma_start3A_365 = arith.constant 0 : i32
      %dma_start3A_366 = tpu.memref_slice %arg2[%get3A_361, %dma_start3A_365] : memref<49408x512xf32, #tpu.memory_space<any>> -> memref<1x512xf32, #tpu.memory_space<any>>
      tpu.enqueue_dma source(%dma_start3A_366 : memref<1x512xf32, #tpu.memory_space<any>>) target(%dma_start3A_364 : memref<1x512xf32, #tpu.memory_space<vmem>>) target_semaphore(%arg12 : memref<!tpu.dma_semaphore, #tpu.memory_space<semaphore_mem>>)
      %get3A_367 = arith.constant 44 : index
      %get3A_368 = memref.load %arg1[%get3A_367] : memref<77xi32, #tpu.memory_space<smem>>
      %dma_start3A_369 = arith.constant 44 : i32
      %dma_start3A_370 = arith.constant 0 : i32
      %dma_start3A_371 = tpu.memref_slice %arg9[%dma_start3A_369, %dma_start3A_370] : memref<77x512xf32, #tpu.memory_space<vmem>> -> memref<1x512xf32, #tpu.memory_space<vmem>>
      %dma_start3A_372 = arith.constant 0 : i32
      %dma_start3A_373 = tpu.memref_slice %arg2[%get3A_368, %dma_start3A_372] : memref<49408x512xf32, #tpu.memory_space<any>> -> memref<1x512xf32, #tpu.memory_space<any>>
      tpu.enqueue_dma source(%dma_start3A_373 : memref<1x512xf32, #tpu.memory_space<any>>) target(%dma_start3A_371 : memref<1x512xf32, #tpu.memory_space<vmem>>) target_semaphore(%arg12 : memref<!tpu.dma_semaphore, #tpu.memory_space<semaphore_mem>>)
      %get3A_374 = arith.constant 45 : index
      %get3A_375 = memref.load %arg1[%get3A_374] : memref<77xi32, #tpu.memory_space<smem>>
      %dma_start3A_376 = arith.constant 45 : i32
      %dma_start3A_377 = arith.constant 0 : i32
      %dma_start3A_378 = tpu.memref_slice %arg9[%dma_start3A_376, %dma_start3A_377] : memref<77x512xf32, #tpu.memory_space<vmem>> -> memref<1x512xf32, #tpu.memory_space<vmem>>
      %dma_start3A_379 = arith.constant 0 : i32
      %dma_start3A_380 = tpu.memref_slice %arg2[%get3A_375, %dma_start3A_379] : memref<49408x512xf32, #tpu.memory_space<any>> -> memref<1x512xf32, #tpu.memory_space<any>>
      tpu.enqueue_dma source(%dma_start3A_380 : memref<1x512xf32, #tpu.memory_space<any>>) target(%dma_start3A_378 : memref<1x512xf32, #tpu.memory_space<vmem>>) target_semaphore(%arg12 : memref<!tpu.dma_semaphore, #tpu.memory_space<semaphore_mem>>)
      %get3A_381 = arith.constant 46 : index
      %get3A_382 = memref.load %arg1[%get3A_381] : memref<77xi32, #tpu.memory_space<smem>>
      %dma_start3A_383 = arith.constant 46 : i32
      %dma_start3A_384 = arith.constant 0 : i32
      %dma_start3A_385 = tpu.memref_slice %arg9[%dma_start3A_383, %dma_start3A_384] : memref<77x512xf32, #tpu.memory_space<vmem>> -> memref<1x512xf32, #tpu.memory_space<vmem>>
      %dma_start3A_386 = arith.constant 0 : i32
      %dma_start3A_387 = tpu.memref_slice %arg2[%get3A_382, %dma_start3A_386] : memref<49408x512xf32, #tpu.memory_space<any>> -> memref<1x512xf32, #tpu.memory_space<any>>
      tpu.enqueue_dma source(%dma_start3A_387 : memref<1x512xf32, #tpu.memory_space<any>>) target(%dma_start3A_385 : memref<1x512xf32, #tpu.memory_space<vmem>>) target_semaphore(%arg12 : memref<!tpu.dma_semaphore, #tpu.memory_space<semaphore_mem>>)
      %get3A_388 = arith.constant 47 : index
      %get3A_389 = memref.load %arg1[%get3A_388] : memref<77xi32, #tpu.memory_space<smem>>
      %dma_start3A_390 = arith.constant 47 : i32
      %dma_start3A_391 = arith.constant 0 : i32
      %dma_start3A_392 = tpu.memref_slice %arg9[%dma_start3A_390, %dma_start3A_391] : memref<77x512xf32, #tpu.memory_space<vmem>> -> memref<1x512xf32, #tpu.memory_space<vmem>>
      %dma_start3A_393 = arith.constant 0 : i32
      %dma_start3A_394 = tpu.memref_slice %arg2[%get3A_389, %dma_start3A_393] : memref<49408x512xf32, #tpu.memory_space<any>> -> memref<1x512xf32, #tpu.memory_space<any>>
      tpu.enqueue_dma source(%dma_start3A_394 : memref<1x512xf32, #tpu.memory_space<any>>) target(%dma_start3A_392 : memref<1x512xf32, #tpu.memory_space<vmem>>) target_semaphore(%arg12 : memref<!tpu.dma_semaphore, #tpu.memory_space<semaphore_mem>>)
      %get3A_395 = arith.constant 48 : index
      %get3A_396 = memref.load %arg1[%get3A_395] : memref<77xi32, #tpu.memory_space<smem>>
      %dma_start3A_397 = arith.constant 48 : i32
      %dma_start3A_398 = arith.constant 0 : i32
      %dma_start3A_399 = tpu.memref_slice %arg9[%dma_start3A_397, %dma_start3A_398] : memref<77x512xf32, #tpu.memory_space<vmem>> -> memref<1x512xf32, #tpu.memory_space<vmem>>
      %dma_start3A_400 = arith.constant 0 : i32
      %dma_start3A_401 = tpu.memref_slice %arg2[%get3A_396, %dma_start3A_400] : memref<49408x512xf32, #tpu.memory_space<any>> -> memref<1x512xf32, #tpu.memory_space<any>>
      tpu.enqueue_dma source(%dma_start3A_401 : memref<1x512xf32, #tpu.memory_space<any>>) target(%dma_start3A_399 : memref<1x512xf32, #tpu.memory_space<vmem>>) target_semaphore(%arg12 : memref<!tpu.dma_semaphore, #tpu.memory_space<semaphore_mem>>)
      %get3A_402 = arith.constant 49 : index
      %get3A_403 = memref.load %arg1[%get3A_402] : memref<77xi32, #tpu.memory_space<smem>>
      %dma_start3A_404 = arith.constant 49 : i32
      %dma_start3A_405 = arith.constant 0 : i32
      %dma_start3A_406 = tpu.memref_slice %arg9[%dma_start3A_404, %dma_start3A_405] : memref<77x512xf32, #tpu.memory_space<vmem>> -> memref<1x512xf32, #tpu.memory_space<vmem>>
      %dma_start3A_407 = arith.constant 0 : i32
      %dma_start3A_408 = tpu.memref_slice %arg2[%get3A_403, %dma_start3A_407] : memref<49408x512xf32, #tpu.memory_space<any>> -> memref<1x512xf32, #tpu.memory_space<any>>
      tpu.enqueue_dma source(%dma_start3A_408 : memref<1x512xf32, #tpu.memory_space<any>>) target(%dma_start3A_406 : memref<1x512xf32, #tpu.memory_space<vmem>>) target_semaphore(%arg12 : memref<!tpu.dma_semaphore, #tpu.memory_space<semaphore_mem>>)
      %get3A_409 = arith.constant 50 : index
      %get3A_410 = memref.load %arg1[%get3A_409] : memref<77xi32, #tpu.memory_space<smem>>
      %dma_start3A_411 = arith.constant 50 : i32
      %dma_start3A_412 = arith.constant 0 : i32
      %dma_start3A_413 = tpu.memref_slice %arg9[%dma_start3A_411, %dma_start3A_412] : memref<77x512xf32, #tpu.memory_space<vmem>> -> memref<1x512xf32, #tpu.memory_space<vmem>>
      %dma_start3A_414 = arith.constant 0 : i32
      %dma_start3A_415 = tpu.memref_slice %arg2[%get3A_410, %dma_start3A_414] : memref<49408x512xf32, #tpu.memory_space<any>> -> memref<1x512xf32, #tpu.memory_space<any>>
      tpu.enqueue_dma source(%dma_start3A_415 : memref<1x512xf32, #tpu.memory_space<any>>) target(%dma_start3A_413 : memref<1x512xf32, #tpu.memory_space<vmem>>) target_semaphore(%arg12 : memref<!tpu.dma_semaphore, #tpu.memory_space<semaphore_mem>>)
      %get3A_416 = arith.constant 51 : index
      %get3A_417 = memref.load %arg1[%get3A_416] : memref<77xi32, #tpu.memory_space<smem>>
      %dma_start3A_418 = arith.constant 51 : i32
      %dma_start3A_419 = arith.constant 0 : i32
      %dma_start3A_420 = tpu.memref_slice %arg9[%dma_start3A_418, %dma_start3A_419] : memref<77x512xf32, #tpu.memory_space<vmem>> -> memref<1x512xf32, #tpu.memory_space<vmem>>
      %dma_start3A_421 = arith.constant 0 : i32
      %dma_start3A_422 = tpu.memref_slice %arg2[%get3A_417, %dma_start3A_421] : memref<49408x512xf32, #tpu.memory_space<any>> -> memref<1x512xf32, #tpu.memory_space<any>>
      tpu.enqueue_dma source(%dma_start3A_422 : memref<1x512xf32, #tpu.memory_space<any>>) target(%dma_start3A_420 : memref<1x512xf32, #tpu.memory_space<vmem>>) target_semaphore(%arg12 : memref<!tpu.dma_semaphore, #tpu.memory_space<semaphore_mem>>)
      %get3A_423 = arith.constant 52 : index
      %get3A_424 = memref.load %arg1[%get3A_423] : memref<77xi32, #tpu.memory_space<smem>>
      %dma_start3A_425 = arith.constant 52 : i32
      %dma_start3A_426 = arith.constant 0 : i32
      %dma_start3A_427 = tpu.memref_slice %arg9[%dma_start3A_425, %dma_start3A_426] : memref<77x512xf32, #tpu.memory_space<vmem>> -> memref<1x512xf32, #tpu.memory_space<vmem>>
      %dma_start3A_428 = arith.constant 0 : i32
      %dma_start3A_429 = tpu.memref_slice %arg2[%get3A_424, %dma_start3A_428] : memref<49408x512xf32, #tpu.memory_space<any>> -> memref<1x512xf32, #tpu.memory_space<any>>
      tpu.enqueue_dma source(%dma_start3A_429 : memref<1x512xf32, #tpu.memory_space<any>>) target(%dma_start3A_427 : memref<1x512xf32, #tpu.memory_space<vmem>>) target_semaphore(%arg12 : memref<!tpu.dma_semaphore, #tpu.memory_space<semaphore_mem>>)
      %get3A_430 = arith.constant 53 : index
      %get3A_431 = memref.load %arg1[%get3A_430] : memref<77xi32, #tpu.memory_space<smem>>
      %dma_start3A_432 = arith.constant 53 : i32
      %dma_start3A_433 = arith.constant 0 : i32
      %dma_start3A_434 = tpu.memref_slice %arg9[%dma_start3A_432, %dma_start3A_433] : memref<77x512xf32, #tpu.memory_space<vmem>> -> memref<1x512xf32, #tpu.memory_space<vmem>>
      %dma_start3A_435 = arith.constant 0 : i32
      %dma_start3A_436 = tpu.memref_slice %arg2[%get3A_431, %dma_start3A_435] : memref<49408x512xf32, #tpu.memory_space<any>> -> memref<1x512xf32, #tpu.memory_space<any>>
      tpu.enqueue_dma source(%dma_start3A_436 : memref<1x512xf32, #tpu.memory_space<any>>) target(%dma_start3A_434 : memref<1x512xf32, #tpu.memory_space<vmem>>) target_semaphore(%arg12 : memref<!tpu.dma_semaphore, #tpu.memory_space<semaphore_mem>>)
      %get3A_437 = arith.constant 54 : index
      %get3A_438 = memref.load %arg1[%get3A_437] : memref<77xi32, #tpu.memory_space<smem>>
      %dma_start3A_439 = arith.constant 54 : i32
      %dma_start3A_440 = arith.constant 0 : i32
      %dma_start3A_441 = tpu.memref_slice %arg9[%dma_start3A_439, %dma_start3A_440] : memref<77x512xf32, #tpu.memory_space<vmem>> -> memref<1x512xf32, #tpu.memory_space<vmem>>
      %dma_start3A_442 = arith.constant 0 : i32
      %dma_start3A_443 = tpu.memref_slice %arg2[%get3A_438, %dma_start3A_442] : memref<49408x512xf32, #tpu.memory_space<any>> -> memref<1x512xf32, #tpu.memory_space<any>>
      tpu.enqueue_dma source(%dma_start3A_443 : memref<1x512xf32, #tpu.memory_space<any>>) target(%dma_start3A_441 : memref<1x512xf32, #tpu.memory_space<vmem>>) target_semaphore(%arg12 : memref<!tpu.dma_semaphore, #tpu.memory_space<semaphore_mem>>)
      %get3A_444 = arith.constant 55 : index
      %get3A_445 = memref.load %arg1[%get3A_444] : memref<77xi32, #tpu.memory_space<smem>>
      %dma_start3A_446 = arith.constant 55 : i32
      %dma_start3A_447 = arith.constant 0 : i32
      %dma_start3A_448 = tpu.memref_slice %arg9[%dma_start3A_446, %dma_start3A_447] : memref<77x512xf32, #tpu.memory_space<vmem>> -> memref<1x512xf32, #tpu.memory_space<vmem>>
      %dma_start3A_449 = arith.constant 0 : i32
      %dma_start3A_450 = tpu.memref_slice %arg2[%get3A_445, %dma_start3A_449] : memref<49408x512xf32, #tpu.memory_space<any>> -> memref<1x512xf32, #tpu.memory_space<any>>
      tpu.enqueue_dma source(%dma_start3A_450 : memref<1x512xf32, #tpu.memory_space<any>>) target(%dma_start3A_448 : memref<1x512xf32, #tpu.memory_space<vmem>>) target_semaphore(%arg12 : memref<!tpu.dma_semaphore, #tpu.memory_space<semaphore_mem>>)
      %get3A_451 = arith.constant 56 : index
      %get3A_452 = memref.load %arg1[%get3A_451] : memref<77xi32, #tpu.memory_space<smem>>
      %dma_start3A_453 = arith.constant 56 : i32
      %dma_start3A_454 = arith.constant 0 : i32
      %dma_start3A_455 = tpu.memref_slice %arg9[%dma_start3A_453, %dma_start3A_454] : memref<77x512xf32, #tpu.memory_space<vmem>> -> memref<1x512xf32, #tpu.memory_space<vmem>>
      %dma_start3A_456 = arith.constant 0 : i32
      %dma_start3A_457 = tpu.memref_slice %arg2[%get3A_452, %dma_start3A_456] : memref<49408x512xf32, #tpu.memory_space<any>> -> memref<1x512xf32, #tpu.memory_space<any>>
      tpu.enqueue_dma source(%dma_start3A_457 : memref<1x512xf32, #tpu.memory_space<any>>) target(%dma_start3A_455 : memref<1x512xf32, #tpu.memory_space<vmem>>) target_semaphore(%arg12 : memref<!tpu.dma_semaphore, #tpu.memory_space<semaphore_mem>>)
      %get3A_458 = arith.constant 57 : index
      %get3A_459 = memref.load %arg1[%get3A_458] : memref<77xi32, #tpu.memory_space<smem>>
      %dma_start3A_460 = arith.constant 57 : i32
      %dma_start3A_461 = arith.constant 0 : i32
      %dma_start3A_462 = tpu.memref_slice %arg9[%dma_start3A_460, %dma_start3A_461] : memref<77x512xf32, #tpu.memory_space<vmem>> -> memref<1x512xf32, #tpu.memory_space<vmem>>
      %dma_start3A_463 = arith.constant 0 : i32
      %dma_start3A_464 = tpu.memref_slice %arg2[%get3A_459, %dma_start3A_463] : memref<49408x512xf32, #tpu.memory_space<any>> -> memref<1x512xf32, #tpu.memory_space<any>>
      tpu.enqueue_dma source(%dma_start3A_464 : memref<1x512xf32, #tpu.memory_space<any>>) target(%dma_start3A_462 : memref<1x512xf32, #tpu.memory_space<vmem>>) target_semaphore(%arg12 : memref<!tpu.dma_semaphore, #tpu.memory_space<semaphore_mem>>)
      %get3A_465 = arith.constant 58 : index
      %get3A_466 = memref.load %arg1[%get3A_465] : memref<77xi32, #tpu.memory_space<smem>>
      %dma_start3A_467 = arith.constant 58 : i32
      %dma_start3A_468 = arith.constant 0 : i32
      %dma_start3A_469 = tpu.memref_slice %arg9[%dma_start3A_467, %dma_start3A_468] : memref<77x512xf32, #tpu.memory_space<vmem>> -> memref<1x512xf32, #tpu.memory_space<vmem>>
      %dma_start3A_470 = arith.constant 0 : i32
      %dma_start3A_471 = tpu.memref_slice %arg2[%get3A_466, %dma_start3A_470] : memref<49408x512xf32, #tpu.memory_space<any>> -> memref<1x512xf32, #tpu.memory_space<any>>
      tpu.enqueue_dma source(%dma_start3A_471 : memref<1x512xf32, #tpu.memory_space<any>>) target(%dma_start3A_469 : memref<1x512xf32, #tpu.memory_space<vmem>>) target_semaphore(%arg12 : memref<!tpu.dma_semaphore, #tpu.memory_space<semaphore_mem>>)
      %get3A_472 = arith.constant 59 : index
      %get3A_473 = memref.load %arg1[%get3A_472] : memref<77xi32, #tpu.memory_space<smem>>
      %dma_start3A_474 = arith.constant 59 : i32
      %dma_start3A_475 = arith.constant 0 : i32
      %dma_start3A_476 = tpu.memref_slice %arg9[%dma_start3A_474, %dma_start3A_475] : memref<77x512xf32, #tpu.memory_space<vmem>> -> memref<1x512xf32, #tpu.memory_space<vmem>>
      %dma_start3A_477 = arith.constant 0 : i32
      %dma_start3A_478 = tpu.memref_slice %arg2[%get3A_473, %dma_start3A_477] : memref<49408x512xf32, #tpu.memory_space<any>> -> memref<1x512xf32, #tpu.memory_space<any>>
      tpu.enqueue_dma source(%dma_start3A_478 : memref<1x512xf32, #tpu.memory_space<any>>) target(%dma_start3A_476 : memref<1x512xf32, #tpu.memory_space<vmem>>) target_semaphore(%arg12 : memref<!tpu.dma_semaphore, #tpu.memory_space<semaphore_mem>>)
      %get3A_479 = arith.constant 60 : index
      %get3A_480 = memref.load %arg1[%get3A_479] : memref<77xi32, #tpu.memory_space<smem>>
      %dma_start3A_481 = arith.constant 60 : i32
      %dma_start3A_482 = arith.constant 0 : i32
      %dma_start3A_483 = tpu.memref_slice %arg9[%dma_start3A_481, %dma_start3A_482] : memref<77x512xf32, #tpu.memory_space<vmem>> -> memref<1x512xf32, #tpu.memory_space<vmem>>
      %dma_start3A_484 = arith.constant 0 : i32
      %dma_start3A_485 = tpu.memref_slice %arg2[%get3A_480, %dma_start3A_484] : memref<49408x512xf32, #tpu.memory_space<any>> -> memref<1x512xf32, #tpu.memory_space<any>>
      tpu.enqueue_dma source(%dma_start3A_485 : memref<1x512xf32, #tpu.memory_space<any>>) target(%dma_start3A_483 : memref<1x512xf32, #tpu.memory_space<vmem>>) target_semaphore(%arg12 : memref<!tpu.dma_semaphore, #tpu.memory_space<semaphore_mem>>)
      %get3A_486 = arith.constant 61 : index
      %get3A_487 = memref.load %arg1[%get3A_486] : memref<77xi32, #tpu.memory_space<smem>>
      %dma_start3A_488 = arith.constant 61 : i32
      %dma_start3A_489 = arith.constant 0 : i32
      %dma_start3A_490 = tpu.memref_slice %arg9[%dma_start3A_488, %dma_start3A_489] : memref<77x512xf32, #tpu.memory_space<vmem>> -> memref<1x512xf32, #tpu.memory_space<vmem>>
      %dma_start3A_491 = arith.constant 0 : i32
      %dma_start3A_492 = tpu.memref_slice %arg2[%get3A_487, %dma_start3A_491] : memref<49408x512xf32, #tpu.memory_space<any>> -> memref<1x512xf32, #tpu.memory_space<any>>
      tpu.enqueue_dma source(%dma_start3A_492 : memref<1x512xf32, #tpu.memory_space<any>>) target(%dma_start3A_490 : memref<1x512xf32, #tpu.memory_space<vmem>>) target_semaphore(%arg12 : memref<!tpu.dma_semaphore, #tpu.memory_space<semaphore_mem>>)
      %get3A_493 = arith.constant 62 : index
      %get3A_494 = memref.load %arg1[%get3A_493] : memref<77xi32, #tpu.memory_space<smem>>
      %dma_start3A_495 = arith.constant 62 : i32
      %dma_start3A_496 = arith.constant 0 : i32
      %dma_start3A_497 = tpu.memref_slice %arg9[%dma_start3A_495, %dma_start3A_496] : memref<77x512xf32, #tpu.memory_space<vmem>> -> memref<1x512xf32, #tpu.memory_space<vmem>>
      %dma_start3A_498 = arith.constant 0 : i32
      %dma_start3A_499 = tpu.memref_slice %arg2[%get3A_494, %dma_start3A_498] : memref<49408x512xf32, #tpu.memory_space<any>> -> memref<1x512xf32, #tpu.memory_space<any>>
      tpu.enqueue_dma source(%dma_start3A_499 : memref<1x512xf32, #tpu.memory_space<any>>) target(%dma_start3A_497 : memref<1x512xf32, #tpu.memory_space<vmem>>) target_semaphore(%arg12 : memref<!tpu.dma_semaphore, #tpu.memory_space<semaphore_mem>>)
      %get3A_500 = arith.constant 63 : index
      %get3A_501 = memref.load %arg1[%get3A_500] : memref<77xi32, #tpu.memory_space<smem>>
      %dma_start3A_502 = arith.constant 63 : i32
      %dma_start3A_503 = arith.constant 0 : i32
      %dma_start3A_504 = tpu.memref_slice %arg9[%dma_start3A_502, %dma_start3A_503] : memref<77x512xf32, #tpu.memory_space<vmem>> -> memref<1x512xf32, #tpu.memory_space<vmem>>
      %dma_start3A_505 = arith.constant 0 : i32
      %dma_start3A_506 = tpu.memref_slice %arg2[%get3A_501, %dma_start3A_505] : memref<49408x512xf32, #tpu.memory_space<any>> -> memref<1x512xf32, #tpu.memory_space<any>>
      tpu.enqueue_dma source(%dma_start3A_506 : memref<1x512xf32, #tpu.memory_space<any>>) target(%dma_start3A_504 : memref<1x512xf32, #tpu.memory_space<vmem>>) target_semaphore(%arg12 : memref<!tpu.dma_semaphore, #tpu.memory_space<semaphore_mem>>)
      %get3A_507 = arith.constant 64 : index
      %get3A_508 = memref.load %arg1[%get3A_507] : memref<77xi32, #tpu.memory_space<smem>>
      %dma_start3A_509 = arith.constant 64 : i32
      %dma_start3A_510 = arith.constant 0 : i32
      %dma_start3A_511 = tpu.memref_slice %arg9[%dma_start3A_509, %dma_start3A_510] : memref<77x512xf32, #tpu.memory_space<vmem>> -> memref<1x512xf32, #tpu.memory_space<vmem>>
      %dma_start3A_512 = arith.constant 0 : i32
      %dma_start3A_513 = tpu.memref_slice %arg2[%get3A_508, %dma_start3A_512] : memref<49408x512xf32, #tpu.memory_space<any>> -> memref<1x512xf32, #tpu.memory_space<any>>
      tpu.enqueue_dma source(%dma_start3A_513 : memref<1x512xf32, #tpu.memory_space<any>>) target(%dma_start3A_511 : memref<1x512xf32, #tpu.memory_space<vmem>>) target_semaphore(%arg12 : memref<!tpu.dma_semaphore, #tpu.memory_space<semaphore_mem>>)
      %get3A_514 = arith.constant 65 : index
      %get3A_515 = memref.load %arg1[%get3A_514] : memref<77xi32, #tpu.memory_space<smem>>
      %dma_start3A_516 = arith.constant 65 : i32
      %dma_start3A_517 = arith.constant 0 : i32
      %dma_start3A_518 = tpu.memref_slice %arg9[%dma_start3A_516, %dma_start3A_517] : memref<77x512xf32, #tpu.memory_space<vmem>> -> memref<1x512xf32, #tpu.memory_space<vmem>>
      %dma_start3A_519 = arith.constant 0 : i32
      %dma_start3A_520 = tpu.memref_slice %arg2[%get3A_515, %dma_start3A_519] : memref<49408x512xf32, #tpu.memory_space<any>> -> memref<1x512xf32, #tpu.memory_space<any>>
      tpu.enqueue_dma source(%dma_start3A_520 : memref<1x512xf32, #tpu.memory_space<any>>) target(%dma_start3A_518 : memref<1x512xf32, #tpu.memory_space<vmem>>) target_semaphore(%arg12 : memref<!tpu.dma_semaphore, #tpu.memory_space<semaphore_mem>>)
      %get3A_521 = arith.constant 66 : index
      %get3A_522 = memref.load %arg1[%get3A_521] : memref<77xi32, #tpu.memory_space<smem>>
      %dma_start3A_523 = arith.constant 66 : i32
      %dma_start3A_524 = arith.constant 0 : i32
      %dma_start3A_525 = tpu.memref_slice %arg9[%dma_start3A_523, %dma_start3A_524] : memref<77x512xf32, #tpu.memory_space<vmem>> -> memref<1x512xf32, #tpu.memory_space<vmem>>
      %dma_start3A_526 = arith.constant 0 : i32
      %dma_start3A_527 = tpu.memref_slice %arg2[%get3A_522, %dma_start3A_526] : memref<49408x512xf32, #tpu.memory_space<any>> -> memref<1x512xf32, #tpu.memory_space<any>>
      tpu.enqueue_dma source(%dma_start3A_527 : memref<1x512xf32, #tpu.memory_space<any>>) target(%dma_start3A_525 : memref<1x512xf32, #tpu.memory_space<vmem>>) target_semaphore(%arg12 : memref<!tpu.dma_semaphore, #tpu.memory_space<semaphore_mem>>)
      %get3A_528 = arith.constant 67 : index
      %get3A_529 = memref.load %arg1[%get3A_528] : memref<77xi32, #tpu.memory_space<smem>>
      %dma_start3A_530 = arith.constant 67 : i32
      %dma_start3A_531 = arith.constant 0 : i32
      %dma_start3A_532 = tpu.memref_slice %arg9[%dma_start3A_530, %dma_start3A_531] : memref<77x512xf32, #tpu.memory_space<vmem>> -> memref<1x512xf32, #tpu.memory_space<vmem>>
      %dma_start3A_533 = arith.constant 0 : i32
      %dma_start3A_534 = tpu.memref_slice %arg2[%get3A_529, %dma_start3A_533] : memref<49408x512xf32, #tpu.memory_space<any>> -> memref<1x512xf32, #tpu.memory_space<any>>
      tpu.enqueue_dma source(%dma_start3A_534 : memref<1x512xf32, #tpu.memory_space<any>>) target(%dma_start3A_532 : memref<1x512xf32, #tpu.memory_space<vmem>>) target_semaphore(%arg12 : memref<!tpu.dma_semaphore, #tpu.memory_space<semaphore_mem>>)
      %get3A_535 = arith.constant 68 : index
      %get3A_536 = memref.load %arg1[%get3A_535] : memref<77xi32, #tpu.memory_space<smem>>
      %dma_start3A_537 = arith.constant 68 : i32
      %dma_start3A_538 = arith.constant 0 : i32
      %dma_start3A_539 = tpu.memref_slice %arg9[%dma_start3A_537, %dma_start3A_538] : memref<77x512xf32, #tpu.memory_space<vmem>> -> memref<1x512xf32, #tpu.memory_space<vmem>>
      %dma_start3A_540 = arith.constant 0 : i32
      %dma_start3A_541 = tpu.memref_slice %arg2[%get3A_536, %dma_start3A_540] : memref<49408x512xf32, #tpu.memory_space<any>> -> memref<1x512xf32, #tpu.memory_space<any>>
      tpu.enqueue_dma source(%dma_start3A_541 : memref<1x512xf32, #tpu.memory_space<any>>) target(%dma_start3A_539 : memref<1x512xf32, #tpu.memory_space<vmem>>) target_semaphore(%arg12 : memref<!tpu.dma_semaphore, #tpu.memory_space<semaphore_mem>>)
      %get3A_542 = arith.constant 69 : index
      %get3A_543 = memref.load %arg1[%get3A_542] : memref<77xi32, #tpu.memory_space<smem>>
      %dma_start3A_544 = arith.constant 69 : i32
      %dma_start3A_545 = arith.constant 0 : i32
      %dma_start3A_546 = tpu.memref_slice %arg9[%dma_start3A_544, %dma_start3A_545] : memref<77x512xf32, #tpu.memory_space<vmem>> -> memref<1x512xf32, #tpu.memory_space<vmem>>
      %dma_start3A_547 = arith.constant 0 : i32
      %dma_start3A_548 = tpu.memref_slice %arg2[%get3A_543, %dma_start3A_547] : memref<49408x512xf32, #tpu.memory_space<any>> -> memref<1x512xf32, #tpu.memory_space<any>>
      tpu.enqueue_dma source(%dma_start3A_548 : memref<1x512xf32, #tpu.memory_space<any>>) target(%dma_start3A_546 : memref<1x512xf32, #tpu.memory_space<vmem>>) target_semaphore(%arg12 : memref<!tpu.dma_semaphore, #tpu.memory_space<semaphore_mem>>)
      %get3A_549 = arith.constant 70 : index
      %get3A_550 = memref.load %arg1[%get3A_549] : memref<77xi32, #tpu.memory_space<smem>>
      %dma_start3A_551 = arith.constant 70 : i32
      %dma_start3A_552 = arith.constant 0 : i32
      %dma_start3A_553 = tpu.memref_slice %arg9[%dma_start3A_551, %dma_start3A_552] : memref<77x512xf32, #tpu.memory_space<vmem>> -> memref<1x512xf32, #tpu.memory_space<vmem>>
      %dma_start3A_554 = arith.constant 0 : i32
      %dma_start3A_555 = tpu.memref_slice %arg2[%get3A_550, %dma_start3A_554] : memref<49408x512xf32, #tpu.memory_space<any>> -> memref<1x512xf32, #tpu.memory_space<any>>
      tpu.enqueue_dma source(%dma_start3A_555 : memref<1x512xf32, #tpu.memory_space<any>>) target(%dma_start3A_553 : memref<1x512xf32, #tpu.memory_space<vmem>>) target_semaphore(%arg12 : memref<!tpu.dma_semaphore, #tpu.memory_space<semaphore_mem>>)
      %get3A_556 = arith.constant 71 : index
      %get3A_557 = memref.load %arg1[%get3A_556] : memref<77xi32, #tpu.memory_space<smem>>
      %dma_start3A_558 = arith.constant 71 : i32
      %dma_start3A_559 = arith.constant 0 : i32
      %dma_start3A_560 = tpu.memref_slice %arg9[%dma_start3A_558, %dma_start3A_559] : memref<77x512xf32, #tpu.memory_space<vmem>> -> memref<1x512xf32, #tpu.memory_space<vmem>>
      %dma_start3A_561 = arith.constant 0 : i32
      %dma_start3A_562 = tpu.memref_slice %arg2[%get3A_557, %dma_start3A_561] : memref<49408x512xf32, #tpu.memory_space<any>> -> memref<1x512xf32, #tpu.memory_space<any>>
      tpu.enqueue_dma source(%dma_start3A_562 : memref<1x512xf32, #tpu.memory_space<any>>) target(%dma_start3A_560 : memref<1x512xf32, #tpu.memory_space<vmem>>) target_semaphore(%arg12 : memref<!tpu.dma_semaphore, #tpu.memory_space<semaphore_mem>>)
      %get3A_563 = arith.constant 72 : index
      %get3A_564 = memref.load %arg1[%get3A_563] : memref<77xi32, #tpu.memory_space<smem>>
      %dma_start3A_565 = arith.constant 72 : i32
      %dma_start3A_566 = arith.constant 0 : i32
      %dma_start3A_567 = tpu.memref_slice %arg9[%dma_start3A_565, %dma_start3A_566] : memref<77x512xf32, #tpu.memory_space<vmem>> -> memref<1x512xf32, #tpu.memory_space<vmem>>
      %dma_start3A_568 = arith.constant 0 : i32
      %dma_start3A_569 = tpu.memref_slice %arg2[%get3A_564, %dma_start3A_568] : memref<49408x512xf32, #tpu.memory_space<any>> -> memref<1x512xf32, #tpu.memory_space<any>>
      tpu.enqueue_dma source(%dma_start3A_569 : memref<1x512xf32, #tpu.memory_space<any>>) target(%dma_start3A_567 : memref<1x512xf32, #tpu.memory_space<vmem>>) target_semaphore(%arg12 : memref<!tpu.dma_semaphore, #tpu.memory_space<semaphore_mem>>)
      %get3A_570 = arith.constant 73 : index
      %get3A_571 = memref.load %arg1[%get3A_570] : memref<77xi32, #tpu.memory_space<smem>>
      %dma_start3A_572 = arith.constant 73 : i32
      %dma_start3A_573 = arith.constant 0 : i32
      %dma_start3A_574 = tpu.memref_slice %arg9[%dma_start3A_572, %dma_start3A_573] : memref<77x512xf32, #tpu.memory_space<vmem>> -> memref<1x512xf32, #tpu.memory_space<vmem>>
      %dma_start3A_575 = arith.constant 0 : i32
      %dma_start3A_576 = tpu.memref_slice %arg2[%get3A_571, %dma_start3A_575] : memref<49408x512xf32, #tpu.memory_space<any>> -> memref<1x512xf32, #tpu.memory_space<any>>
      tpu.enqueue_dma source(%dma_start3A_576 : memref<1x512xf32, #tpu.memory_space<any>>) target(%dma_start3A_574 : memref<1x512xf32, #tpu.memory_space<vmem>>) target_semaphore(%arg12 : memref<!tpu.dma_semaphore, #tpu.memory_space<semaphore_mem>>)
      %get3A_577 = arith.constant 74 : index
      %get3A_578 = memref.load %arg1[%get3A_577] : memref<77xi32, #tpu.memory_space<smem>>
      %dma_start3A_579 = arith.constant 74 : i32
      %dma_start3A_580 = arith.constant 0 : i32
      %dma_start3A_581 = tpu.memref_slice %arg9[%dma_start3A_579, %dma_start3A_580] : memref<77x512xf32, #tpu.memory_space<vmem>> -> memref<1x512xf32, #tpu.memory_space<vmem>>
      %dma_start3A_582 = arith.constant 0 : i32
      %dma_start3A_583 = tpu.memref_slice %arg2[%get3A_578, %dma_start3A_582] : memref<49408x512xf32, #tpu.memory_space<any>> -> memref<1x512xf32, #tpu.memory_space<any>>
      tpu.enqueue_dma source(%dma_start3A_583 : memref<1x512xf32, #tpu.memory_space<any>>) target(%dma_start3A_581 : memref<1x512xf32, #tpu.memory_space<vmem>>) target_semaphore(%arg12 : memref<!tpu.dma_semaphore, #tpu.memory_space<semaphore_mem>>)
      %get3A_584 = arith.constant 75 : index
      %get3A_585 = memref.load %arg1[%get3A_584] : memref<77xi32, #tpu.memory_space<smem>>
      %dma_start3A_586 = arith.constant 75 : i32
      %dma_start3A_587 = arith.constant 0 : i32
      %dma_start3A_588 = tpu.memref_slice %arg9[%dma_start3A_586, %dma_start3A_587] : memref<77x512xf32, #tpu.memory_space<vmem>> -> memref<1x512xf32, #tpu.memory_space<vmem>>
      %dma_start3A_589 = arith.constant 0 : i32
      %dma_start3A_590 = tpu.memref_slice %arg2[%get3A_585, %dma_start3A_589] : memref<49408x512xf32, #tpu.memory_space<any>> -> memref<1x512xf32, #tpu.memory_space<any>>
      tpu.enqueue_dma source(%dma_start3A_590 : memref<1x512xf32, #tpu.memory_space<any>>) target(%dma_start3A_588 : memref<1x512xf32, #tpu.memory_space<vmem>>) target_semaphore(%arg12 : memref<!tpu.dma_semaphore, #tpu.memory_space<semaphore_mem>>)
      %get3A_591 = arith.constant 76 : index
      %get3A_592 = memref.load %arg1[%get3A_591] : memref<77xi32, #tpu.memory_space<smem>>
      %dma_start3A_593 = arith.constant 76 : i32
      %dma_start3A_594 = arith.constant 0 : i32
      %dma_start3A_595 = tpu.memref_slice %arg9[%dma_start3A_593, %dma_start3A_594] : memref<77x512xf32, #tpu.memory_space<vmem>> -> memref<1x512xf32, #tpu.memory_space<vmem>>
      %dma_start3A_596 = arith.constant 0 : i32
      %dma_start3A_597 = tpu.memref_slice %arg2[%get3A_592, %dma_start3A_596] : memref<49408x512xf32, #tpu.memory_space<any>> -> memref<1x512xf32, #tpu.memory_space<any>>
      tpu.enqueue_dma source(%dma_start3A_597 : memref<1x512xf32, #tpu.memory_space<any>>) target(%dma_start3A_595 : memref<1x512xf32, #tpu.memory_space<vmem>>) target_semaphore(%arg12 : memref<!tpu.dma_semaphore, #tpu.memory_space<semaphore_mem>>)
      %dma_wait3A = arith.constant 0 : i32
      %dma_wait3A_598 = arith.constant 0 : i32
      %dma_wait3A_599 = tpu.memref_slice %arg9[%dma_wait3A, %dma_wait3A_598] : memref<77x512xf32, #tpu.memory_space<vmem>> -> memref<1x512xf32, #tpu.memory_space<vmem>>
      %dma_wait3A_600 = arith.constant 0 : i32
      %dma_wait3A_601 = tpu.memref_slice %arg2[%get3A_61, %dma_wait3A_600] : memref<49408x512xf32, #tpu.memory_space<any>> -> memref<1x512xf32, #tpu.memory_space<any>>
      tpu.wait_dma2 semaphore(%arg12 : memref<!tpu.dma_semaphore, #tpu.memory_space<semaphore_mem>>) src(%dma_wait3A_601 : memref<1x512xf32, #tpu.memory_space<any>>) dst(%dma_wait3A_599 : memref<1x512xf32, #tpu.memory_space<vmem>>)
      %dma_wait3A_602 = arith.constant 1 : i32
      %dma_wait3A_603 = arith.constant 0 : i32
      %dma_wait3A_604 = tpu.memref_slice %arg9[%dma_wait3A_602, %dma_wait3A_603] : memref<77x512xf32, #tpu.memory_space<vmem>> -> memref<1x512xf32, #tpu.memory_space<vmem>>
      %dma_wait3A_605 = arith.constant 0 : i32
      %dma_wait3A_606 = tpu.memref_slice %arg2[%get3A_67, %dma_wait3A_605] : memref<49408x512xf32, #tpu.memory_space<any>> -> memref<1x512xf32, #tpu.memory_space<any>>
      tpu.wait_dma2 semaphore(%arg12 : memref<!tpu.dma_semaphore, #tpu.memory_space<semaphore_mem>>) src(%dma_wait3A_606 : memref<1x512xf32, #tpu.memory_space<any>>) dst(%dma_wait3A_604 : memref<1x512xf32, #tpu.memory_space<vmem>>)
      %dma_wait3A_607 = arith.constant 2 : i32
      %dma_wait3A_608 = arith.constant 0 : i32
      %dma_wait3A_609 = tpu.memref_slice %arg9[%dma_wait3A_607, %dma_wait3A_608] : memref<77x512xf32, #tpu.memory_space<vmem>> -> memref<1x512xf32, #tpu.memory_space<vmem>>
      %dma_wait3A_610 = arith.constant 0 : i32
      %dma_wait3A_611 = tpu.memref_slice %arg2[%get3A_74, %dma_wait3A_610] : memref<49408x512xf32, #tpu.memory_space<any>> -> memref<1x512xf32, #tpu.memory_space<any>>
      tpu.wait_dma2 semaphore(%arg12 : memref<!tpu.dma_semaphore, #tpu.memory_space<semaphore_mem>>) src(%dma_wait3A_611 : memref<1x512xf32, #tpu.memory_space<any>>) dst(%dma_wait3A_609 : memref<1x512xf32, #tpu.memory_space<vmem>>)
      %dma_wait3A_612 = arith.constant 3 : i32
      %dma_wait3A_613 = arith.constant 0 : i32
      %dma_wait3A_614 = tpu.memref_slice %arg9[%dma_wait3A_612, %dma_wait3A_613] : memref<77x512xf32, #tpu.memory_space<vmem>> -> memref<1x512xf32, #tpu.memory_space<vmem>>
      %dma_wait3A_615 = arith.constant 0 : i32
      %dma_wait3A_616 = tpu.memref_slice %arg2[%get3A_81, %dma_wait3A_615] : memref<49408x512xf32, #tpu.memory_space<any>> -> memref<1x512xf32, #tpu.memory_space<any>>
      tpu.wait_dma2 semaphore(%arg12 : memref<!tpu.dma_semaphore, #tpu.memory_space<semaphore_mem>>) src(%dma_wait3A_616 : memref<1x512xf32, #tpu.memory_space<any>>) dst(%dma_wait3A_614 : memref<1x512xf32, #tpu.memory_space<vmem>>)
      %dma_wait3A_617 = arith.constant 4 : i32
      %dma_wait3A_618 = arith.constant 0 : i32
      %dma_wait3A_619 = tpu.memref_slice %arg9[%dma_wait3A_617, %dma_wait3A_618] : memref<77x512xf32, #tpu.memory_space<vmem>> -> memref<1x512xf32, #tpu.memory_space<vmem>>
      %dma_wait3A_620 = arith.constant 0 : i32
      %dma_wait3A_621 = tpu.memref_slice %arg2[%get3A_88, %dma_wait3A_620] : memref<49408x512xf32, #tpu.memory_space<any>> -> memref<1x512xf32, #tpu.memory_space<any>>
      tpu.wait_dma2 semaphore(%arg12 : memref<!tpu.dma_semaphore, #tpu.memory_space<semaphore_mem>>) src(%dma_wait3A_621 : memref<1x512xf32, #tpu.memory_space<any>>) dst(%dma_wait3A_619 : memref<1x512xf32, #tpu.memory_space<vmem>>)
      %dma_wait3A_622 = arith.constant 5 : i32
      %dma_wait3A_623 = arith.constant 0 : i32
      %dma_wait3A_624 = tpu.memref_slice %arg9[%dma_wait3A_622, %dma_wait3A_623] : memref<77x512xf32, #tpu.memory_space<vmem>> -> memref<1x512xf32, #tpu.memory_space<vmem>>
      %dma_wait3A_625 = arith.constant 0 : i32
      %dma_wait3A_626 = tpu.memref_slice %arg2[%get3A_95, %dma_wait3A_625] : memref<49408x512xf32, #tpu.memory_space<any>> -> memref<1x512xf32, #tpu.memory_space<any>>
      tpu.wait_dma2 semaphore(%arg12 : memref<!tpu.dma_semaphore, #tpu.memory_space<semaphore_mem>>) src(%dma_wait3A_626 : memref<1x512xf32, #tpu.memory_space<any>>) dst(%dma_wait3A_624 : memref<1x512xf32, #tpu.memory_space<vmem>>)
      %dma_wait3A_627 = arith.constant 6 : i32
      %dma_wait3A_628 = arith.constant 0 : i32
      %dma_wait3A_629 = tpu.memref_slice %arg9[%dma_wait3A_627, %dma_wait3A_628] : memref<77x512xf32, #tpu.memory_space<vmem>> -> memref<1x512xf32, #tpu.memory_space<vmem>>
      %dma_wait3A_630 = arith.constant 0 : i32
      %dma_wait3A_631 = tpu.memref_slice %arg2[%get3A_102, %dma_wait3A_630] : memref<49408x512xf32, #tpu.memory_space<any>> -> memref<1x512xf32, #tpu.memory_space<any>>
      tpu.wait_dma2 semaphore(%arg12 : memref<!tpu.dma_semaphore, #tpu.memory_space<semaphore_mem>>) src(%dma_wait3A_631 : memref<1x512xf32, #tpu.memory_space<any>>) dst(%dma_wait3A_629 : memref<1x512xf32, #tpu.memory_space<vmem>>)
      %dma_wait3A_632 = arith.constant 7 : i32
      %dma_wait3A_633 = arith.constant 0 : i32
      %dma_wait3A_634 = tpu.memref_slice %arg9[%dma_wait3A_632, %dma_wait3A_633] : memref<77x512xf32, #tpu.memory_space<vmem>> -> memref<1x512xf32, #tpu.memory_space<vmem>>
      %dma_wait3A_635 = arith.constant 0 : i32
      %dma_wait3A_636 = tpu.memref_slice %arg2[%get3A_109, %dma_wait3A_635] : memref<49408x512xf32, #tpu.memory_space<any>> -> memref<1x512xf32, #tpu.memory_space<any>>
      tpu.wait_dma2 semaphore(%arg12 : memref<!tpu.dma_semaphore, #tpu.memory_space<semaphore_mem>>) src(%dma_wait3A_636 : memref<1x512xf32, #tpu.memory_space<any>>) dst(%dma_wait3A_634 : memref<1x512xf32, #tpu.memory_space<vmem>>)
      %dma_wait3A_637 = arith.constant 8 : i32
      %dma_wait3A_638 = arith.constant 0 : i32
      %dma_wait3A_639 = tpu.memref_slice %arg9[%dma_wait3A_637, %dma_wait3A_638] : memref<77x512xf32, #tpu.memory_space<vmem>> -> memref<1x512xf32, #tpu.memory_space<vmem>>
      %dma_wait3A_640 = arith.constant 0 : i32
      %dma_wait3A_641 = tpu.memref_slice %arg2[%get3A_116, %dma_wait3A_640] : memref<49408x512xf32, #tpu.memory_space<any>> -> memref<1x512xf32, #tpu.memory_space<any>>
      tpu.wait_dma2 semaphore(%arg12 : memref<!tpu.dma_semaphore, #tpu.memory_space<semaphore_mem>>) src(%dma_wait3A_641 : memref<1x512xf32, #tpu.memory_space<any>>) dst(%dma_wait3A_639 : memref<1x512xf32, #tpu.memory_space<vmem>>)
      %dma_wait3A_642 = arith.constant 9 : i32
      %dma_wait3A_643 = arith.constant 0 : i32
      %dma_wait3A_644 = tpu.memref_slice %arg9[%dma_wait3A_642, %dma_wait3A_643] : memref<77x512xf32, #tpu.memory_space<vmem>> -> memref<1x512xf32, #tpu.memory_space<vmem>>
      %dma_wait3A_645 = arith.constant 0 : i32
      %dma_wait3A_646 = tpu.memref_slice %arg2[%get3A_123, %dma_wait3A_645] : memref<49408x512xf32, #tpu.memory_space<any>> -> memref<1x512xf32, #tpu.memory_space<any>>
      tpu.wait_dma2 semaphore(%arg12 : memref<!tpu.dma_semaphore, #tpu.memory_space<semaphore_mem>>) src(%dma_wait3A_646 : memref<1x512xf32, #tpu.memory_space<any>>) dst(%dma_wait3A_644 : memref<1x512xf32, #tpu.memory_space<vmem>>)
      %dma_wait3A_647 = arith.constant 10 : i32
      %dma_wait3A_648 = arith.constant 0 : i32
      %dma_wait3A_649 = tpu.memref_slice %arg9[%dma_wait3A_647, %dma_wait3A_648] : memref<77x512xf32, #tpu.memory_space<vmem>> -> memref<1x512xf32, #tpu.memory_space<vmem>>
      %dma_wait3A_650 = arith.constant 0 : i32
      %dma_wait3A_651 = tpu.memref_slice %arg2[%get3A_130, %dma_wait3A_650] : memref<49408x512xf32, #tpu.memory_space<any>> -> memref<1x512xf32, #tpu.memory_space<any>>
      tpu.wait_dma2 semaphore(%arg12 : memref<!tpu.dma_semaphore, #tpu.memory_space<semaphore_mem>>) src(%dma_wait3A_651 : memref<1x512xf32, #tpu.memory_space<any>>) dst(%dma_wait3A_649 : memref<1x512xf32, #tpu.memory_space<vmem>>)
      %dma_wait3A_652 = arith.constant 11 : i32
      %dma_wait3A_653 = arith.constant 0 : i32
      %dma_wait3A_654 = tpu.memref_slice %arg9[%dma_wait3A_652, %dma_wait3A_653] : memref<77x512xf32, #tpu.memory_space<vmem>> -> memref<1x512xf32, #tpu.memory_space<vmem>>
      %dma_wait3A_655 = arith.constant 0 : i32
      %dma_wait3A_656 = tpu.memref_slice %arg2[%get3A_137, %dma_wait3A_655] : memref<49408x512xf32, #tpu.memory_space<any>> -> memref<1x512xf32, #tpu.memory_space<any>>
      tpu.wait_dma2 semaphore(%arg12 : memref<!tpu.dma_semaphore, #tpu.memory_space<semaphore_mem>>) src(%dma_wait3A_656 : memref<1x512xf32, #tpu.memory_space<any>>) dst(%dma_wait3A_654 : memref<1x512xf32, #tpu.memory_space<vmem>>)
      %dma_wait3A_657 = arith.constant 12 : i32
      %dma_wait3A_658 = arith.constant 0 : i32
      %dma_wait3A_659 = tpu.memref_slice %arg9[%dma_wait3A_657, %dma_wait3A_658] : memref<77x512xf32, #tpu.memory_space<vmem>> -> memref<1x512xf32, #tpu.memory_space<vmem>>
      %dma_wait3A_660 = arith.constant 0 : i32
      %dma_wait3A_661 = tpu.memref_slice %arg2[%get3A_144, %dma_wait3A_660] : memref<49408x512xf32, #tpu.memory_space<any>> -> memref<1x512xf32, #tpu.memory_space<any>>
      tpu.wait_dma2 semaphore(%arg12 : memref<!tpu.dma_semaphore, #tpu.memory_space<semaphore_mem>>) src(%dma_wait3A_661 : memref<1x512xf32, #tpu.memory_space<any>>) dst(%dma_wait3A_659 : memref<1x512xf32, #tpu.memory_space<vmem>>)
      %dma_wait3A_662 = arith.constant 13 : i32
      %dma_wait3A_663 = arith.constant 0 : i32
      %dma_wait3A_664 = tpu.memref_slice %arg9[%dma_wait3A_662, %dma_wait3A_663] : memref<77x512xf32, #tpu.memory_space<vmem>> -> memref<1x512xf32, #tpu.memory_space<vmem>>
      %dma_wait3A_665 = arith.constant 0 : i32
      %dma_wait3A_666 = tpu.memref_slice %arg2[%get3A_151, %dma_wait3A_665] : memref<49408x512xf32, #tpu.memory_space<any>> -> memref<1x512xf32, #tpu.memory_space<any>>
      tpu.wait_dma2 semaphore(%arg12 : memref<!tpu.dma_semaphore, #tpu.memory_space<semaphore_mem>>) src(%dma_wait3A_666 : memref<1x512xf32, #tpu.memory_space<any>>) dst(%dma_wait3A_664 : memref<1x512xf32, #tpu.memory_space<vmem>>)
      %dma_wait3A_667 = arith.constant 14 : i32
      %dma_wait3A_668 = arith.constant 0 : i32
      %dma_wait3A_669 = tpu.memref_slice %arg9[%dma_wait3A_667, %dma_wait3A_668] : memref<77x512xf32, #tpu.memory_space<vmem>> -> memref<1x512xf32, #tpu.memory_space<vmem>>
      %dma_wait3A_670 = arith.constant 0 : i32
      %dma_wait3A_671 = tpu.memref_slice %arg2[%get3A_158, %dma_wait3A_670] : memref<49408x512xf32, #tpu.memory_space<any>> -> memref<1x512xf32, #tpu.memory_space<any>>
      tpu.wait_dma2 semaphore(%arg12 : memref<!tpu.dma_semaphore, #tpu.memory_space<semaphore_mem>>) src(%dma_wait3A_671 : memref<1x512xf32, #tpu.memory_space<any>>) dst(%dma_wait3A_669 : memref<1x512xf32, #tpu.memory_space<vmem>>)
      %dma_wait3A_672 = arith.constant 15 : i32
      %dma_wait3A_673 = arith.constant 0 : i32
      %dma_wait3A_674 = tpu.memref_slice %arg9[%dma_wait3A_672, %dma_wait3A_673] : memref<77x512xf32, #tpu.memory_space<vmem>> -> memref<1x512xf32, #tpu.memory_space<vmem>>
      %dma_wait3A_675 = arith.constant 0 : i32
      %dma_wait3A_676 = tpu.memref_slice %arg2[%get3A_165, %dma_wait3A_675] : memref<49408x512xf32, #tpu.memory_space<any>> -> memref<1x512xf32, #tpu.memory_space<any>>
      tpu.wait_dma2 semaphore(%arg12 : memref<!tpu.dma_semaphore, #tpu.memory_space<semaphore_mem>>) src(%dma_wait3A_676 : memref<1x512xf32, #tpu.memory_space<any>>) dst(%dma_wait3A_674 : memref<1x512xf32, #tpu.memory_space<vmem>>)
      %dma_wait3A_677 = arith.constant 16 : i32
      %dma_wait3A_678 = arith.constant 0 : i32
      %dma_wait3A_679 = tpu.memref_slice %arg9[%dma_wait3A_677, %dma_wait3A_678] : memref<77x512xf32, #tpu.memory_space<vmem>> -> memref<1x512xf32, #tpu.memory_space<vmem>>
      %dma_wait3A_680 = arith.constant 0 : i32
      %dma_wait3A_681 = tpu.memref_slice %arg2[%get3A_172, %dma_wait3A_680] : memref<49408x512xf32, #tpu.memory_space<any>> -> memref<1x512xf32, #tpu.memory_space<any>>
      tpu.wait_dma2 semaphore(%arg12 : memref<!tpu.dma_semaphore, #tpu.memory_space<semaphore_mem>>) src(%dma_wait3A_681 : memref<1x512xf32, #tpu.memory_space<any>>) dst(%dma_wait3A_679 : memref<1x512xf32, #tpu.memory_space<vmem>>)
      %dma_wait3A_682 = arith.constant 17 : i32
      %dma_wait3A_683 = arith.constant 0 : i32
      %dma_wait3A_684 = tpu.memref_slice %arg9[%dma_wait3A_682, %dma_wait3A_683] : memref<77x512xf32, #tpu.memory_space<vmem>> -> memref<1x512xf32, #tpu.memory_space<vmem>>
      %dma_wait3A_685 = arith.constant 0 : i32
      %dma_wait3A_686 = tpu.memref_slice %arg2[%get3A_179, %dma_wait3A_685] : memref<49408x512xf32, #tpu.memory_space<any>> -> memref<1x512xf32, #tpu.memory_space<any>>
      tpu.wait_dma2 semaphore(%arg12 : memref<!tpu.dma_semaphore, #tpu.memory_space<semaphore_mem>>) src(%dma_wait3A_686 : memref<1x512xf32, #tpu.memory_space<any>>) dst(%dma_wait3A_684 : memref<1x512xf32, #tpu.memory_space<vmem>>)
      %dma_wait3A_687 = arith.constant 18 : i32
      %dma_wait3A_688 = arith.constant 0 : i32
      %dma_wait3A_689 = tpu.memref_slice %arg9[%dma_wait3A_687, %dma_wait3A_688] : memref<77x512xf32, #tpu.memory_space<vmem>> -> memref<1x512xf32, #tpu.memory_space<vmem>>
      %dma_wait3A_690 = arith.constant 0 : i32
      %dma_wait3A_691 = tpu.memref_slice %arg2[%get3A_186, %dma_wait3A_690] : memref<49408x512xf32, #tpu.memory_space<any>> -> memref<1x512xf32, #tpu.memory_space<any>>
      tpu.wait_dma2 semaphore(%arg12 : memref<!tpu.dma_semaphore, #tpu.memory_space<semaphore_mem>>) src(%dma_wait3A_691 : memref<1x512xf32, #tpu.memory_space<any>>) dst(%dma_wait3A_689 : memref<1x512xf32, #tpu.memory_space<vmem>>)
      %dma_wait3A_692 = arith.constant 19 : i32
      %dma_wait3A_693 = arith.constant 0 : i32
      %dma_wait3A_694 = tpu.memref_slice %arg9[%dma_wait3A_692, %dma_wait3A_693] : memref<77x512xf32, #tpu.memory_space<vmem>> -> memref<1x512xf32, #tpu.memory_space<vmem>>
      %dma_wait3A_695 = arith.constant 0 : i32
      %dma_wait3A_696 = tpu.memref_slice %arg2[%get3A_193, %dma_wait3A_695] : memref<49408x512xf32, #tpu.memory_space<any>> -> memref<1x512xf32, #tpu.memory_space<any>>
      tpu.wait_dma2 semaphore(%arg12 : memref<!tpu.dma_semaphore, #tpu.memory_space<semaphore_mem>>) src(%dma_wait3A_696 : memref<1x512xf32, #tpu.memory_space<any>>) dst(%dma_wait3A_694 : memref<1x512xf32, #tpu.memory_space<vmem>>)
      %dma_wait3A_697 = arith.constant 20 : i32
      %dma_wait3A_698 = arith.constant 0 : i32
      %dma_wait3A_699 = tpu.memref_slice %arg9[%dma_wait3A_697, %dma_wait3A_698] : memref<77x512xf32, #tpu.memory_space<vmem>> -> memref<1x512xf32, #tpu.memory_space<vmem>>
      %dma_wait3A_700 = arith.constant 0 : i32
      %dma_wait3A_701 = tpu.memref_slice %arg2[%get3A_200, %dma_wait3A_700] : memref<49408x512xf32, #tpu.memory_space<any>> -> memref<1x512xf32, #tpu.memory_space<any>>
      tpu.wait_dma2 semaphore(%arg12 : memref<!tpu.dma_semaphore, #tpu.memory_space<semaphore_mem>>) src(%dma_wait3A_701 : memref<1x512xf32, #tpu.memory_space<any>>) dst(%dma_wait3A_699 : memref<1x512xf32, #tpu.memory_space<vmem>>)
      %dma_wait3A_702 = arith.constant 21 : i32
      %dma_wait3A_703 = arith.constant 0 : i32
      %dma_wait3A_704 = tpu.memref_slice %arg9[%dma_wait3A_702, %dma_wait3A_703] : memref<77x512xf32, #tpu.memory_space<vmem>> -> memref<1x512xf32, #tpu.memory_space<vmem>>
      %dma_wait3A_705 = arith.constant 0 : i32
      %dma_wait3A_706 = tpu.memref_slice %arg2[%get3A_207, %dma_wait3A_705] : memref<49408x512xf32, #tpu.memory_space<any>> -> memref<1x512xf32, #tpu.memory_space<any>>
      tpu.wait_dma2 semaphore(%arg12 : memref<!tpu.dma_semaphore, #tpu.memory_space<semaphore_mem>>) src(%dma_wait3A_706 : memref<1x512xf32, #tpu.memory_space<any>>) dst(%dma_wait3A_704 : memref<1x512xf32, #tpu.memory_space<vmem>>)
      %dma_wait3A_707 = arith.constant 22 : i32
      %dma_wait3A_708 = arith.constant 0 : i32
      %dma_wait3A_709 = tpu.memref_slice %arg9[%dma_wait3A_707, %dma_wait3A_708] : memref<77x512xf32, #tpu.memory_space<vmem>> -> memref<1x512xf32, #tpu.memory_space<vmem>>
      %dma_wait3A_710 = arith.constant 0 : i32
      %dma_wait3A_711 = tpu.memref_slice %arg2[%get3A_214, %dma_wait3A_710] : memref<49408x512xf32, #tpu.memory_space<any>> -> memref<1x512xf32, #tpu.memory_space<any>>
      tpu.wait_dma2 semaphore(%arg12 : memref<!tpu.dma_semaphore, #tpu.memory_space<semaphore_mem>>) src(%dma_wait3A_711 : memref<1x512xf32, #tpu.memory_space<any>>) dst(%dma_wait3A_709 : memref<1x512xf32, #tpu.memory_space<vmem>>)
      %dma_wait3A_712 = arith.constant 23 : i32
      %dma_wait3A_713 = arith.constant 0 : i32
      %dma_wait3A_714 = tpu.memref_slice %arg9[%dma_wait3A_712, %dma_wait3A_713] : memref<77x512xf32, #tpu.memory_space<vmem>> -> memref<1x512xf32, #tpu.memory_space<vmem>>
      %dma_wait3A_715 = arith.constant 0 : i32
      %dma_wait3A_716 = tpu.memref_slice %arg2[%get3A_221, %dma_wait3A_715] : memref<49408x512xf32, #tpu.memory_space<any>> -> memref<1x512xf32, #tpu.memory_space<any>>
      tpu.wait_dma2 semaphore(%arg12 : memref<!tpu.dma_semaphore, #tpu.memory_space<semaphore_mem>>) src(%dma_wait3A_716 : memref<1x512xf32, #tpu.memory_space<any>>) dst(%dma_wait3A_714 : memref<1x512xf32, #tpu.memory_space<vmem>>)
      %dma_wait3A_717 = arith.constant 24 : i32
      %dma_wait3A_718 = arith.constant 0 : i32
      %dma_wait3A_719 = tpu.memref_slice %arg9[%dma_wait3A_717, %dma_wait3A_718] : memref<77x512xf32, #tpu.memory_space<vmem>> -> memref<1x512xf32, #tpu.memory_space<vmem>>
      %dma_wait3A_720 = arith.constant 0 : i32
      %dma_wait3A_721 = tpu.memref_slice %arg2[%get3A_228, %dma_wait3A_720] : memref<49408x512xf32, #tpu.memory_space<any>> -> memref<1x512xf32, #tpu.memory_space<any>>
      tpu.wait_dma2 semaphore(%arg12 : memref<!tpu.dma_semaphore, #tpu.memory_space<semaphore_mem>>) src(%dma_wait3A_721 : memref<1x512xf32, #tpu.memory_space<any>>) dst(%dma_wait3A_719 : memref<1x512xf32, #tpu.memory_space<vmem>>)
      %dma_wait3A_722 = arith.constant 25 : i32
      %dma_wait3A_723 = arith.constant 0 : i32
      %dma_wait3A_724 = tpu.memref_slice %arg9[%dma_wait3A_722, %dma_wait3A_723] : memref<77x512xf32, #tpu.memory_space<vmem>> -> memref<1x512xf32, #tpu.memory_space<vmem>>
      %dma_wait3A_725 = arith.constant 0 : i32
      %dma_wait3A_726 = tpu.memref_slice %arg2[%get3A_235, %dma_wait3A_725] : memref<49408x512xf32, #tpu.memory_space<any>> -> memref<1x512xf32, #tpu.memory_space<any>>
      tpu.wait_dma2 semaphore(%arg12 : memref<!tpu.dma_semaphore, #tpu.memory_space<semaphore_mem>>) src(%dma_wait3A_726 : memref<1x512xf32, #tpu.memory_space<any>>) dst(%dma_wait3A_724 : memref<1x512xf32, #tpu.memory_space<vmem>>)
      %dma_wait3A_727 = arith.constant 26 : i32
      %dma_wait3A_728 = arith.constant 0 : i32
      %dma_wait3A_729 = tpu.memref_slice %arg9[%dma_wait3A_727, %dma_wait3A_728] : memref<77x512xf32, #tpu.memory_space<vmem>> -> memref<1x512xf32, #tpu.memory_space<vmem>>
      %dma_wait3A_730 = arith.constant 0 : i32
      %dma_wait3A_731 = tpu.memref_slice %arg2[%get3A_242, %dma_wait3A_730] : memref<49408x512xf32, #tpu.memory_space<any>> -> memref<1x512xf32, #tpu.memory_space<any>>
      tpu.wait_dma2 semaphore(%arg12 : memref<!tpu.dma_semaphore, #tpu.memory_space<semaphore_mem>>) src(%dma_wait3A_731 : memref<1x512xf32, #tpu.memory_space<any>>) dst(%dma_wait3A_729 : memref<1x512xf32, #tpu.memory_space<vmem>>)
      %dma_wait3A_732 = arith.constant 27 : i32
      %dma_wait3A_733 = arith.constant 0 : i32
      %dma_wait3A_734 = tpu.memref_slice %arg9[%dma_wait3A_732, %dma_wait3A_733] : memref<77x512xf32, #tpu.memory_space<vmem>> -> memref<1x512xf32, #tpu.memory_space<vmem>>
      %dma_wait3A_735 = arith.constant 0 : i32
      %dma_wait3A_736 = tpu.memref_slice %arg2[%get3A_249, %dma_wait3A_735] : memref<49408x512xf32, #tpu.memory_space<any>> -> memref<1x512xf32, #tpu.memory_space<any>>
      tpu.wait_dma2 semaphore(%arg12 : memref<!tpu.dma_semaphore, #tpu.memory_space<semaphore_mem>>) src(%dma_wait3A_736 : memref<1x512xf32, #tpu.memory_space<any>>) dst(%dma_wait3A_734 : memref<1x512xf32, #tpu.memory_space<vmem>>)
      %dma_wait3A_737 = arith.constant 28 : i32
      %dma_wait3A_738 = arith.constant 0 : i32
      %dma_wait3A_739 = tpu.memref_slice %arg9[%dma_wait3A_737, %dma_wait3A_738] : memref<77x512xf32, #tpu.memory_space<vmem>> -> memref<1x512xf32, #tpu.memory_space<vmem>>
      %dma_wait3A_740 = arith.constant 0 : i32
      %dma_wait3A_741 = tpu.memref_slice %arg2[%get3A_256, %dma_wait3A_740] : memref<49408x512xf32, #tpu.memory_space<any>> -> memref<1x512xf32, #tpu.memory_space<any>>
      tpu.wait_dma2 semaphore(%arg12 : memref<!tpu.dma_semaphore, #tpu.memory_space<semaphore_mem>>) src(%dma_wait3A_741 : memref<1x512xf32, #tpu.memory_space<any>>) dst(%dma_wait3A_739 : memref<1x512xf32, #tpu.memory_space<vmem>>)
      %dma_wait3A_742 = arith.constant 29 : i32
      %dma_wait3A_743 = arith.constant 0 : i32
      %dma_wait3A_744 = tpu.memref_slice %arg9[%dma_wait3A_742, %dma_wait3A_743] : memref<77x512xf32, #tpu.memory_space<vmem>> -> memref<1x512xf32, #tpu.memory_space<vmem>>
      %dma_wait3A_745 = arith.constant 0 : i32
      %dma_wait3A_746 = tpu.memref_slice %arg2[%get3A_263, %dma_wait3A_745] : memref<49408x512xf32, #tpu.memory_space<any>> -> memref<1x512xf32, #tpu.memory_space<any>>
      tpu.wait_dma2 semaphore(%arg12 : memref<!tpu.dma_semaphore, #tpu.memory_space<semaphore_mem>>) src(%dma_wait3A_746 : memref<1x512xf32, #tpu.memory_space<any>>) dst(%dma_wait3A_744 : memref<1x512xf32, #tpu.memory_space<vmem>>)
      %dma_wait3A_747 = arith.constant 30 : i32
      %dma_wait3A_748 = arith.constant 0 : i32
      %dma_wait3A_749 = tpu.memref_slice %arg9[%dma_wait3A_747, %dma_wait3A_748] : memref<77x512xf32, #tpu.memory_space<vmem>> -> memref<1x512xf32, #tpu.memory_space<vmem>>
      %dma_wait3A_750 = arith.constant 0 : i32
      %dma_wait3A_751 = tpu.memref_slice %arg2[%get3A_270, %dma_wait3A_750] : memref<49408x512xf32, #tpu.memory_space<any>> -> memref<1x512xf32, #tpu.memory_space<any>>
      tpu.wait_dma2 semaphore(%arg12 : memref<!tpu.dma_semaphore, #tpu.memory_space<semaphore_mem>>) src(%dma_wait3A_751 : memref<1x512xf32, #tpu.memory_space<any>>) dst(%dma_wait3A_749 : memref<1x512xf32, #tpu.memory_space<vmem>>)
      %dma_wait3A_752 = arith.constant 31 : i32
      %dma_wait3A_753 = arith.constant 0 : i32
      %dma_wait3A_754 = tpu.memref_slice %arg9[%dma_wait3A_752, %dma_wait3A_753] : memref<77x512xf32, #tpu.memory_space<vmem>> -> memref<1x512xf32, #tpu.memory_space<vmem>>
      %dma_wait3A_755 = arith.constant 0 : i32
      %dma_wait3A_756 = tpu.memref_slice %arg2[%get3A_277, %dma_wait3A_755] : memref<49408x512xf32, #tpu.memory_space<any>> -> memref<1x512xf32, #tpu.memory_space<any>>
      tpu.wait_dma2 semaphore(%arg12 : memref<!tpu.dma_semaphore, #tpu.memory_space<semaphore_mem>>) src(%dma_wait3A_756 : memref<1x512xf32, #tpu.memory_space<any>>) dst(%dma_wait3A_754 : memref<1x512xf32, #tpu.memory_space<vmem>>)
      %dma_wait3A_757 = arith.constant 32 : i32
      %dma_wait3A_758 = arith.constant 0 : i32
      %dma_wait3A_759 = tpu.memref_slice %arg9[%dma_wait3A_757, %dma_wait3A_758] : memref<77x512xf32, #tpu.memory_space<vmem>> -> memref<1x512xf32, #tpu.memory_space<vmem>>
      %dma_wait3A_760 = arith.constant 0 : i32
      %dma_wait3A_761 = tpu.memref_slice %arg2[%get3A_284, %dma_wait3A_760] : memref<49408x512xf32, #tpu.memory_space<any>> -> memref<1x512xf32, #tpu.memory_space<any>>
      tpu.wait_dma2 semaphore(%arg12 : memref<!tpu.dma_semaphore, #tpu.memory_space<semaphore_mem>>) src(%dma_wait3A_761 : memref<1x512xf32, #tpu.memory_space<any>>) dst(%dma_wait3A_759 : memref<1x512xf32, #tpu.memory_space<vmem>>)
      %dma_wait3A_762 = arith.constant 33 : i32
      %dma_wait3A_763 = arith.constant 0 : i32
      %dma_wait3A_764 = tpu.memref_slice %arg9[%dma_wait3A_762, %dma_wait3A_763] : memref<77x512xf32, #tpu.memory_space<vmem>> -> memref<1x512xf32, #tpu.memory_space<vmem>>
      %dma_wait3A_765 = arith.constant 0 : i32
      %dma_wait3A_766 = tpu.memref_slice %arg2[%get3A_291, %dma_wait3A_765] : memref<49408x512xf32, #tpu.memory_space<any>> -> memref<1x512xf32, #tpu.memory_space<any>>
      tpu.wait_dma2 semaphore(%arg12 : memref<!tpu.dma_semaphore, #tpu.memory_space<semaphore_mem>>) src(%dma_wait3A_766 : memref<1x512xf32, #tpu.memory_space<any>>) dst(%dma_wait3A_764 : memref<1x512xf32, #tpu.memory_space<vmem>>)
      %dma_wait3A_767 = arith.constant 34 : i32
      %dma_wait3A_768 = arith.constant 0 : i32
      %dma_wait3A_769 = tpu.memref_slice %arg9[%dma_wait3A_767, %dma_wait3A_768] : memref<77x512xf32, #tpu.memory_space<vmem>> -> memref<1x512xf32, #tpu.memory_space<vmem>>
      %dma_wait3A_770 = arith.constant 0 : i32
      %dma_wait3A_771 = tpu.memref_slice %arg2[%get3A_298, %dma_wait3A_770] : memref<49408x512xf32, #tpu.memory_space<any>> -> memref<1x512xf32, #tpu.memory_space<any>>
      tpu.wait_dma2 semaphore(%arg12 : memref<!tpu.dma_semaphore, #tpu.memory_space<semaphore_mem>>) src(%dma_wait3A_771 : memref<1x512xf32, #tpu.memory_space<any>>) dst(%dma_wait3A_769 : memref<1x512xf32, #tpu.memory_space<vmem>>)
      %dma_wait3A_772 = arith.constant 35 : i32
      %dma_wait3A_773 = arith.constant 0 : i32
      %dma_wait3A_774 = tpu.memref_slice %arg9[%dma_wait3A_772, %dma_wait3A_773] : memref<77x512xf32, #tpu.memory_space<vmem>> -> memref<1x512xf32, #tpu.memory_space<vmem>>
      %dma_wait3A_775 = arith.constant 0 : i32
      %dma_wait3A_776 = tpu.memref_slice %arg2[%get3A_305, %dma_wait3A_775] : memref<49408x512xf32, #tpu.memory_space<any>> -> memref<1x512xf32, #tpu.memory_space<any>>
      tpu.wait_dma2 semaphore(%arg12 : memref<!tpu.dma_semaphore, #tpu.memory_space<semaphore_mem>>) src(%dma_wait3A_776 : memref<1x512xf32, #tpu.memory_space<any>>) dst(%dma_wait3A_774 : memref<1x512xf32, #tpu.memory_space<vmem>>)
      %dma_wait3A_777 = arith.constant 36 : i32
      %dma_wait3A_778 = arith.constant 0 : i32
      %dma_wait3A_779 = tpu.memref_slice %arg9[%dma_wait3A_777, %dma_wait3A_778] : memref<77x512xf32, #tpu.memory_space<vmem>> -> memref<1x512xf32, #tpu.memory_space<vmem>>
      %dma_wait3A_780 = arith.constant 0 : i32
      %dma_wait3A_781 = tpu.memref_slice %arg2[%get3A_312, %dma_wait3A_780] : memref<49408x512xf32, #tpu.memory_space<any>> -> memref<1x512xf32, #tpu.memory_space<any>>
      tpu.wait_dma2 semaphore(%arg12 : memref<!tpu.dma_semaphore, #tpu.memory_space<semaphore_mem>>) src(%dma_wait3A_781 : memref<1x512xf32, #tpu.memory_space<any>>) dst(%dma_wait3A_779 : memref<1x512xf32, #tpu.memory_space<vmem>>)
      %dma_wait3A_782 = arith.constant 37 : i32
      %dma_wait3A_783 = arith.constant 0 : i32
      %dma_wait3A_784 = tpu.memref_slice %arg9[%dma_wait3A_782, %dma_wait3A_783] : memref<77x512xf32, #tpu.memory_space<vmem>> -> memref<1x512xf32, #tpu.memory_space<vmem>>
      %dma_wait3A_785 = arith.constant 0 : i32
      %dma_wait3A_786 = tpu.memref_slice %arg2[%get3A_319, %dma_wait3A_785] : memref<49408x512xf32, #tpu.memory_space<any>> -> memref<1x512xf32, #tpu.memory_space<any>>
      tpu.wait_dma2 semaphore(%arg12 : memref<!tpu.dma_semaphore, #tpu.memory_space<semaphore_mem>>) src(%dma_wait3A_786 : memref<1x512xf32, #tpu.memory_space<any>>) dst(%dma_wait3A_784 : memref<1x512xf32, #tpu.memory_space<vmem>>)
      %dma_wait3A_787 = arith.constant 38 : i32
      %dma_wait3A_788 = arith.constant 0 : i32
      %dma_wait3A_789 = tpu.memref_slice %arg9[%dma_wait3A_787, %dma_wait3A_788] : memref<77x512xf32, #tpu.memory_space<vmem>> -> memref<1x512xf32, #tpu.memory_space<vmem>>
      %dma_wait3A_790 = arith.constant 0 : i32
      %dma_wait3A_791 = tpu.memref_slice %arg2[%get3A_326, %dma_wait3A_790] : memref<49408x512xf32, #tpu.memory_space<any>> -> memref<1x512xf32, #tpu.memory_space<any>>
      tpu.wait_dma2 semaphore(%arg12 : memref<!tpu.dma_semaphore, #tpu.memory_space<semaphore_mem>>) src(%dma_wait3A_791 : memref<1x512xf32, #tpu.memory_space<any>>) dst(%dma_wait3A_789 : memref<1x512xf32, #tpu.memory_space<vmem>>)
      %dma_wait3A_792 = arith.constant 39 : i32
      %dma_wait3A_793 = arith.constant 0 : i32
      %dma_wait3A_794 = tpu.memref_slice %arg9[%dma_wait3A_792, %dma_wait3A_793] : memref<77x512xf32, #tpu.memory_space<vmem>> -> memref<1x512xf32, #tpu.memory_space<vmem>>
      %dma_wait3A_795 = arith.constant 0 : i32
      %dma_wait3A_796 = tpu.memref_slice %arg2[%get3A_333, %dma_wait3A_795] : memref<49408x512xf32, #tpu.memory_space<any>> -> memref<1x512xf32, #tpu.memory_space<any>>
      tpu.wait_dma2 semaphore(%arg12 : memref<!tpu.dma_semaphore, #tpu.memory_space<semaphore_mem>>) src(%dma_wait3A_796 : memref<1x512xf32, #tpu.memory_space<any>>) dst(%dma_wait3A_794 : memref<1x512xf32, #tpu.memory_space<vmem>>)
      %dma_wait3A_797 = arith.constant 40 : i32
      %dma_wait3A_798 = arith.constant 0 : i32
      %dma_wait3A_799 = tpu.memref_slice %arg9[%dma_wait3A_797, %dma_wait3A_798] : memref<77x512xf32, #tpu.memory_space<vmem>> -> memref<1x512xf32, #tpu.memory_space<vmem>>
      %dma_wait3A_800 = arith.constant 0 : i32
      %dma_wait3A_801 = tpu.memref_slice %arg2[%get3A_340, %dma_wait3A_800] : memref<49408x512xf32, #tpu.memory_space<any>> -> memref<1x512xf32, #tpu.memory_space<any>>
      tpu.wait_dma2 semaphore(%arg12 : memref<!tpu.dma_semaphore, #tpu.memory_space<semaphore_mem>>) src(%dma_wait3A_801 : memref<1x512xf32, #tpu.memory_space<any>>) dst(%dma_wait3A_799 : memref<1x512xf32, #tpu.memory_space<vmem>>)
      %dma_wait3A_802 = arith.constant 41 : i32
      %dma_wait3A_803 = arith.constant 0 : i32
      %dma_wait3A_804 = tpu.memref_slice %arg9[%dma_wait3A_802, %dma_wait3A_803] : memref<77x512xf32, #tpu.memory_space<vmem>> -> memref<1x512xf32, #tpu.memory_space<vmem>>
      %dma_wait3A_805 = arith.constant 0 : i32
      %dma_wait3A_806 = tpu.memref_slice %arg2[%get3A_347, %dma_wait3A_805] : memref<49408x512xf32, #tpu.memory_space<any>> -> memref<1x512xf32, #tpu.memory_space<any>>
      tpu.wait_dma2 semaphore(%arg12 : memref<!tpu.dma_semaphore, #tpu.memory_space<semaphore_mem>>) src(%dma_wait3A_806 : memref<1x512xf32, #tpu.memory_space<any>>) dst(%dma_wait3A_804 : memref<1x512xf32, #tpu.memory_space<vmem>>)
      %dma_wait3A_807 = arith.constant 42 : i32
      %dma_wait3A_808 = arith.constant 0 : i32
      %dma_wait3A_809 = tpu.memref_slice %arg9[%dma_wait3A_807, %dma_wait3A_808] : memref<77x512xf32, #tpu.memory_space<vmem>> -> memref<1x512xf32, #tpu.memory_space<vmem>>
      %dma_wait3A_810 = arith.constant 0 : i32
      %dma_wait3A_811 = tpu.memref_slice %arg2[%get3A_354, %dma_wait3A_810] : memref<49408x512xf32, #tpu.memory_space<any>> -> memref<1x512xf32, #tpu.memory_space<any>>
      tpu.wait_dma2 semaphore(%arg12 : memref<!tpu.dma_semaphore, #tpu.memory_space<semaphore_mem>>) src(%dma_wait3A_811 : memref<1x512xf32, #tpu.memory_space<any>>) dst(%dma_wait3A_809 : memref<1x512xf32, #tpu.memory_space<vmem>>)
      %dma_wait3A_812 = arith.constant 43 : i32
      %dma_wait3A_813 = arith.constant 0 : i32
      %dma_wait3A_814 = tpu.memref_slice %arg9[%dma_wait3A_812, %dma_wait3A_813] : memref<77x512xf32, #tpu.memory_space<vmem>> -> memref<1x512xf32, #tpu.memory_space<vmem>>
      %dma_wait3A_815 = arith.constant 0 : i32
      %dma_wait3A_816 = tpu.memref_slice %arg2[%get3A_361, %dma_wait3A_815] : memref<49408x512xf32, #tpu.memory_space<any>> -> memref<1x512xf32, #tpu.memory_space<any>>
      tpu.wait_dma2 semaphore(%arg12 : memref<!tpu.dma_semaphore, #tpu.memory_space<semaphore_mem>>) src(%dma_wait3A_816 : memref<1x512xf32, #tpu.memory_space<any>>) dst(%dma_wait3A_814 : memref<1x512xf32, #tpu.memory_space<vmem>>)
      %dma_wait3A_817 = arith.constant 44 : i32
      %dma_wait3A_818 = arith.constant 0 : i32
      %dma_wait3A_819 = tpu.memref_slice %arg9[%dma_wait3A_817, %dma_wait3A_818] : memref<77x512xf32, #tpu.memory_space<vmem>> -> memref<1x512xf32, #tpu.memory_space<vmem>>
      %dma_wait3A_820 = arith.constant 0 : i32
      %dma_wait3A_821 = tpu.memref_slice %arg2[%get3A_368, %dma_wait3A_820] : memref<49408x512xf32, #tpu.memory_space<any>> -> memref<1x512xf32, #tpu.memory_space<any>>
      tpu.wait_dma2 semaphore(%arg12 : memref<!tpu.dma_semaphore, #tpu.memory_space<semaphore_mem>>) src(%dma_wait3A_821 : memref<1x512xf32, #tpu.memory_space<any>>) dst(%dma_wait3A_819 : memref<1x512xf32, #tpu.memory_space<vmem>>)
      %dma_wait3A_822 = arith.constant 45 : i32
      %dma_wait3A_823 = arith.constant 0 : i32
      %dma_wait3A_824 = tpu.memref_slice %arg9[%dma_wait3A_822, %dma_wait3A_823] : memref<77x512xf32, #tpu.memory_space<vmem>> -> memref<1x512xf32, #tpu.memory_space<vmem>>
      %dma_wait3A_825 = arith.constant 0 : i32
      %dma_wait3A_826 = tpu.memref_slice %arg2[%get3A_375, %dma_wait3A_825] : memref<49408x512xf32, #tpu.memory_space<any>> -> memref<1x512xf32, #tpu.memory_space<any>>
      tpu.wait_dma2 semaphore(%arg12 : memref<!tpu.dma_semaphore, #tpu.memory_space<semaphore_mem>>) src(%dma_wait3A_826 : memref<1x512xf32, #tpu.memory_space<any>>) dst(%dma_wait3A_824 : memref<1x512xf32, #tpu.memory_space<vmem>>)
      %dma_wait3A_827 = arith.constant 46 : i32
      %dma_wait3A_828 = arith.constant 0 : i32
      %dma_wait3A_829 = tpu.memref_slice %arg9[%dma_wait3A_827, %dma_wait3A_828] : memref<77x512xf32, #tpu.memory_space<vmem>> -> memref<1x512xf32, #tpu.memory_space<vmem>>
      %dma_wait3A_830 = arith.constant 0 : i32
      %dma_wait3A_831 = tpu.memref_slice %arg2[%get3A_382, %dma_wait3A_830] : memref<49408x512xf32, #tpu.memory_space<any>> -> memref<1x512xf32, #tpu.memory_space<any>>
      tpu.wait_dma2 semaphore(%arg12 : memref<!tpu.dma_semaphore, #tpu.memory_space<semaphore_mem>>) src(%dma_wait3A_831 : memref<1x512xf32, #tpu.memory_space<any>>) dst(%dma_wait3A_829 : memref<1x512xf32, #tpu.memory_space<vmem>>)
      %dma_wait3A_832 = arith.constant 47 : i32
      %dma_wait3A_833 = arith.constant 0 : i32
      %dma_wait3A_834 = tpu.memref_slice %arg9[%dma_wait3A_832, %dma_wait3A_833] : memref<77x512xf32, #tpu.memory_space<vmem>> -> memref<1x512xf32, #tpu.memory_space<vmem>>
      %dma_wait3A_835 = arith.constant 0 : i32
      %dma_wait3A_836 = tpu.memref_slice %arg2[%get3A_389, %dma_wait3A_835] : memref<49408x512xf32, #tpu.memory_space<any>> -> memref<1x512xf32, #tpu.memory_space<any>>
      tpu.wait_dma2 semaphore(%arg12 : memref<!tpu.dma_semaphore, #tpu.memory_space<semaphore_mem>>) src(%dma_wait3A_836 : memref<1x512xf32, #tpu.memory_space<any>>) dst(%dma_wait3A_834 : memref<1x512xf32, #tpu.memory_space<vmem>>)
      %dma_wait3A_837 = arith.constant 48 : i32
      %dma_wait3A_838 = arith.constant 0 : i32
      %dma_wait3A_839 = tpu.memref_slice %arg9[%dma_wait3A_837, %dma_wait3A_838] : memref<77x512xf32, #tpu.memory_space<vmem>> -> memref<1x512xf32, #tpu.memory_space<vmem>>
      %dma_wait3A_840 = arith.constant 0 : i32
      %dma_wait3A_841 = tpu.memref_slice %arg2[%get3A_396, %dma_wait3A_840] : memref<49408x512xf32, #tpu.memory_space<any>> -> memref<1x512xf32, #tpu.memory_space<any>>
      tpu.wait_dma2 semaphore(%arg12 : memref<!tpu.dma_semaphore, #tpu.memory_space<semaphore_mem>>) src(%dma_wait3A_841 : memref<1x512xf32, #tpu.memory_space<any>>) dst(%dma_wait3A_839 : memref<1x512xf32, #tpu.memory_space<vmem>>)
      %dma_wait3A_842 = arith.constant 49 : i32
      %dma_wait3A_843 = arith.constant 0 : i32
      %dma_wait3A_844 = tpu.memref_slice %arg9[%dma_wait3A_842, %dma_wait3A_843] : memref<77x512xf32, #tpu.memory_space<vmem>> -> memref<1x512xf32, #tpu.memory_space<vmem>>
      %dma_wait3A_845 = arith.constant 0 : i32
      %dma_wait3A_846 = tpu.memref_slice %arg2[%get3A_403, %dma_wait3A_845] : memref<49408x512xf32, #tpu.memory_space<any>> -> memref<1x512xf32, #tpu.memory_space<any>>
      tpu.wait_dma2 semaphore(%arg12 : memref<!tpu.dma_semaphore, #tpu.memory_space<semaphore_mem>>) src(%dma_wait3A_846 : memref<1x512xf32, #tpu.memory_space<any>>) dst(%dma_wait3A_844 : memref<1x512xf32, #tpu.memory_space<vmem>>)
      %dma_wait3A_847 = arith.constant 50 : i32
      %dma_wait3A_848 = arith.constant 0 : i32
      %dma_wait3A_849 = tpu.memref_slice %arg9[%dma_wait3A_847, %dma_wait3A_848] : memref<77x512xf32, #tpu.memory_space<vmem>> -> memref<1x512xf32, #tpu.memory_space<vmem>>
      %dma_wait3A_850 = arith.constant 0 : i32
      %dma_wait3A_851 = tpu.memref_slice %arg2[%get3A_410, %dma_wait3A_850] : memref<49408x512xf32, #tpu.memory_space<any>> -> memref<1x512xf32, #tpu.memory_space<any>>
      tpu.wait_dma2 semaphore(%arg12 : memref<!tpu.dma_semaphore, #tpu.memory_space<semaphore_mem>>) src(%dma_wait3A_851 : memref<1x512xf32, #tpu.memory_space<any>>) dst(%dma_wait3A_849 : memref<1x512xf32, #tpu.memory_space<vmem>>)
      %dma_wait3A_852 = arith.constant 51 : i32
      %dma_wait3A_853 = arith.constant 0 : i32
      %dma_wait3A_854 = tpu.memref_slice %arg9[%dma_wait3A_852, %dma_wait3A_853] : memref<77x512xf32, #tpu.memory_space<vmem>> -> memref<1x512xf32, #tpu.memory_space<vmem>>
      %dma_wait3A_855 = arith.constant 0 : i32
      %dma_wait3A_856 = tpu.memref_slice %arg2[%get3A_417, %dma_wait3A_855] : memref<49408x512xf32, #tpu.memory_space<any>> -> memref<1x512xf32, #tpu.memory_space<any>>
      tpu.wait_dma2 semaphore(%arg12 : memref<!tpu.dma_semaphore, #tpu.memory_space<semaphore_mem>>) src(%dma_wait3A_856 : memref<1x512xf32, #tpu.memory_space<any>>) dst(%dma_wait3A_854 : memref<1x512xf32, #tpu.memory_space<vmem>>)
      %dma_wait3A_857 = arith.constant 52 : i32
      %dma_wait3A_858 = arith.constant 0 : i32
      %dma_wait3A_859 = tpu.memref_slice %arg9[%dma_wait3A_857, %dma_wait3A_858] : memref<77x512xf32, #tpu.memory_space<vmem>> -> memref<1x512xf32, #tpu.memory_space<vmem>>
      %dma_wait3A_860 = arith.constant 0 : i32
      %dma_wait3A_861 = tpu.memref_slice %arg2[%get3A_424, %dma_wait3A_860] : memref<49408x512xf32, #tpu.memory_space<any>> -> memref<1x512xf32, #tpu.memory_space<any>>
      tpu.wait_dma2 semaphore(%arg12 : memref<!tpu.dma_semaphore, #tpu.memory_space<semaphore_mem>>) src(%dma_wait3A_861 : memref<1x512xf32, #tpu.memory_space<any>>) dst(%dma_wait3A_859 : memref<1x512xf32, #tpu.memory_space<vmem>>)
      %dma_wait3A_862 = arith.constant 53 : i32
      %dma_wait3A_863 = arith.constant 0 : i32
      %dma_wait3A_864 = tpu.memref_slice %arg9[%dma_wait3A_862, %dma_wait3A_863] : memref<77x512xf32, #tpu.memory_space<vmem>> -> memref<1x512xf32, #tpu.memory_space<vmem>>
      %dma_wait3A_865 = arith.constant 0 : i32
      %dma_wait3A_866 = tpu.memref_slice %arg2[%get3A_431, %dma_wait3A_865] : memref<49408x512xf32, #tpu.memory_space<any>> -> memref<1x512xf32, #tpu.memory_space<any>>
      tpu.wait_dma2 semaphore(%arg12 : memref<!tpu.dma_semaphore, #tpu.memory_space<semaphore_mem>>) src(%dma_wait3A_866 : memref<1x512xf32, #tpu.memory_space<any>>) dst(%dma_wait3A_864 : memref<1x512xf32, #tpu.memory_space<vmem>>)
      %dma_wait3A_867 = arith.constant 54 : i32
      %dma_wait3A_868 = arith.constant 0 : i32
      %dma_wait3A_869 = tpu.memref_slice %arg9[%dma_wait3A_867, %dma_wait3A_868] : memref<77x512xf32, #tpu.memory_space<vmem>> -> memref<1x512xf32, #tpu.memory_space<vmem>>
      %dma_wait3A_870 = arith.constant 0 : i32
      %dma_wait3A_871 = tpu.memref_slice %arg2[%get3A_438, %dma_wait3A_870] : memref<49408x512xf32, #tpu.memory_space<any>> -> memref<1x512xf32, #tpu.memory_space<any>>
      tpu.wait_dma2 semaphore(%arg12 : memref<!tpu.dma_semaphore, #tpu.memory_space<semaphore_mem>>) src(%dma_wait3A_871 : memref<1x512xf32, #tpu.memory_space<any>>) dst(%dma_wait3A_869 : memref<1x512xf32, #tpu.memory_space<vmem>>)
      %dma_wait3A_872 = arith.constant 55 : i32
      %dma_wait3A_873 = arith.constant 0 : i32
      %dma_wait3A_874 = tpu.memref_slice %arg9[%dma_wait3A_872, %dma_wait3A_873] : memref<77x512xf32, #tpu.memory_space<vmem>> -> memref<1x512xf32, #tpu.memory_space<vmem>>
      %dma_wait3A_875 = arith.constant 0 : i32
      %dma_wait3A_876 = tpu.memref_slice %arg2[%get3A_445, %dma_wait3A_875] : memref<49408x512xf32, #tpu.memory_space<any>> -> memref<1x512xf32, #tpu.memory_space<any>>
      tpu.wait_dma2 semaphore(%arg12 : memref<!tpu.dma_semaphore, #tpu.memory_space<semaphore_mem>>) src(%dma_wait3A_876 : memref<1x512xf32, #tpu.memory_space<any>>) dst(%dma_wait3A_874 : memref<1x512xf32, #tpu.memory_space<vmem>>)
      %dma_wait3A_877 = arith.constant 56 : i32
      %dma_wait3A_878 = arith.constant 0 : i32
      %dma_wait3A_879 = tpu.memref_slice %arg9[%dma_wait3A_877, %dma_wait3A_878] : memref<77x512xf32, #tpu.memory_space<vmem>> -> memref<1x512xf32, #tpu.memory_space<vmem>>
      %dma_wait3A_880 = arith.constant 0 : i32
      %dma_wait3A_881 = tpu.memref_slice %arg2[%get3A_452, %dma_wait3A_880] : memref<49408x512xf32, #tpu.memory_space<any>> -> memref<1x512xf32, #tpu.memory_space<any>>
      tpu.wait_dma2 semaphore(%arg12 : memref<!tpu.dma_semaphore, #tpu.memory_space<semaphore_mem>>) src(%dma_wait3A_881 : memref<1x512xf32, #tpu.memory_space<any>>) dst(%dma_wait3A_879 : memref<1x512xf32, #tpu.memory_space<vmem>>)
      %dma_wait3A_882 = arith.constant 57 : i32
      %dma_wait3A_883 = arith.constant 0 : i32
      %dma_wait3A_884 = tpu.memref_slice %arg9[%dma_wait3A_882, %dma_wait3A_883] : memref<77x512xf32, #tpu.memory_space<vmem>> -> memref<1x512xf32, #tpu.memory_space<vmem>>
      %dma_wait3A_885 = arith.constant 0 : i32
      %dma_wait3A_886 = tpu.memref_slice %arg2[%get3A_459, %dma_wait3A_885] : memref<49408x512xf32, #tpu.memory_space<any>> -> memref<1x512xf32, #tpu.memory_space<any>>
      tpu.wait_dma2 semaphore(%arg12 : memref<!tpu.dma_semaphore, #tpu.memory_space<semaphore_mem>>) src(%dma_wait3A_886 : memref<1x512xf32, #tpu.memory_space<any>>) dst(%dma_wait3A_884 : memref<1x512xf32, #tpu.memory_space<vmem>>)
      %dma_wait3A_887 = arith.constant 58 : i32
      %dma_wait3A_888 = arith.constant 0 : i32
      %dma_wait3A_889 = tpu.memref_slice %arg9[%dma_wait3A_887, %dma_wait3A_888] : memref<77x512xf32, #tpu.memory_space<vmem>> -> memref<1x512xf32, #tpu.memory_space<vmem>>
      %dma_wait3A_890 = arith.constant 0 : i32
      %dma_wait3A_891 = tpu.memref_slice %arg2[%get3A_466, %dma_wait3A_890] : memref<49408x512xf32, #tpu.memory_space<any>> -> memref<1x512xf32, #tpu.memory_space<any>>
      tpu.wait_dma2 semaphore(%arg12 : memref<!tpu.dma_semaphore, #tpu.memory_space<semaphore_mem>>) src(%dma_wait3A_891 : memref<1x512xf32, #tpu.memory_space<any>>) dst(%dma_wait3A_889 : memref<1x512xf32, #tpu.memory_space<vmem>>)
      %dma_wait3A_892 = arith.constant 59 : i32
      %dma_wait3A_893 = arith.constant 0 : i32
      %dma_wait3A_894 = tpu.memref_slice %arg9[%dma_wait3A_892, %dma_wait3A_893] : memref<77x512xf32, #tpu.memory_space<vmem>> -> memref<1x512xf32, #tpu.memory_space<vmem>>
      %dma_wait3A_895 = arith.constant 0 : i32
      %dma_wait3A_896 = tpu.memref_slice %arg2[%get3A_473, %dma_wait3A_895] : memref<49408x512xf32, #tpu.memory_space<any>> -> memref<1x512xf32, #tpu.memory_space<any>>
      tpu.wait_dma2 semaphore(%arg12 : memref<!tpu.dma_semaphore, #tpu.memory_space<semaphore_mem>>) src(%dma_wait3A_896 : memref<1x512xf32, #tpu.memory_space<any>>) dst(%dma_wait3A_894 : memref<1x512xf32, #tpu.memory_space<vmem>>)
      %dma_wait3A_897 = arith.constant 60 : i32
      %dma_wait3A_898 = arith.constant 0 : i32
      %dma_wait3A_899 = tpu.memref_slice %arg9[%dma_wait3A_897, %dma_wait3A_898] : memref<77x512xf32, #tpu.memory_space<vmem>> -> memref<1x512xf32, #tpu.memory_space<vmem>>
      %dma_wait3A_900 = arith.constant 0 : i32
      %dma_wait3A_901 = tpu.memref_slice %arg2[%get3A_480, %dma_wait3A_900] : memref<49408x512xf32, #tpu.memory_space<any>> -> memref<1x512xf32, #tpu.memory_space<any>>
      tpu.wait_dma2 semaphore(%arg12 : memref<!tpu.dma_semaphore, #tpu.memory_space<semaphore_mem>>) src(%dma_wait3A_901 : memref<1x512xf32, #tpu.memory_space<any>>) dst(%dma_wait3A_899 : memref<1x512xf32, #tpu.memory_space<vmem>>)
      %dma_wait3A_902 = arith.constant 61 : i32
      %dma_wait3A_903 = arith.constant 0 : i32
      %dma_wait3A_904 = tpu.memref_slice %arg9[%dma_wait3A_902, %dma_wait3A_903] : memref<77x512xf32, #tpu.memory_space<vmem>> -> memref<1x512xf32, #tpu.memory_space<vmem>>
      %dma_wait3A_905 = arith.constant 0 : i32
      %dma_wait3A_906 = tpu.memref_slice %arg2[%get3A_487, %dma_wait3A_905] : memref<49408x512xf32, #tpu.memory_space<any>> -> memref<1x512xf32, #tpu.memory_space<any>>
      tpu.wait_dma2 semaphore(%arg12 : memref<!tpu.dma_semaphore, #tpu.memory_space<semaphore_mem>>) src(%dma_wait3A_906 : memref<1x512xf32, #tpu.memory_space<any>>) dst(%dma_wait3A_904 : memref<1x512xf32, #tpu.memory_space<vmem>>)
      %dma_wait3A_907 = arith.constant 62 : i32
      %dma_wait3A_908 = arith.constant 0 : i32
      %dma_wait3A_909 = tpu.memref_slice %arg9[%dma_wait3A_907, %dma_wait3A_908] : memref<77x512xf32, #tpu.memory_space<vmem>> -> memref<1x512xf32, #tpu.memory_space<vmem>>
      %dma_wait3A_910 = arith.constant 0 : i32
      %dma_wait3A_911 = tpu.memref_slice %arg2[%get3A_494, %dma_wait3A_910] : memref<49408x512xf32, #tpu.memory_space<any>> -> memref<1x512xf32, #tpu.memory_space<any>>
      tpu.wait_dma2 semaphore(%arg12 : memref<!tpu.dma_semaphore, #tpu.memory_space<semaphore_mem>>) src(%dma_wait3A_911 : memref<1x512xf32, #tpu.memory_space<any>>) dst(%dma_wait3A_909 : memref<1x512xf32, #tpu.memory_space<vmem>>)
      %dma_wait3A_912 = arith.constant 63 : i32
      %dma_wait3A_913 = arith.constant 0 : i32
      %dma_wait3A_914 = tpu.memref_slice %arg9[%dma_wait3A_912, %dma_wait3A_913] : memref<77x512xf32, #tpu.memory_space<vmem>> -> memref<1x512xf32, #tpu.memory_space<vmem>>
      %dma_wait3A_915 = arith.constant 0 : i32
      %dma_wait3A_916 = tpu.memref_slice %arg2[%get3A_501, %dma_wait3A_915] : memref<49408x512xf32, #tpu.memory_space<any>> -> memref<1x512xf32, #tpu.memory_space<any>>
      tpu.wait_dma2 semaphore(%arg12 : memref<!tpu.dma_semaphore, #tpu.memory_space<semaphore_mem>>) src(%dma_wait3A_916 : memref<1x512xf32, #tpu.memory_space<any>>) dst(%dma_wait3A_914 : memref<1x512xf32, #tpu.memory_space<vmem>>)
      %dma_wait3A_917 = arith.constant 64 : i32
      %dma_wait3A_918 = arith.constant 0 : i32
      %dma_wait3A_919 = tpu.memref_slice %arg9[%dma_wait3A_917, %dma_wait3A_918] : memref<77x512xf32, #tpu.memory_space<vmem>> -> memref<1x512xf32, #tpu.memory_space<vmem>>
      %dma_wait3A_920 = arith.constant 0 : i32
      %dma_wait3A_921 = tpu.memref_slice %arg2[%get3A_508, %dma_wait3A_920] : memref<49408x512xf32, #tpu.memory_space<any>> -> memref<1x512xf32, #tpu.memory_space<any>>
      tpu.wait_dma2 semaphore(%arg12 : memref<!tpu.dma_semaphore, #tpu.memory_space<semaphore_mem>>) src(%dma_wait3A_921 : memref<1x512xf32, #tpu.memory_space<any>>) dst(%dma_wait3A_919 : memref<1x512xf32, #tpu.memory_space<vmem>>)
      %dma_wait3A_922 = arith.constant 65 : i32
      %dma_wait3A_923 = arith.constant 0 : i32
      %dma_wait3A_924 = tpu.memref_slice %arg9[%dma_wait3A_922, %dma_wait3A_923] : memref<77x512xf32, #tpu.memory_space<vmem>> -> memref<1x512xf32, #tpu.memory_space<vmem>>
      %dma_wait3A_925 = arith.constant 0 : i32
      %dma_wait3A_926 = tpu.memref_slice %arg2[%get3A_515, %dma_wait3A_925] : memref<49408x512xf32, #tpu.memory_space<any>> -> memref<1x512xf32, #tpu.memory_space<any>>
      tpu.wait_dma2 semaphore(%arg12 : memref<!tpu.dma_semaphore, #tpu.memory_space<semaphore_mem>>) src(%dma_wait3A_926 : memref<1x512xf32, #tpu.memory_space<any>>) dst(%dma_wait3A_924 : memref<1x512xf32, #tpu.memory_space<vmem>>)
      %dma_wait3A_927 = arith.constant 66 : i32
      %dma_wait3A_928 = arith.constant 0 : i32
      %dma_wait3A_929 = tpu.memref_slice %arg9[%dma_wait3A_927, %dma_wait3A_928] : memref<77x512xf32, #tpu.memory_space<vmem>> -> memref<1x512xf32, #tpu.memory_space<vmem>>
      %dma_wait3A_930 = arith.constant 0 : i32
      %dma_wait3A_931 = tpu.memref_slice %arg2[%get3A_522, %dma_wait3A_930] : memref<49408x512xf32, #tpu.memory_space<any>> -> memref<1x512xf32, #tpu.memory_space<any>>
      tpu.wait_dma2 semaphore(%arg12 : memref<!tpu.dma_semaphore, #tpu.memory_space<semaphore_mem>>) src(%dma_wait3A_931 : memref<1x512xf32, #tpu.memory_space<any>>) dst(%dma_wait3A_929 : memref<1x512xf32, #tpu.memory_space<vmem>>)
      %dma_wait3A_932 = arith.constant 67 : i32
      %dma_wait3A_933 = arith.constant 0 : i32
      %dma_wait3A_934 = tpu.memref_slice %arg9[%dma_wait3A_932, %dma_wait3A_933] : memref<77x512xf32, #tpu.memory_space<vmem>> -> memref<1x512xf32, #tpu.memory_space<vmem>>
      %dma_wait3A_935 = arith.constant 0 : i32
      %dma_wait3A_936 = tpu.memref_slice %arg2[%get3A_529, %dma_wait3A_935] : memref<49408x512xf32, #tpu.memory_space<any>> -> memref<1x512xf32, #tpu.memory_space<any>>
      tpu.wait_dma2 semaphore(%arg12 : memref<!tpu.dma_semaphore, #tpu.memory_space<semaphore_mem>>) src(%dma_wait3A_936 : memref<1x512xf32, #tpu.memory_space<any>>) dst(%dma_wait3A_934 : memref<1x512xf32, #tpu.memory_space<vmem>>)
      %dma_wait3A_937 = arith.constant 68 : i32
      %dma_wait3A_938 = arith.constant 0 : i32
      %dma_wait3A_939 = tpu.memref_slice %arg9[%dma_wait3A_937, %dma_wait3A_938] : memref<77x512xf32, #tpu.memory_space<vmem>> -> memref<1x512xf32, #tpu.memory_space<vmem>>
      %dma_wait3A_940 = arith.constant 0 : i32
      %dma_wait3A_941 = tpu.memref_slice %arg2[%get3A_536, %dma_wait3A_940] : memref<49408x512xf32, #tpu.memory_space<any>> -> memref<1x512xf32, #tpu.memory_space<any>>
      tpu.wait_dma2 semaphore(%arg12 : memref<!tpu.dma_semaphore, #tpu.memory_space<semaphore_mem>>) src(%dma_wait3A_941 : memref<1x512xf32, #tpu.memory_space<any>>) dst(%dma_wait3A_939 : memref<1x512xf32, #tpu.memory_space<vmem>>)
      %dma_wait3A_942 = arith.constant 69 : i32
      %dma_wait3A_943 = arith.constant 0 : i32
      %dma_wait3A_944 = tpu.memref_slice %arg9[%dma_wait3A_942, %dma_wait3A_943] : memref<77x512xf32, #tpu.memory_space<vmem>> -> memref<1x512xf32, #tpu.memory_space<vmem>>
      %dma_wait3A_945 = arith.constant 0 : i32
      %dma_wait3A_946 = tpu.memref_slice %arg2[%get3A_543, %dma_wait3A_945] : memref<49408x512xf32, #tpu.memory_space<any>> -> memref<1x512xf32, #tpu.memory_space<any>>
      tpu.wait_dma2 semaphore(%arg12 : memref<!tpu.dma_semaphore, #tpu.memory_space<semaphore_mem>>) src(%dma_wait3A_946 : memref<1x512xf32, #tpu.memory_space<any>>) dst(%dma_wait3A_944 : memref<1x512xf32, #tpu.memory_space<vmem>>)
      %dma_wait3A_947 = arith.constant 70 : i32
      %dma_wait3A_948 = arith.constant 0 : i32
      %dma_wait3A_949 = tpu.memref_slice %arg9[%dma_wait3A_947, %dma_wait3A_948] : memref<77x512xf32, #tpu.memory_space<vmem>> -> memref<1x512xf32, #tpu.memory_space<vmem>>
      %dma_wait3A_950 = arith.constant 0 : i32
      %dma_wait3A_951 = tpu.memref_slice %arg2[%get3A_550, %dma_wait3A_950] : memref<49408x512xf32, #tpu.memory_space<any>> -> memref<1x512xf32, #tpu.memory_space<any>>
      tpu.wait_dma2 semaphore(%arg12 : memref<!tpu.dma_semaphore, #tpu.memory_space<semaphore_mem>>) src(%dma_wait3A_951 : memref<1x512xf32, #tpu.memory_space<any>>) dst(%dma_wait3A_949 : memref<1x512xf32, #tpu.memory_space<vmem>>)
      %dma_wait3A_952 = arith.constant 71 : i32
      %dma_wait3A_953 = arith.constant 0 : i32
      %dma_wait3A_954 = tpu.memref_slice %arg9[%dma_wait3A_952, %dma_wait3A_953] : memref<77x512xf32, #tpu.memory_space<vmem>> -> memref<1x512xf32, #tpu.memory_space<vmem>>
      %dma_wait3A_955 = arith.constant 0 : i32
      %dma_wait3A_956 = tpu.memref_slice %arg2[%get3A_557, %dma_wait3A_955] : memref<49408x512xf32, #tpu.memory_space<any>> -> memref<1x512xf32, #tpu.memory_space<any>>
      tpu.wait_dma2 semaphore(%arg12 : memref<!tpu.dma_semaphore, #tpu.memory_space<semaphore_mem>>) src(%dma_wait3A_956 : memref<1x512xf32, #tpu.memory_space<any>>) dst(%dma_wait3A_954 : memref<1x512xf32, #tpu.memory_space<vmem>>)
      %dma_wait3A_957 = arith.constant 72 : i32
      %dma_wait3A_958 = arith.constant 0 : i32
      %dma_wait3A_959 = tpu.memref_slice %arg9[%dma_wait3A_957, %dma_wait3A_958] : memref<77x512xf32, #tpu.memory_space<vmem>> -> memref<1x512xf32, #tpu.memory_space<vmem>>
      %dma_wait3A_960 = arith.constant 0 : i32
      %dma_wait3A_961 = tpu.memref_slice %arg2[%get3A_564, %dma_wait3A_960] : memref<49408x512xf32, #tpu.memory_space<any>> -> memref<1x512xf32, #tpu.memory_space<any>>
      tpu.wait_dma2 semaphore(%arg12 : memref<!tpu.dma_semaphore, #tpu.memory_space<semaphore_mem>>) src(%dma_wait3A_961 : memref<1x512xf32, #tpu.memory_space<any>>) dst(%dma_wait3A_959 : memref<1x512xf32, #tpu.memory_space<vmem>>)
      %dma_wait3A_962 = arith.constant 73 : i32
      %dma_wait3A_963 = arith.constant 0 : i32
      %dma_wait3A_964 = tpu.memref_slice %arg9[%dma_wait3A_962, %dma_wait3A_963] : memref<77x512xf32, #tpu.memory_space<vmem>> -> memref<1x512xf32, #tpu.memory_space<vmem>>
      %dma_wait3A_965 = arith.constant 0 : i32
      %dma_wait3A_966 = tpu.memref_slice %arg2[%get3A_571, %dma_wait3A_965] : memref<49408x512xf32, #tpu.memory_space<any>> -> memref<1x512xf32, #tpu.memory_space<any>>
      tpu.wait_dma2 semaphore(%arg12 : memref<!tpu.dma_semaphore, #tpu.memory_space<semaphore_mem>>) src(%dma_wait3A_966 : memref<1x512xf32, #tpu.memory_space<any>>) dst(%dma_wait3A_964 : memref<1x512xf32, #tpu.memory_space<vmem>>)
      %dma_wait3A_967 = arith.constant 74 : i32
      %dma_wait3A_968 = arith.constant 0 : i32
      %dma_wait3A_969 = tpu.memref_slice %arg9[%dma_wait3A_967, %dma_wait3A_968] : memref<77x512xf32, #tpu.memory_space<vmem>> -> memref<1x512xf32, #tpu.memory_space<vmem>>
      %dma_wait3A_970 = arith.constant 0 : i32
      %dma_wait3A_971 = tpu.memref_slice %arg2[%get3A_578, %dma_wait3A_970] : memref<49408x512xf32, #tpu.memory_space<any>> -> memref<1x512xf32, #tpu.memory_space<any>>
      tpu.wait_dma2 semaphore(%arg12 : memref<!tpu.dma_semaphore, #tpu.memory_space<semaphore_mem>>) src(%dma_wait3A_971 : memref<1x512xf32, #tpu.memory_space<any>>) dst(%dma_wait3A_969 : memref<1x512xf32, #tpu.memory_space<vmem>>)
      %dma_wait3A_972 = arith.constant 75 : i32
      %dma_wait3A_973 = arith.constant 0 : i32
      %dma_wait3A_974 = tpu.memref_slice %arg9[%dma_wait3A_972, %dma_wait3A_973] : memref<77x512xf32, #tpu.memory_space<vmem>> -> memref<1x512xf32, #tpu.memory_space<vmem>>
      %dma_wait3A_975 = arith.constant 0 : i32
      %dma_wait3A_976 = tpu.memref_slice %arg2[%get3A_585, %dma_wait3A_975] : memref<49408x512xf32, #tpu.memory_space<any>> -> memref<1x512xf32, #tpu.memory_space<any>>
      tpu.wait_dma2 semaphore(%arg12 : memref<!tpu.dma_semaphore, #tpu.memory_space<semaphore_mem>>) src(%dma_wait3A_976 : memref<1x512xf32, #tpu.memory_space<any>>) dst(%dma_wait3A_974 : memref<1x512xf32, #tpu.memory_space<vmem>>)
      %dma_wait3A_977 = arith.constant 76 : i32
      %dma_wait3A_978 = arith.constant 0 : i32
      %dma_wait3A_979 = tpu.memref_slice %arg9[%dma_wait3A_977, %dma_wait3A_978] : memref<77x512xf32, #tpu.memory_space<vmem>> -> memref<1x512xf32, #tpu.memory_space<vmem>>
      %dma_wait3A_980 = arith.constant 0 : i32
      %dma_wait3A_981 = tpu.memref_slice %arg2[%get3A_592, %dma_wait3A_980] : memref<49408x512xf32, #tpu.memory_space<any>> -> memref<1x512xf32, #tpu.memory_space<any>>
      tpu.wait_dma2 semaphore(%arg12 : memref<!tpu.dma_semaphore, #tpu.memory_space<semaphore_mem>>) src(%dma_wait3A_981 : memref<1x512xf32, #tpu.memory_space<any>>) dst(%dma_wait3A_979 : memref<1x512xf32, #tpu.memory_space<vmem>>)
      %get3A_982 = arith.constant 0 : index
      %get3A_983 = arith.constant 0 : index
      %get3A_984 = vector.load %arg4[%get3A_982, %get3A_983] : memref<4x512xf32, #tpu.memory_space<vmem>>, vector<4x512xf32>
      %swap3A = arith.constant 1 : index
      %swap3A_985 = arith.constant 0 : index
      %swap3A_986 = vector.load %arg9[%swap3A, %swap3A_985] : memref<77x512xf32, #tpu.memory_space<vmem>>, vector<4x512xf32>
      tpu.vector_store %arg9[%swap3A, %swap3A_985], %get3A_984 {strides = array<i32>} : memref<77x512xf32, #tpu.memory_space<vmem>>, vector<4x512xf32>,
      %get3A_987 = arith.constant 0 : index
      %get3A_988 = arith.constant 0 : index
      %get3A_989 = vector.load %arg5[%get3A_987, %get3A_988] : memref<3x512xf32, #tpu.memory_space<vmem>>, vector<3x512xf32>
      %swap3A_990 = arith.constant 6 : index
      %swap3A_991 = arith.constant 0 : index
      %swap3A_992 = vector.load %arg9[%swap3A_990, %swap3A_991] : memref<77x512xf32, #tpu.memory_space<vmem>>, vector<3x512xf32>
      tpu.vector_store %arg9[%swap3A_990, %swap3A_991], %get3A_989 {strides = array<i32>} : memref<77x512xf32, #tpu.memory_space<vmem>>, vector<3x512xf32>,
      %get3A_993 = arith.constant 0 : index
      %get3A_994 = arith.constant 0 : index
      %get3A_995 = vector.load %arg9[%get3A_993, %get3A_994] : memref<77x512xf32, #tpu.memory_space<vmem>>, vector<77x512xf32>
      %get3A_996 = arith.constant 0 : index
      %get3A_997 = arith.constant 0 : index
      %get3A_998 = vector.load %arg3[%get3A_996, %get3A_997] : memref<77x512xf32, #tpu.memory_space<vmem>>, vector<77x512xf32>
      %add3A_999 = arith.addf %get3A_995, %get3A_998 : vector<77x512xf32>
      %swap3A_1000 = arith.constant 0 : index
      %swap3A_1001 = arith.constant 0 : index
      %swap3A_1002 = arith.constant 0 : index
      %swap3A_1003 = vector.load %arg10[%swap3A_1000, %swap3A_1001, %swap3A_1002] : memref<64x77x512xf32, #tpu.memory_space<vmem>>, vector<1x77x512xf32>
      %swap3A_1004 = vector.shape_cast %swap3A_1003 : vector<1x77x512xf32> to vector<77x512xf32>
      %swap3A_1005 = vector.shape_cast %add3A_999 : vector<77x512xf32> to vector<1x77x512xf32>
      tpu.vector_store %arg10[%swap3A_1000, %swap3A_1001, %swap3A_1002], %swap3A_1005 {strides = array<i32>} : memref<64x77x512xf32, #tpu.memory_space<vmem>>, vector<1x77x512xf32>,
      %swap3A_1006 = arith.constant 0 : index
      %swap3A_1007 = arith.constant 0 : index
      %swap3A_1008 = arith.constant 0 : index
      %swap3A_1009 = vector.load %arg11[%swap3A_1006, %swap3A_1007, %swap3A_1008] : memref<64x77x512xf32, #tpu.memory_space<vmem>>, vector<1x77x512xf32>
      %swap3A_1010 = vector.shape_cast %swap3A_1009 : vector<1x77x512xf32> to vector<77x512xf32>
      %swap3A_1011 = vector.shape_cast %add3A_999 : vector<77x512xf32> to vector<1x77x512xf32>
      tpu.vector_store %arg11[%swap3A_1006, %swap3A_1007, %swap3A_1008], %swap3A_1011 {strides = array<i32>} : memref<64x77x512xf32, #tpu.memory_space<vmem>>, vector<1x77x512xf32>,
      %swap3A_1012 = arith.constant 1 : index
      %swap3A_1013 = arith.constant 0 : index
      %swap3A_1014 = arith.constant 0 : index
      %swap3A_1015 = vector.load %arg10[%swap3A_1012, %swap3A_1013, %swap3A_1014] : memref<64x77x512xf32, #tpu.memory_space<vmem>>, vector<1x77x512xf32>
      %swap3A_1016 = vector.shape_cast %swap3A_1015 : vector<1x77x512xf32> to vector<77x512xf32>
      %swap3A_1017 = vector.shape_cast %add3A_999 : vector<77x512xf32> to vector<1x77x512xf32>
      tpu.vector_store %arg10[%swap3A_1012, %swap3A_1013, %swap3A_1014], %swap3A_1017 {strides = array<i32>} : memref<64x77x512xf32, #tpu.memory_space<vmem>>, vector<1x77x512xf32>,
      %swap3A_1018 = arith.constant 1 : index
      %swap3A_1019 = arith.constant 0 : index
      %swap3A_1020 = arith.constant 0 : index
      %swap3A_1021 = vector.load %arg11[%swap3A_1018, %swap3A_1019, %swap3A_1020] : memref<64x77x512xf32, #tpu.memory_space<vmem>>, vector<1x77x512xf32>
      %swap3A_1022 = vector.shape_cast %swap3A_1021 : vector<1x77x512xf32> to vector<77x512xf32>
      %swap3A_1023 = vector.shape_cast %add3A_999 : vector<77x512xf32> to vector<1x77x512xf32>
      tpu.vector_store %arg11[%swap3A_1018, %swap3A_1019, %swap3A_1020], %swap3A_1023 {strides = array<i32>} : memref<64x77x512xf32, #tpu.memory_space<vmem>>, vector<1x77x512xf32>,
      %swap3A_1024 = arith.constant 2 : index
      %swap3A_1025 = arith.constant 0 : index
      %swap3A_1026 = arith.constant 0 : index
      %swap3A_1027 = vector.load %arg10[%swap3A_1024, %swap3A_1025, %swap3A_1026] : memref<64x77x512xf32, #tpu.memory_space<vmem>>, vector<1x77x512xf32>
      %swap3A_1028 = vector.shape_cast %swap3A_1027 : vector<1x77x512xf32> to vector<77x512xf32>
      %swap3A_1029 = vector.shape_cast %add3A_999 : vector<77x512xf32> to vector<1x77x512xf32>
      tpu.vector_store %arg10[%swap3A_1024, %swap3A_1025, %swap3A_1026], %swap3A_1029 {strides = array<i32>} : memref<64x77x512xf32, #tpu.memory_space<vmem>>, vector<1x77x512xf32>,
      %swap3A_1030 = arith.constant 2 : index
      %swap3A_1031 = arith.constant 0 : index
      %swap3A_1032 = arith.constant 0 : index
      %swap3A_1033 = vector.load %arg11[%swap3A_1030, %swap3A_1031, %swap3A_1032] : memref<64x77x512xf32, #tpu.memory_space<vmem>>, vector<1x77x512xf32>
      %swap3A_1034 = vector.shape_cast %swap3A_1033 : vector<1x77x512xf32> to vector<77x512xf32>
      %swap3A_1035 = vector.shape_cast %add3A_999 : vector<77x512xf32> to vector<1x77x512xf32>
      tpu.vector_store %arg11[%swap3A_1030, %swap3A_1031, %swap3A_1032], %swap3A_1035 {strides = array<i32>} : memref<64x77x512xf32, #tpu.memory_space<vmem>>, vector<1x77x512xf32>,
      %swap3A_1036 = arith.constant 3 : index
      %swap3A_1037 = arith.constant 0 : index
      %swap3A_1038 = arith.constant 0 : index
      %swap3A_1039 = vector.load %arg10[%swap3A_1036, %swap3A_1037, %swap3A_1038] : memref<64x77x512xf32, #tpu.memory_space<vmem>>, vector<1x77x512xf32>
      %swap3A_1040 = vector.shape_cast %swap3A_1039 : vector<1x77x512xf32> to vector<77x512xf32>
      %swap3A_1041 = vector.shape_cast %add3A_999 : vector<77x512xf32> to vector<1x77x512xf32>
      tpu.vector_store %arg10[%swap3A_1036, %swap3A_1037, %swap3A_1038], %swap3A_1041 {strides = array<i32>} : memref<64x77x512xf32, #tpu.memory_space<vmem>>, vector<1x77x512xf32>,
      %swap3A_1042 = arith.constant 3 : index
      %swap3A_1043 = arith.constant 0 : index
      %swap3A_1044 = arith.constant 0 : index
      %swap3A_1045 = vector.load %arg11[%swap3A_1042, %swap3A_1043, %swap3A_1044] : memref<64x77x512xf32, #tpu.memory_space<vmem>>, vector<1x77x512xf32>
      %swap3A_1046 = vector.shape_cast %swap3A_1045 : vector<1x77x512xf32> to vector<77x512xf32>
      %swap3A_1047 = vector.shape_cast %add3A_999 : vector<77x512xf32> to vector<1x77x512xf32>
      tpu.vector_store %arg11[%swap3A_1042, %swap3A_1043, %swap3A_1044], %swap3A_1047 {strides = array<i32>} : memref<64x77x512xf32, #tpu.memory_space<vmem>>, vector<1x77x512xf32>,
      %swap3A_1048 = arith.constant 4 : index
      %swap3A_1049 = arith.constant 0 : index
      %swap3A_1050 = arith.constant 0 : index
      %swap3A_1051 = vector.load %arg10[%swap3A_1048, %swap3A_1049, %swap3A_1050] : memref<64x77x512xf32, #tpu.memory_space<vmem>>, vector<1x77x512xf32>
      %swap3A_1052 = vector.shape_cast %swap3A_1051 : vector<1x77x512xf32> to vector<77x512xf32>
      %swap3A_1053 = vector.shape_cast %add3A_999 : vector<77x512xf32> to vector<1x77x512xf32>
      tpu.vector_store %arg10[%swap3A_1048, %swap3A_1049, %swap3A_1050], %swap3A_1053 {strides = array<i32>} : memref<64x77x512xf32, #tpu.memory_space<vmem>>, vector<1x77x512xf32>,
      %swap3A_1054 = arith.constant 4 : index
      %swap3A_1055 = arith.constant 0 : index
      %swap3A_1056 = arith.constant 0 : index
      %swap3A_1057 = vector.load %arg11[%swap3A_1054, %swap3A_1055, %swap3A_1056] : memref<64x77x512xf32, #tpu.memory_space<vmem>>, vector<1x77x512xf32>
      %swap3A_1058 = vector.shape_cast %swap3A_1057 : vector<1x77x512xf32> to vector<77x512xf32>
      %swap3A_1059 = vector.shape_cast %add3A_999 : vector<77x512xf32> to vector<1x77x512xf32>
      tpu.vector_store %arg11[%swap3A_1054, %swap3A_1055, %swap3A_1056], %swap3A_1059 {strides = array<i32>} : memref<64x77x512xf32, #tpu.memory_space<vmem>>, vector<1x77x512xf32>,
      %swap3A_1060 = arith.constant 5 : index
      %swap3A_1061 = arith.constant 0 : index
      %swap3A_1062 = arith.constant 0 : index
      %swap3A_1063 = vector.load %arg10[%swap3A_1060, %swap3A_1061, %swap3A_1062] : memref<64x77x512xf32, #tpu.memory_space<vmem>>, vector<1x77x512xf32>
      %swap3A_1064 = vector.shape_cast %swap3A_1063 : vector<1x77x512xf32> to vector<77x512xf32>
      %swap3A_1065 = vector.shape_cast %add3A_999 : vector<77x512xf32> to vector<1x77x512xf32>
      tpu.vector_store %arg10[%swap3A_1060, %swap3A_1061, %swap3A_1062], %swap3A_1065 {strides = array<i32>} : memref<64x77x512xf32, #tpu.memory_space<vmem>>, vector<1x77x512xf32>,
      %swap3A_1066 = arith.constant 5 : index
      %swap3A_1067 = arith.constant 0 : index
      %swap3A_1068 = arith.constant 0 : index
      %swap3A_1069 = vector.load %arg11[%swap3A_1066, %swap3A_1067, %swap3A_1068] : memref<64x77x512xf32, #tpu.memory_space<vmem>>, vector<1x77x512xf32>
      %swap3A_1070 = vector.shape_cast %swap3A_1069 : vector<1x77x512xf32> to vector<77x512xf32>
      %swap3A_1071 = vector.shape_cast %add3A_999 : vector<77x512xf32> to vector<1x77x512xf32>
      tpu.vector_store %arg11[%swap3A_1066, %swap3A_1067, %swap3A_1068], %swap3A_1071 {strides = array<i32>} : memref<64x77x512xf32, #tpu.memory_space<vmem>>, vector<1x77x512xf32>,
      %swap3A_1072 = arith.constant 6 : index
      %swap3A_1073 = arith.constant 0 : index
      %swap3A_1074 = arith.constant 0 : index
      %swap3A_1075 = vector.load %arg10[%swap3A_1072, %swap3A_1073, %swap3A_1074] : memref<64x77x512xf32, #tpu.memory_space<vmem>>, vector<1x77x512xf32>
      %swap3A_1076 = vector.shape_cast %swap3A_1075 : vector<1x77x512xf32> to vector<77x512xf32>
      %swap3A_1077 = vector.shape_cast %add3A_999 : vector<77x512xf32> to vector<1x77x512xf32>
      tpu.vector_store %arg10[%swap3A_1072, %swap3A_1073, %swap3A_1074], %swap3A_1077 {strides = array<i32>} : memref<64x77x512xf32, #tpu.memory_space<vmem>>, vector<1x77x512xf32>,
      %swap3A_1078 = arith.constant 6 : index
      %swap3A_1079 = arith.constant 0 : index
      %swap3A_1080 = arith.constant 0 : index
      %swap3A_1081 = vector.load %arg11[%swap3A_1078, %swap3A_1079, %swap3A_1080] : memref<64x77x512xf32, #tpu.memory_space<vmem>>, vector<1x77x512xf32>
      %swap3A_1082 = vector.shape_cast %swap3A_1081 : vector<1x77x512xf32> to vector<77x512xf32>
      %swap3A_1083 = vector.shape_cast %add3A_999 : vector<77x512xf32> to vector<1x77x512xf32>
      tpu.vector_store %arg11[%swap3A_1078, %swap3A_1079, %swap3A_1080], %swap3A_1083 {strides = array<i32>} : memref<64x77x512xf32, #tpu.memory_space<vmem>>, vector<1x77x512xf32>,
      %swap3A_1084 = arith.constant 7 : index
      %swap3A_1085 = arith.constant 0 : index
      %swap3A_1086 = arith.constant 0 : index
      %swap3A_1087 = vector.load %arg10[%swap3A_1084, %swap3A_1085, %swap3A_1086] : memref<64x77x512xf32, #tpu.memory_space<vmem>>, vector<1x77x512xf32>
      %swap3A_1088 = vector.shape_cast %swap3A_1087 : vector<1x77x512xf32> to vector<77x512xf32>
      %swap3A_1089 = vector.shape_cast %add3A_999 : vector<77x512xf32> to vector<1x77x512xf32>
      tpu.vector_store %arg10[%swap3A_1084, %swap3A_1085, %swap3A_1086], %swap3A_1089 {strides = array<i32>} : memref<64x77x512xf32, #tpu.memory_space<vmem>>, vector<1x77x512xf32>,
      %swap3A_1090 = arith.constant 7 : index
      %swap3A_1091 = arith.constant 0 : index
      %swap3A_1092 = arith.constant 0 : index
      %swap3A_1093 = vector.load %arg11[%swap3A_1090, %swap3A_1091, %swap3A_1092] : memref<64x77x512xf32, #tpu.memory_space<vmem>>, vector<1x77x512xf32>
      %swap3A_1094 = vector.shape_cast %swap3A_1093 : vector<1x77x512xf32> to vector<77x512xf32>
      %swap3A_1095 = vector.shape_cast %add3A_999 : vector<77x512xf32> to vector<1x77x512xf32>
      tpu.vector_store %arg11[%swap3A_1090, %swap3A_1091, %swap3A_1092], %swap3A_1095 {strides = array<i32>} : memref<64x77x512xf32, #tpu.memory_space<vmem>>, vector<1x77x512xf32>,
      %swap3A_1096 = arith.constant 8 : index
      %swap3A_1097 = arith.constant 0 : index
      %swap3A_1098 = arith.constant 0 : index
      %swap3A_1099 = vector.load %arg10[%swap3A_1096, %swap3A_1097, %swap3A_1098] : memref<64x77x512xf32, #tpu.memory_space<vmem>>, vector<1x77x512xf32>
      %swap3A_1100 = vector.shape_cast %swap3A_1099 : vector<1x77x512xf32> to vector<77x512xf32>
      %swap3A_1101 = vector.shape_cast %add3A_999 : vector<77x512xf32> to vector<1x77x512xf32>
      tpu.vector_store %arg10[%swap3A_1096, %swap3A_1097, %swap3A_1098], %swap3A_1101 {strides = array<i32>} : memref<64x77x512xf32, #tpu.memory_space<vmem>>, vector<1x77x512xf32>,
      %swap3A_1102 = arith.constant 8 : index
      %swap3A_1103 = arith.constant 0 : index
      %swap3A_1104 = arith.constant 0 : index
      %swap3A_1105 = vector.load %arg11[%swap3A_1102, %swap3A_1103, %swap3A_1104] : memref<64x77x512xf32, #tpu.memory_space<vmem>>, vector<1x77x512xf32>
      %swap3A_1106 = vector.shape_cast %swap3A_1105 : vector<1x77x512xf32> to vector<77x512xf32>
      %swap3A_1107 = vector.shape_cast %add3A_999 : vector<77x512xf32> to vector<1x77x512xf32>
      tpu.vector_store %arg11[%swap3A_1102, %swap3A_1103, %swap3A_1104], %swap3A_1107 {strides = array<i32>} : memref<64x77x512xf32, #tpu.memory_space<vmem>>, vector<1x77x512xf32>,
      %swap3A_1108 = arith.constant 9 : index
      %swap3A_1109 = arith.constant 0 : index
      %swap3A_1110 = arith.constant 0 : index
      %swap3A_1111 = vector.load %arg10[%swap3A_1108, %swap3A_1109, %swap3A_1110] : memref<64x77x512xf32, #tpu.memory_space<vmem>>, vector<1x77x512xf32>
      %swap3A_1112 = vector.shape_cast %swap3A_1111 : vector<1x77x512xf32> to vector<77x512xf32>
      %swap3A_1113 = vector.shape_cast %add3A_999 : vector<77x512xf32> to vector<1x77x512xf32>
      tpu.vector_store %arg10[%swap3A_1108, %swap3A_1109, %swap3A_1110], %swap3A_1113 {strides = array<i32>} : memref<64x77x512xf32, #tpu.memory_space<vmem>>, vector<1x77x512xf32>,
      %swap3A_1114 = arith.constant 9 : index
      %swap3A_1115 = arith.constant 0 : index
      %swap3A_1116 = arith.constant 0 : index
      %swap3A_1117 = vector.load %arg11[%swap3A_1114, %swap3A_1115, %swap3A_1116] : memref<64x77x512xf32, #tpu.memory_space<vmem>>, vector<1x77x512xf32>
      %swap3A_1118 = vector.shape_cast %swap3A_1117 : vector<1x77x512xf32> to vector<77x512xf32>
      %swap3A_1119 = vector.shape_cast %add3A_999 : vector<77x512xf32> to vector<1x77x512xf32>
      tpu.vector_store %arg11[%swap3A_1114, %swap3A_1115, %swap3A_1116], %swap3A_1119 {strides = array<i32>} : memref<64x77x512xf32, #tpu.memory_space<vmem>>, vector<1x77x512xf32>,
      %swap3A_1120 = arith.constant 10 : index
      %swap3A_1121 = arith.constant 0 : index
      %swap3A_1122 = arith.constant 0 : index
      %swap3A_1123 = vector.load %arg10[%swap3A_1120, %swap3A_1121, %swap3A_1122] : memref<64x77x512xf32, #tpu.memory_space<vmem>>, vector<1x77x512xf32>
      %swap3A_1124 = vector.shape_cast %swap3A_1123 : vector<1x77x512xf32> to vector<77x512xf32>
      %swap3A_1125 = vector.shape_cast %add3A_999 : vector<77x512xf32> to vector<1x77x512xf32>
      tpu.vector_store %arg10[%swap3A_1120, %swap3A_1121, %swap3A_1122], %swap3A_1125 {strides = array<i32>} : memref<64x77x512xf32, #tpu.memory_space<vmem>>, vector<1x77x512xf32>,
      %swap3A_1126 = arith.constant 10 : index
      %swap3A_1127 = arith.constant 0 : index
      %swap3A_1128 = arith.constant 0 : index
      %swap3A_1129 = vector.load %arg11[%swap3A_1126, %swap3A_1127, %swap3A_1128] : memref<64x77x512xf32, #tpu.memory_space<vmem>>, vector<1x77x512xf32>
      %swap3A_1130 = vector.shape_cast %swap3A_1129 : vector<1x77x512xf32> to vector<77x512xf32>
      %swap3A_1131 = vector.shape_cast %add3A_999 : vector<77x512xf32> to vector<1x77x512xf32>
      tpu.vector_store %arg11[%swap3A_1126, %swap3A_1127, %swap3A_1128], %swap3A_1131 {strides = array<i32>} : memref<64x77x512xf32, #tpu.memory_space<vmem>>, vector<1x77x512xf32>,
      %swap3A_1132 = arith.constant 11 : index
      %swap3A_1133 = arith.constant 0 : index
      %swap3A_1134 = arith.constant 0 : index
      %swap3A_1135 = vector.load %arg10[%swap3A_1132, %swap3A_1133, %swap3A_1134] : memref<64x77x512xf32, #tpu.memory_space<vmem>>, vector<1x77x512xf32>
      %swap3A_1136 = vector.shape_cast %swap3A_1135 : vector<1x77x512xf32> to vector<77x512xf32>
      %swap3A_1137 = vector.shape_cast %add3A_999 : vector<77x512xf32> to vector<1x77x512xf32>
      tpu.vector_store %arg10[%swap3A_1132, %swap3A_1133, %swap3A_1134], %swap3A_1137 {strides = array<i32>} : memref<64x77x512xf32, #tpu.memory_space<vmem>>, vector<1x77x512xf32>,
      %swap3A_1138 = arith.constant 11 : index
      %swap3A_1139 = arith.constant 0 : index
      %swap3A_1140 = arith.constant 0 : index
      %swap3A_1141 = vector.load %arg11[%swap3A_1138, %swap3A_1139, %swap3A_1140] : memref<64x77x512xf32, #tpu.memory_space<vmem>>, vector<1x77x512xf32>
      %swap3A_1142 = vector.shape_cast %swap3A_1141 : vector<1x77x512xf32> to vector<77x512xf32>
      %swap3A_1143 = vector.shape_cast %add3A_999 : vector<77x512xf32> to vector<1x77x512xf32>
      tpu.vector_store %arg11[%swap3A_1138, %swap3A_1139, %swap3A_1140], %swap3A_1143 {strides = array<i32>} : memref<64x77x512xf32, #tpu.memory_space<vmem>>, vector<1x77x512xf32>,
      %swap3A_1144 = arith.constant 12 : index
      %swap3A_1145 = arith.constant 0 : index
      %swap3A_1146 = arith.constant 0 : index
      %swap3A_1147 = vector.load %arg10[%swap3A_1144, %swap3A_1145, %swap3A_1146] : memref<64x77x512xf32, #tpu.memory_space<vmem>>, vector<1x77x512xf32>
      %swap3A_1148 = vector.shape_cast %swap3A_1147 : vector<1x77x512xf32> to vector<77x512xf32>
      %swap3A_1149 = vector.shape_cast %add3A_999 : vector<77x512xf32> to vector<1x77x512xf32>
      tpu.vector_store %arg10[%swap3A_1144, %swap3A_1145, %swap3A_1146], %swap3A_1149 {strides = array<i32>} : memref<64x77x512xf32, #tpu.memory_space<vmem>>, vector<1x77x512xf32>,
      %swap3A_1150 = arith.constant 12 : index
      %swap3A_1151 = arith.constant 0 : index
      %swap3A_1152 = arith.constant 0 : index
      %swap3A_1153 = vector.load %arg11[%swap3A_1150, %swap3A_1151, %swap3A_1152] : memref<64x77x512xf32, #tpu.memory_space<vmem>>, vector<1x77x512xf32>
      %swap3A_1154 = vector.shape_cast %swap3A_1153 : vector<1x77x512xf32> to vector<77x512xf32>
      %swap3A_1155 = vector.shape_cast %add3A_999 : vector<77x512xf32> to vector<1x77x512xf32>
      tpu.vector_store %arg11[%swap3A_1150, %swap3A_1151, %swap3A_1152], %swap3A_1155 {strides = array<i32>} : memref<64x77x512xf32, #tpu.memory_space<vmem>>, vector<1x77x512xf32>,
      %swap3A_1156 = arith.constant 13 : index
      %swap3A_1157 = arith.constant 0 : index
      %swap3A_1158 = arith.constant 0 : index
      %swap3A_1159 = vector.load %arg10[%swap3A_1156, %swap3A_1157, %swap3A_1158] : memref<64x77x512xf32, #tpu.memory_space<vmem>>, vector<1x77x512xf32>
      %swap3A_1160 = vector.shape_cast %swap3A_1159 : vector<1x77x512xf32> to vector<77x512xf32>
      %swap3A_1161 = vector.shape_cast %add3A_999 : vector<77x512xf32> to vector<1x77x512xf32>
      tpu.vector_store %arg10[%swap3A_1156, %swap3A_1157, %swap3A_1158], %swap3A_1161 {strides = array<i32>} : memref<64x77x512xf32, #tpu.memory_space<vmem>>, vector<1x77x512xf32>,
      %swap3A_1162 = arith.constant 13 : index
      %swap3A_1163 = arith.constant 0 : index
      %swap3A_1164 = arith.constant 0 : index
      %swap3A_1165 = vector.load %arg11[%swap3A_1162, %swap3A_1163, %swap3A_1164] : memref<64x77x512xf32, #tpu.memory_space<vmem>>, vector<1x77x512xf32>
      %swap3A_1166 = vector.shape_cast %swap3A_1165 : vector<1x77x512xf32> to vector<77x512xf32>
      %swap3A_1167 = vector.shape_cast %add3A_999 : vector<77x512xf32> to vector<1x77x512xf32>
      tpu.vector_store %arg11[%swap3A_1162, %swap3A_1163, %swap3A_1164], %swap3A_1167 {strides = array<i32>} : memref<64x77x512xf32, #tpu.memory_space<vmem>>, vector<1x77x512xf32>,
      %swap3A_1168 = arith.constant 14 : index
      %swap3A_1169 = arith.constant 0 : index
      %swap3A_1170 = arith.constant 0 : index
      %swap3A_1171 = vector.load %arg10[%swap3A_1168, %swap3A_1169, %swap3A_1170] : memref<64x77x512xf32, #tpu.memory_space<vmem>>, vector<1x77x512xf32>
      %swap3A_1172 = vector.shape_cast %swap3A_1171 : vector<1x77x512xf32> to vector<77x512xf32>
      %swap3A_1173 = vector.shape_cast %add3A_999 : vector<77x512xf32> to vector<1x77x512xf32>
      tpu.vector_store %arg10[%swap3A_1168, %swap3A_1169, %swap3A_1170], %swap3A_1173 {strides = array<i32>} : memref<64x77x512xf32, #tpu.memory_space<vmem>>, vector<1x77x512xf32>,
      %swap3A_1174 = arith.constant 14 : index
      %swap3A_1175 = arith.constant 0 : index
      %swap3A_1176 = arith.constant 0 : index
      %swap3A_1177 = vector.load %arg11[%swap3A_1174, %swap3A_1175, %swap3A_1176] : memref<64x77x512xf32, #tpu.memory_space<vmem>>, vector<1x77x512xf32>
      %swap3A_1178 = vector.shape_cast %swap3A_1177 : vector<1x77x512xf32> to vector<77x512xf32>
      %swap3A_1179 = vector.shape_cast %add3A_999 : vector<77x512xf32> to vector<1x77x512xf32>
      tpu.vector_store %arg11[%swap3A_1174, %swap3A_1175, %swap3A_1176], %swap3A_1179 {strides = array<i32>} : memref<64x77x512xf32, #tpu.memory_space<vmem>>, vector<1x77x512xf32>,
      %swap3A_1180 = arith.constant 15 : index
      %swap3A_1181 = arith.constant 0 : index
      %swap3A_1182 = arith.constant 0 : index
      %swap3A_1183 = vector.load %arg10[%swap3A_1180, %swap3A_1181, %swap3A_1182] : memref<64x77x512xf32, #tpu.memory_space<vmem>>, vector<1x77x512xf32>
      %swap3A_1184 = vector.shape_cast %swap3A_1183 : vector<1x77x512xf32> to vector<77x512xf32>
      %swap3A_1185 = vector.shape_cast %add3A_999 : vector<77x512xf32> to vector<1x77x512xf32>
      tpu.vector_store %arg10[%swap3A_1180, %swap3A_1181, %swap3A_1182], %swap3A_1185 {strides = array<i32>} : memref<64x77x512xf32, #tpu.memory_space<vmem>>, vector<1x77x512xf32>,
      %swap3A_1186 = arith.constant 15 : index
      %swap3A_1187 = arith.constant 0 : index
      %swap3A_1188 = arith.constant 0 : index
      %swap3A_1189 = vector.load %arg11[%swap3A_1186, %swap3A_1187, %swap3A_1188] : memref<64x77x512xf32, #tpu.memory_space<vmem>>, vector<1x77x512xf32>
      %swap3A_1190 = vector.shape_cast %swap3A_1189 : vector<1x77x512xf32> to vector<77x512xf32>
      %swap3A_1191 = vector.shape_cast %add3A_999 : vector<77x512xf32> to vector<1x77x512xf32>
      tpu.vector_store %arg11[%swap3A_1186, %swap3A_1187, %swap3A_1188], %swap3A_1191 {strides = array<i32>} : memref<64x77x512xf32, #tpu.memory_space<vmem>>, vector<1x77x512xf32>,
      %swap3A_1192 = arith.constant 16 : index
      %swap3A_1193 = arith.constant 0 : index
      %swap3A_1194 = arith.constant 0 : index
      %swap3A_1195 = vector.load %arg10[%swap3A_1192, %swap3A_1193, %swap3A_1194] : memref<64x77x512xf32, #tpu.memory_space<vmem>>, vector<1x77x512xf32>
      %swap3A_1196 = vector.shape_cast %swap3A_1195 : vector<1x77x512xf32> to vector<77x512xf32>
      %swap3A_1197 = vector.shape_cast %add3A_999 : vector<77x512xf32> to vector<1x77x512xf32>
      tpu.vector_store %arg10[%swap3A_1192, %swap3A_1193, %swap3A_1194], %swap3A_1197 {strides = array<i32>} : memref<64x77x512xf32, #tpu.memory_space<vmem>>, vector<1x77x512xf32>,
      %swap3A_1198 = arith.constant 16 : index
      %swap3A_1199 = arith.constant 0 : index
      %swap3A_1200 = arith.constant 0 : index
      %swap3A_1201 = vector.load %arg11[%swap3A_1198, %swap3A_1199, %swap3A_1200] : memref<64x77x512xf32, #tpu.memory_space<vmem>>, vector<1x77x512xf32>
      %swap3A_1202 = vector.shape_cast %swap3A_1201 : vector<1x77x512xf32> to vector<77x512xf32>
      %swap3A_1203 = vector.shape_cast %add3A_999 : vector<77x512xf32> to vector<1x77x512xf32>
      tpu.vector_store %arg11[%swap3A_1198, %swap3A_1199, %swap3A_1200], %swap3A_1203 {strides = array<i32>} : memref<64x77x512xf32, #tpu.memory_space<vmem>>, vector<1x77x512xf32>,
      %swap3A_1204 = arith.constant 17 : index
      %swap3A_1205 = arith.constant 0 : index
      %swap3A_1206 = arith.constant 0 : index
      %swap3A_1207 = vector.load %arg10[%swap3A_1204, %swap3A_1205, %swap3A_1206] : memref<64x77x512xf32, #tpu.memory_space<vmem>>, vector<1x77x512xf32>
      %swap3A_1208 = vector.shape_cast %swap3A_1207 : vector<1x77x512xf32> to vector<77x512xf32>
      %swap3A_1209 = vector.shape_cast %add3A_999 : vector<77x512xf32> to vector<1x77x512xf32>
      tpu.vector_store %arg10[%swap3A_1204, %swap3A_1205, %swap3A_1206], %swap3A_1209 {strides = array<i32>} : memref<64x77x512xf32, #tpu.memory_space<vmem>>, vector<1x77x512xf32>,
      %swap3A_1210 = arith.constant 17 : index
      %swap3A_1211 = arith.constant 0 : index
      %swap3A_1212 = arith.constant 0 : index
      %swap3A_1213 = vector.load %arg11[%swap3A_1210, %swap3A_1211, %swap3A_1212] : memref<64x77x512xf32, #tpu.memory_space<vmem>>, vector<1x77x512xf32>
      %swap3A_1214 = vector.shape_cast %swap3A_1213 : vector<1x77x512xf32> to vector<77x512xf32>
      %swap3A_1215 = vector.shape_cast %add3A_999 : vector<77x512xf32> to vector<1x77x512xf32>
      tpu.vector_store %arg11[%swap3A_1210, %swap3A_1211, %swap3A_1212], %swap3A_1215 {strides = array<i32>} : memref<64x77x512xf32, #tpu.memory_space<vmem>>, vector<1x77x512xf32>,
      %swap3A_1216 = arith.constant 18 : index
      %swap3A_1217 = arith.constant 0 : index
      %swap3A_1218 = arith.constant 0 : index
      %swap3A_1219 = vector.load %arg10[%swap3A_1216, %swap3A_1217, %swap3A_1218] : memref<64x77x512xf32, #tpu.memory_space<vmem>>, vector<1x77x512xf32>
      %swap3A_1220 = vector.shape_cast %swap3A_1219 : vector<1x77x512xf32> to vector<77x512xf32>
      %swap3A_1221 = vector.shape_cast %add3A_999 : vector<77x512xf32> to vector<1x77x512xf32>
      tpu.vector_store %arg10[%swap3A_1216, %swap3A_1217, %swap3A_1218], %swap3A_1221 {strides = array<i32>} : memref<64x77x512xf32, #tpu.memory_space<vmem>>, vector<1x77x512xf32>,
      %swap3A_1222 = arith.constant 18 : index
      %swap3A_1223 = arith.constant 0 : index
      %swap3A_1224 = arith.constant 0 : index
      %swap3A_1225 = vector.load %arg11[%swap3A_1222, %swap3A_1223, %swap3A_1224] : memref<64x77x512xf32, #tpu.memory_space<vmem>>, vector<1x77x512xf32>
      %swap3A_1226 = vector.shape_cast %swap3A_1225 : vector<1x77x512xf32> to vector<77x512xf32>
      %swap3A_1227 = vector.shape_cast %add3A_999 : vector<77x512xf32> to vector<1x77x512xf32>
      tpu.vector_store %arg11[%swap3A_1222, %swap3A_1223, %swap3A_1224], %swap3A_1227 {strides = array<i32>} : memref<64x77x512xf32, #tpu.memory_space<vmem>>, vector<1x77x512xf32>,
      %swap3A_1228 = arith.constant 19 : index
      %swap3A_1229 = arith.constant 0 : index
      %swap3A_1230 = arith.constant 0 : index
      %swap3A_1231 = vector.load %arg10[%swap3A_1228, %swap3A_1229, %swap3A_1230] : memref<64x77x512xf32, #tpu.memory_space<vmem>>, vector<1x77x512xf32>
      %swap3A_1232 = vector.shape_cast %swap3A_1231 : vector<1x77x512xf32> to vector<77x512xf32>
      %swap3A_1233 = vector.shape_cast %add3A_999 : vector<77x512xf32> to vector<1x77x512xf32>
      tpu.vector_store %arg10[%swap3A_1228, %swap3A_1229, %swap3A_1230], %swap3A_1233 {strides = array<i32>} : memref<64x77x512xf32, #tpu.memory_space<vmem>>, vector<1x77x512xf32>,
      %swap3A_1234 = arith.constant 19 : index
      %swap3A_1235 = arith.constant 0 : index
      %swap3A_1236 = arith.constant 0 : index
      %swap3A_1237 = vector.load %arg11[%swap3A_1234, %swap3A_1235, %swap3A_1236] : memref<64x77x512xf32, #tpu.memory_space<vmem>>, vector<1x77x512xf32>
      %swap3A_1238 = vector.shape_cast %swap3A_1237 : vector<1x77x512xf32> to vector<77x512xf32>
      %swap3A_1239 = vector.shape_cast %add3A_999 : vector<77x512xf32> to vector<1x77x512xf32>
      tpu.vector_store %arg11[%swap3A_1234, %swap3A_1235, %swap3A_1236], %swap3A_1239 {strides = array<i32>} : memref<64x77x512xf32, #tpu.memory_space<vmem>>, vector<1x77x512xf32>,
      %swap3A_1240 = arith.constant 20 : index
      %swap3A_1241 = arith.constant 0 : index
      %swap3A_1242 = arith.constant 0 : index
      %swap3A_1243 = vector.load %arg10[%swap3A_1240, %swap3A_1241, %swap3A_1242] : memref<64x77x512xf32, #tpu.memory_space<vmem>>, vector<1x77x512xf32>
      %swap3A_1244 = vector.shape_cast %swap3A_1243 : vector<1x77x512xf32> to vector<77x512xf32>
      %swap3A_1245 = vector.shape_cast %add3A_999 : vector<77x512xf32> to vector<1x77x512xf32>
      tpu.vector_store %arg10[%swap3A_1240, %swap3A_1241, %swap3A_1242], %swap3A_1245 {strides = array<i32>} : memref<64x77x512xf32, #tpu.memory_space<vmem>>, vector<1x77x512xf32>,
      %swap3A_1246 = arith.constant 20 : index
      %swap3A_1247 = arith.constant 0 : index
      %swap3A_1248 = arith.constant 0 : index
      %swap3A_1249 = vector.load %arg11[%swap3A_1246, %swap3A_1247, %swap3A_1248] : memref<64x77x512xf32, #tpu.memory_space<vmem>>, vector<1x77x512xf32>
      %swap3A_1250 = vector.shape_cast %swap3A_1249 : vector<1x77x512xf32> to vector<77x512xf32>
      %swap3A_1251 = vector.shape_cast %add3A_999 : vector<77x512xf32> to vector<1x77x512xf32>
      tpu.vector_store %arg11[%swap3A_1246, %swap3A_1247, %swap3A_1248], %swap3A_1251 {strides = array<i32>} : memref<64x77x512xf32, #tpu.memory_space<vmem>>, vector<1x77x512xf32>,
      %swap3A_1252 = arith.constant 21 : index
      %swap3A_1253 = arith.constant 0 : index
      %swap3A_1254 = arith.constant 0 : index
      %swap3A_1255 = vector.load %arg10[%swap3A_1252, %swap3A_1253, %swap3A_1254] : memref<64x77x512xf32, #tpu.memory_space<vmem>>, vector<1x77x512xf32>
      %swap3A_1256 = vector.shape_cast %swap3A_1255 : vector<1x77x512xf32> to vector<77x512xf32>
      %swap3A_1257 = vector.shape_cast %add3A_999 : vector<77x512xf32> to vector<1x77x512xf32>
      tpu.vector_store %arg10[%swap3A_1252, %swap3A_1253, %swap3A_1254], %swap3A_1257 {strides = array<i32>} : memref<64x77x512xf32, #tpu.memory_space<vmem>>, vector<1x77x512xf32>,
      %swap3A_1258 = arith.constant 21 : index
      %swap3A_1259 = arith.constant 0 : index
      %swap3A_1260 = arith.constant 0 : index
      %swap3A_1261 = vector.load %arg11[%swap3A_1258, %swap3A_1259, %swap3A_1260] : memref<64x77x512xf32, #tpu.memory_space<vmem>>, vector<1x77x512xf32>
      %swap3A_1262 = vector.shape_cast %swap3A_1261 : vector<1x77x512xf32> to vector<77x512xf32>
      %swap3A_1263 = vector.shape_cast %add3A_999 : vector<77x512xf32> to vector<1x77x512xf32>
      tpu.vector_store %arg11[%swap3A_1258, %swap3A_1259, %swap3A_1260], %swap3A_1263 {strides = array<i32>} : memref<64x77x512xf32, #tpu.memory_space<vmem>>, vector<1x77x512xf32>,
      %swap3A_1264 = arith.constant 22 : index
      %swap3A_1265 = arith.constant 0 : index
      %swap3A_1266 = arith.constant 0 : index
      %swap3A_1267 = vector.load %arg10[%swap3A_1264, %swap3A_1265, %swap3A_1266] : memref<64x77x512xf32, #tpu.memory_space<vmem>>, vector<1x77x512xf32>
      %swap3A_1268 = vector.shape_cast %swap3A_1267 : vector<1x77x512xf32> to vector<77x512xf32>
      %swap3A_1269 = vector.shape_cast %add3A_999 : vector<77x512xf32> to vector<1x77x512xf32>
      tpu.vector_store %arg10[%swap3A_1264, %swap3A_1265, %swap3A_1266], %swap3A_1269 {strides = array<i32>} : memref<64x77x512xf32, #tpu.memory_space<vmem>>, vector<1x77x512xf32>,
      %swap3A_1270 = arith.constant 22 : index
      %swap3A_1271 = arith.constant 0 : index
      %swap3A_1272 = arith.constant 0 : index
      %swap3A_1273 = vector.load %arg11[%swap3A_1270, %swap3A_1271, %swap3A_1272] : memref<64x77x512xf32, #tpu.memory_space<vmem>>, vector<1x77x512xf32>
      %swap3A_1274 = vector.shape_cast %swap3A_1273 : vector<1x77x512xf32> to vector<77x512xf32>
      %swap3A_1275 = vector.shape_cast %add3A_999 : vector<77x512xf32> to vector<1x77x512xf32>
      tpu.vector_store %arg11[%swap3A_1270, %swap3A_1271, %swap3A_1272], %swap3A_1275 {strides = array<i32>} : memref<64x77x512xf32, #tpu.memory_space<vmem>>, vector<1x77x512xf32>,
      %swap3A_1276 = arith.constant 23 : index
      %swap3A_1277 = arith.constant 0 : index
      %swap3A_1278 = arith.constant 0 : index
      %swap3A_1279 = vector.load %arg10[%swap3A_1276, %swap3A_1277, %swap3A_1278] : memref<64x77x512xf32, #tpu.memory_space<vmem>>, vector<1x77x512xf32>
      %swap3A_1280 = vector.shape_cast %swap3A_1279 : vector<1x77x512xf32> to vector<77x512xf32>
      %swap3A_1281 = vector.shape_cast %add3A_999 : vector<77x512xf32> to vector<1x77x512xf32>
      tpu.vector_store %arg10[%swap3A_1276, %swap3A_1277, %swap3A_1278], %swap3A_1281 {strides = array<i32>} : memref<64x77x512xf32, #tpu.memory_space<vmem>>, vector<1x77x512xf32>,
      %swap3A_1282 = arith.constant 23 : index
      %swap3A_1283 = arith.constant 0 : index
      %swap3A_1284 = arith.constant 0 : index
      %swap3A_1285 = vector.load %arg11[%swap3A_1282, %swap3A_1283, %swap3A_1284] : memref<64x77x512xf32, #tpu.memory_space<vmem>>, vector<1x77x512xf32>
      %swap3A_1286 = vector.shape_cast %swap3A_1285 : vector<1x77x512xf32> to vector<77x512xf32>
      %swap3A_1287 = vector.shape_cast %add3A_999 : vector<77x512xf32> to vector<1x77x512xf32>
      tpu.vector_store %arg11[%swap3A_1282, %swap3A_1283, %swap3A_1284], %swap3A_1287 {strides = array<i32>} : memref<64x77x512xf32, #tpu.memory_space<vmem>>, vector<1x77x512xf32>,
      %swap3A_1288 = arith.constant 24 : index
      %swap3A_1289 = arith.constant 0 : index
      %swap3A_1290 = arith.constant 0 : index
      %swap3A_1291 = vector.load %arg10[%swap3A_1288, %swap3A_1289, %swap3A_1290] : memref<64x77x512xf32, #tpu.memory_space<vmem>>, vector<1x77x512xf32>
      %swap3A_1292 = vector.shape_cast %swap3A_1291 : vector<1x77x512xf32> to vector<77x512xf32>
      %swap3A_1293 = vector.shape_cast %add3A_999 : vector<77x512xf32> to vector<1x77x512xf32>
      tpu.vector_store %arg10[%swap3A_1288, %swap3A_1289, %swap3A_1290], %swap3A_1293 {strides = array<i32>} : memref<64x77x512xf32, #tpu.memory_space<vmem>>, vector<1x77x512xf32>,
      %swap3A_1294 = arith.constant 24 : index
      %swap3A_1295 = arith.constant 0 : index
      %swap3A_1296 = arith.constant 0 : index
      %swap3A_1297 = vector.load %arg11[%swap3A_1294, %swap3A_1295, %swap3A_1296] : memref<64x77x512xf32, #tpu.memory_space<vmem>>, vector<1x77x512xf32>
      %swap3A_1298 = vector.shape_cast %swap3A_1297 : vector<1x77x512xf32> to vector<77x512xf32>
      %swap3A_1299 = vector.shape_cast %add3A_999 : vector<77x512xf32> to vector<1x77x512xf32>
      tpu.vector_store %arg11[%swap3A_1294, %swap3A_1295, %swap3A_1296], %swap3A_1299 {strides = array<i32>} : memref<64x77x512xf32, #tpu.memory_space<vmem>>, vector<1x77x512xf32>,
      %swap3A_1300 = arith.constant 25 : index
      %swap3A_1301 = arith.constant 0 : index
      %swap3A_1302 = arith.constant 0 : index
      %swap3A_1303 = vector.load %arg10[%swap3A_1300, %swap3A_1301, %swap3A_1302] : memref<64x77x512xf32, #tpu.memory_space<vmem>>, vector<1x77x512xf32>
      %swap3A_1304 = vector.shape_cast %swap3A_1303 : vector<1x77x512xf32> to vector<77x512xf32>
      %swap3A_1305 = vector.shape_cast %add3A_999 : vector<77x512xf32> to vector<1x77x512xf32>
      tpu.vector_store %arg10[%swap3A_1300, %swap3A_1301, %swap3A_1302], %swap3A_1305 {strides = array<i32>} : memref<64x77x512xf32, #tpu.memory_space<vmem>>, vector<1x77x512xf32>,
      %swap3A_1306 = arith.constant 25 : index
      %swap3A_1307 = arith.constant 0 : index
      %swap3A_1308 = arith.constant 0 : index
      %swap3A_1309 = vector.load %arg11[%swap3A_1306, %swap3A_1307, %swap3A_1308] : memref<64x77x512xf32, #tpu.memory_space<vmem>>, vector<1x77x512xf32>
      %swap3A_1310 = vector.shape_cast %swap3A_1309 : vector<1x77x512xf32> to vector<77x512xf32>
      %swap3A_1311 = vector.shape_cast %add3A_999 : vector<77x512xf32> to vector<1x77x512xf32>
      tpu.vector_store %arg11[%swap3A_1306, %swap3A_1307, %swap3A_1308], %swap3A_1311 {strides = array<i32>} : memref<64x77x512xf32, #tpu.memory_space<vmem>>, vector<1x77x512xf32>,
      %swap3A_1312 = arith.constant 26 : index
      %swap3A_1313 = arith.constant 0 : index
      %swap3A_1314 = arith.constant 0 : index
      %swap3A_1315 = vector.load %arg10[%swap3A_1312, %swap3A_1313, %swap3A_1314] : memref<64x77x512xf32, #tpu.memory_space<vmem>>, vector<1x77x512xf32>
      %swap3A_1316 = vector.shape_cast %swap3A_1315 : vector<1x77x512xf32> to vector<77x512xf32>
      %swap3A_1317 = vector.shape_cast %add3A_999 : vector<77x512xf32> to vector<1x77x512xf32>
      tpu.vector_store %arg10[%swap3A_1312, %swap3A_1313, %swap3A_1314], %swap3A_1317 {strides = array<i32>} : memref<64x77x512xf32, #tpu.memory_space<vmem>>, vector<1x77x512xf32>,
      %swap3A_1318 = arith.constant 26 : index
      %swap3A_1319 = arith.constant 0 : index
      %swap3A_1320 = arith.constant 0 : index
      %swap3A_1321 = vector.load %arg11[%swap3A_1318, %swap3A_1319, %swap3A_1320] : memref<64x77x512xf32, #tpu.memory_space<vmem>>, vector<1x77x512xf32>
      %swap3A_1322 = vector.shape_cast %swap3A_1321 : vector<1x77x512xf32> to vector<77x512xf32>
      %swap3A_1323 = vector.shape_cast %add3A_999 : vector<77x512xf32> to vector<1x77x512xf32>
      tpu.vector_store %arg11[%swap3A_1318, %swap3A_1319, %swap3A_1320], %swap3A_1323 {strides = array<i32>} : memref<64x77x512xf32, #tpu.memory_space<vmem>>, vector<1x77x512xf32>,
      %swap3A_1324 = arith.constant 27 : index
      %swap3A_1325 = arith.constant 0 : index
      %swap3A_1326 = arith.constant 0 : index
      %swap3A_1327 = vector.load %arg10[%swap3A_1324, %swap3A_1325, %swap3A_1326] : memref<64x77x512xf32, #tpu.memory_space<vmem>>, vector<1x77x512xf32>
      %swap3A_1328 = vector.shape_cast %swap3A_1327 : vector<1x77x512xf32> to vector<77x512xf32>
      %swap3A_1329 = vector.shape_cast %add3A_999 : vector<77x512xf32> to vector<1x77x512xf32>
      tpu.vector_store %arg10[%swap3A_1324, %swap3A_1325, %swap3A_1326], %swap3A_1329 {strides = array<i32>} : memref<64x77x512xf32, #tpu.memory_space<vmem>>, vector<1x77x512xf32>,
      %swap3A_1330 = arith.constant 27 : index
      %swap3A_1331 = arith.constant 0 : index
      %swap3A_1332 = arith.constant 0 : index
      %swap3A_1333 = vector.load %arg11[%swap3A_1330, %swap3A_1331, %swap3A_1332] : memref<64x77x512xf32, #tpu.memory_space<vmem>>, vector<1x77x512xf32>
      %swap3A_1334 = vector.shape_cast %swap3A_1333 : vector<1x77x512xf32> to vector<77x512xf32>
      %swap3A_1335 = vector.shape_cast %add3A_999 : vector<77x512xf32> to vector<1x77x512xf32>
      tpu.vector_store %arg11[%swap3A_1330, %swap3A_1331, %swap3A_1332], %swap3A_1335 {strides = array<i32>} : memref<64x77x512xf32, #tpu.memory_space<vmem>>, vector<1x77x512xf32>,
      %swap3A_1336 = arith.constant 28 : index
      %swap3A_1337 = arith.constant 0 : index
      %swap3A_1338 = arith.constant 0 : index
      %swap3A_1339 = vector.load %arg10[%swap3A_1336, %swap3A_1337, %swap3A_1338] : memref<64x77x512xf32, #tpu.memory_space<vmem>>, vector<1x77x512xf32>
      %swap3A_1340 = vector.shape_cast %swap3A_1339 : vector<1x77x512xf32> to vector<77x512xf32>
      %swap3A_1341 = vector.shape_cast %add3A_999 : vector<77x512xf32> to vector<1x77x512xf32>
      tpu.vector_store %arg10[%swap3A_1336, %swap3A_1337, %swap3A_1338], %swap3A_1341 {strides = array<i32>} : memref<64x77x512xf32, #tpu.memory_space<vmem>>, vector<1x77x512xf32>,
      %swap3A_1342 = arith.constant 28 : index
      %swap3A_1343 = arith.constant 0 : index
      %swap3A_1344 = arith.constant 0 : index
      %swap3A_1345 = vector.load %arg11[%swap3A_1342, %swap3A_1343, %swap3A_1344] : memref<64x77x512xf32, #tpu.memory_space<vmem>>, vector<1x77x512xf32>
      %swap3A_1346 = vector.shape_cast %swap3A_1345 : vector<1x77x512xf32> to vector<77x512xf32>
      %swap3A_1347 = vector.shape_cast %add3A_999 : vector<77x512xf32> to vector<1x77x512xf32>
      tpu.vector_store %arg11[%swap3A_1342, %swap3A_1343, %swap3A_1344], %swap3A_1347 {strides = array<i32>} : memref<64x77x512xf32, #tpu.memory_space<vmem>>, vector<1x77x512xf32>,
      %swap3A_1348 = arith.constant 29 : index
      %swap3A_1349 = arith.constant 0 : index
      %swap3A_1350 = arith.constant 0 : index
      %swap3A_1351 = vector.load %arg10[%swap3A_1348, %swap3A_1349, %swap3A_1350] : memref<64x77x512xf32, #tpu.memory_space<vmem>>, vector<1x77x512xf32>
      %swap3A_1352 = vector.shape_cast %swap3A_1351 : vector<1x77x512xf32> to vector<77x512xf32>
      %swap3A_1353 = vector.shape_cast %add3A_999 : vector<77x512xf32> to vector<1x77x512xf32>
      tpu.vector_store %arg10[%swap3A_1348, %swap3A_1349, %swap3A_1350], %swap3A_1353 {strides = array<i32>} : memref<64x77x512xf32, #tpu.memory_space<vmem>>, vector<1x77x512xf32>,
      %swap3A_1354 = arith.constant 29 : index
      %swap3A_1355 = arith.constant 0 : index
      %swap3A_1356 = arith.constant 0 : index
      %swap3A_1357 = vector.load %arg11[%swap3A_1354, %swap3A_1355, %swap3A_1356] : memref<64x77x512xf32, #tpu.memory_space<vmem>>, vector<1x77x512xf32>
      %swap3A_1358 = vector.shape_cast %swap3A_1357 : vector<1x77x512xf32> to vector<77x512xf32>
      %swap3A_1359 = vector.shape_cast %add3A_999 : vector<77x512xf32> to vector<1x77x512xf32>
      tpu.vector_store %arg11[%swap3A_1354, %swap3A_1355, %swap3A_1356], %swap3A_1359 {strides = array<i32>} : memref<64x77x512xf32, #tpu.memory_space<vmem>>, vector<1x77x512xf32>,
      %swap3A_1360 = arith.constant 30 : index
      %swap3A_1361 = arith.constant 0 : index
      %swap3A_1362 = arith.constant 0 : index
      %swap3A_1363 = vector.load %arg10[%swap3A_1360, %swap3A_1361, %swap3A_1362] : memref<64x77x512xf32, #tpu.memory_space<vmem>>, vector<1x77x512xf32>
      %swap3A_1364 = vector.shape_cast %swap3A_1363 : vector<1x77x512xf32> to vector<77x512xf32>
      %swap3A_1365 = vector.shape_cast %add3A_999 : vector<77x512xf32> to vector<1x77x512xf32>
      tpu.vector_store %arg10[%swap3A_1360, %swap3A_1361, %swap3A_1362], %swap3A_1365 {strides = array<i32>} : memref<64x77x512xf32, #tpu.memory_space<vmem>>, vector<1x77x512xf32>,
      %swap3A_1366 = arith.constant 30 : index
      %swap3A_1367 = arith.constant 0 : index
      %swap3A_1368 = arith.constant 0 : index
      %swap3A_1369 = vector.load %arg11[%swap3A_1366, %swap3A_1367, %swap3A_1368] : memref<64x77x512xf32, #tpu.memory_space<vmem>>, vector<1x77x512xf32>
      %swap3A_1370 = vector.shape_cast %swap3A_1369 : vector<1x77x512xf32> to vector<77x512xf32>
      %swap3A_1371 = vector.shape_cast %add3A_999 : vector<77x512xf32> to vector<1x77x512xf32>
      tpu.vector_store %arg11[%swap3A_1366, %swap3A_1367, %swap3A_1368], %swap3A_1371 {strides = array<i32>} : memref<64x77x512xf32, #tpu.memory_space<vmem>>, vector<1x77x512xf32>,
      %swap3A_1372 = arith.constant 31 : index
      %swap3A_1373 = arith.constant 0 : index
      %swap3A_1374 = arith.constant 0 : index
      %swap3A_1375 = vector.load %arg10[%swap3A_1372, %swap3A_1373, %swap3A_1374] : memref<64x77x512xf32, #tpu.memory_space<vmem>>, vector<1x77x512xf32>
      %swap3A_1376 = vector.shape_cast %swap3A_1375 : vector<1x77x512xf32> to vector<77x512xf32>
      %swap3A_1377 = vector.shape_cast %add3A_999 : vector<77x512xf32> to vector<1x77x512xf32>
      tpu.vector_store %arg10[%swap3A_1372, %swap3A_1373, %swap3A_1374], %swap3A_1377 {strides = array<i32>} : memref<64x77x512xf32, #tpu.memory_space<vmem>>, vector<1x77x512xf32>,
      %swap3A_1378 = arith.constant 31 : index
      %swap3A_1379 = arith.constant 0 : index
      %swap3A_1380 = arith.constant 0 : index
      %swap3A_1381 = vector.load %arg11[%swap3A_1378, %swap3A_1379, %swap3A_1380] : memref<64x77x512xf32, #tpu.memory_space<vmem>>, vector<1x77x512xf32>
      %swap3A_1382 = vector.shape_cast %swap3A_1381 : vector<1x77x512xf32> to vector<77x512xf32>
      %swap3A_1383 = vector.shape_cast %add3A_999 : vector<77x512xf32> to vector<1x77x512xf32>
      tpu.vector_store %arg11[%swap3A_1378, %swap3A_1379, %swap3A_1380], %swap3A_1383 {strides = array<i32>} : memref<64x77x512xf32, #tpu.memory_space<vmem>>, vector<1x77x512xf32>,
      %swap3A_1384 = arith.constant 32 : index
      %swap3A_1385 = arith.constant 0 : index
      %swap3A_1386 = arith.constant 0 : index
      %swap3A_1387 = vector.load %arg10[%swap3A_1384, %swap3A_1385, %swap3A_1386] : memref<64x77x512xf32, #tpu.memory_space<vmem>>, vector<1x77x512xf32>
      %swap3A_1388 = vector.shape_cast %swap3A_1387 : vector<1x77x512xf32> to vector<77x512xf32>
      %swap3A_1389 = vector.shape_cast %add3A_999 : vector<77x512xf32> to vector<1x77x512xf32>
      tpu.vector_store %arg10[%swap3A_1384, %swap3A_1385, %swap3A_1386], %swap3A_1389 {strides = array<i32>} : memref<64x77x512xf32, #tpu.memory_space<vmem>>, vector<1x77x512xf32>,
      %swap3A_1390 = arith.constant 32 : index
      %swap3A_1391 = arith.constant 0 : index
      %swap3A_1392 = arith.constant 0 : index
      %swap3A_1393 = vector.load %arg11[%swap3A_1390, %swap3A_1391, %swap3A_1392] : memref<64x77x512xf32, #tpu.memory_space<vmem>>, vector<1x77x512xf32>
      %swap3A_1394 = vector.shape_cast %swap3A_1393 : vector<1x77x512xf32> to vector<77x512xf32>
      %swap3A_1395 = vector.shape_cast %add3A_999 : vector<77x512xf32> to vector<1x77x512xf32>
      tpu.vector_store %arg11[%swap3A_1390, %swap3A_1391, %swap3A_1392], %swap3A_1395 {strides = array<i32>} : memref<64x77x512xf32, #tpu.memory_space<vmem>>, vector<1x77x512xf32>,
      %swap3A_1396 = arith.constant 33 : index
      %swap3A_1397 = arith.constant 0 : index
      %swap3A_1398 = arith.constant 0 : index
      %swap3A_1399 = vector.load %arg10[%swap3A_1396, %swap3A_1397, %swap3A_1398] : memref<64x77x512xf32, #tpu.memory_space<vmem>>, vector<1x77x512xf32>
      %swap3A_1400 = vector.shape_cast %swap3A_1399 : vector<1x77x512xf32> to vector<77x512xf32>
      %swap3A_1401 = vector.shape_cast %add3A_999 : vector<77x512xf32> to vector<1x77x512xf32>
      tpu.vector_store %arg10[%swap3A_1396, %swap3A_1397, %swap3A_1398], %swap3A_1401 {strides = array<i32>} : memref<64x77x512xf32, #tpu.memory_space<vmem>>, vector<1x77x512xf32>,
      %swap3A_1402 = arith.constant 33 : index
      %swap3A_1403 = arith.constant 0 : index
      %swap3A_1404 = arith.constant 0 : index
      %swap3A_1405 = vector.load %arg11[%swap3A_1402, %swap3A_1403, %swap3A_1404] : memref<64x77x512xf32, #tpu.memory_space<vmem>>, vector<1x77x512xf32>
      %swap3A_1406 = vector.shape_cast %swap3A_1405 : vector<1x77x512xf32> to vector<77x512xf32>
      %swap3A_1407 = vector.shape_cast %add3A_999 : vector<77x512xf32> to vector<1x77x512xf32>
      tpu.vector_store %arg11[%swap3A_1402, %swap3A_1403, %swap3A_1404], %swap3A_1407 {strides = array<i32>} : memref<64x77x512xf32, #tpu.memory_space<vmem>>, vector<1x77x512xf32>,
      %swap3A_1408 = arith.constant 34 : index
      %swap3A_1409 = arith.constant 0 : index
      %swap3A_1410 = arith.constant 0 : index
      %swap3A_1411 = vector.load %arg10[%swap3A_1408, %swap3A_1409, %swap3A_1410] : memref<64x77x512xf32, #tpu.memory_space<vmem>>, vector<1x77x512xf32>
      %swap3A_1412 = vector.shape_cast %swap3A_1411 : vector<1x77x512xf32> to vector<77x512xf32>
      %swap3A_1413 = vector.shape_cast %add3A_999 : vector<77x512xf32> to vector<1x77x512xf32>
      tpu.vector_store %arg10[%swap3A_1408, %swap3A_1409, %swap3A_1410], %swap3A_1413 {strides = array<i32>} : memref<64x77x512xf32, #tpu.memory_space<vmem>>, vector<1x77x512xf32>,
      %swap3A_1414 = arith.constant 34 : index
      %swap3A_1415 = arith.constant 0 : index
      %swap3A_1416 = arith.constant 0 : index
      %swap3A_1417 = vector.load %arg11[%swap3A_1414, %swap3A_1415, %swap3A_1416] : memref<64x77x512xf32, #tpu.memory_space<vmem>>, vector<1x77x512xf32>
      %swap3A_1418 = vector.shape_cast %swap3A_1417 : vector<1x77x512xf32> to vector<77x512xf32>
      %swap3A_1419 = vector.shape_cast %add3A_999 : vector<77x512xf32> to vector<1x77x512xf32>
      tpu.vector_store %arg11[%swap3A_1414, %swap3A_1415, %swap3A_1416], %swap3A_1419 {strides = array<i32>} : memref<64x77x512xf32, #tpu.memory_space<vmem>>, vector<1x77x512xf32>,
      %swap3A_1420 = arith.constant 35 : index
      %swap3A_1421 = arith.constant 0 : index
      %swap3A_1422 = arith.constant 0 : index
      %swap3A_1423 = vector.load %arg10[%swap3A_1420, %swap3A_1421, %swap3A_1422] : memref<64x77x512xf32, #tpu.memory_space<vmem>>, vector<1x77x512xf32>
      %swap3A_1424 = vector.shape_cast %swap3A_1423 : vector<1x77x512xf32> to vector<77x512xf32>
      %swap3A_1425 = vector.shape_cast %add3A_999 : vector<77x512xf32> to vector<1x77x512xf32>
      tpu.vector_store %arg10[%swap3A_1420, %swap3A_1421, %swap3A_1422], %swap3A_1425 {strides = array<i32>} : memref<64x77x512xf32, #tpu.memory_space<vmem>>, vector<1x77x512xf32>,
      %swap3A_1426 = arith.constant 35 : index
      %swap3A_1427 = arith.constant 0 : index
      %swap3A_1428 = arith.constant 0 : index
      %swap3A_1429 = vector.load %arg11[%swap3A_1426, %swap3A_1427, %swap3A_1428] : memref<64x77x512xf32, #tpu.memory_space<vmem>>, vector<1x77x512xf32>
      %swap3A_1430 = vector.shape_cast %swap3A_1429 : vector<1x77x512xf32> to vector<77x512xf32>
      %swap3A_1431 = vector.shape_cast %add3A_999 : vector<77x512xf32> to vector<1x77x512xf32>
      tpu.vector_store %arg11[%swap3A_1426, %swap3A_1427, %swap3A_1428], %swap3A_1431 {strides = array<i32>} : memref<64x77x512xf32, #tpu.memory_space<vmem>>, vector<1x77x512xf32>,
      %swap3A_1432 = arith.constant 36 : index
      %swap3A_1433 = arith.constant 0 : index
      %swap3A_1434 = arith.constant 0 : index
      %swap3A_1435 = vector.load %arg10[%swap3A_1432, %swap3A_1433, %swap3A_1434] : memref<64x77x512xf32, #tpu.memory_space<vmem>>, vector<1x77x512xf32>
      %swap3A_1436 = vector.shape_cast %swap3A_1435 : vector<1x77x512xf32> to vector<77x512xf32>
      %swap3A_1437 = vector.shape_cast %add3A_999 : vector<77x512xf32> to vector<1x77x512xf32>
      tpu.vector_store %arg10[%swap3A_1432, %swap3A_1433, %swap3A_1434], %swap3A_1437 {strides = array<i32>} : memref<64x77x512xf32, #tpu.memory_space<vmem>>, vector<1x77x512xf32>,
      %swap3A_1438 = arith.constant 36 : index
      %swap3A_1439 = arith.constant 0 : index
      %swap3A_1440 = arith.constant 0 : index
      %swap3A_1441 = vector.load %arg11[%swap3A_1438, %swap3A_1439, %swap3A_1440] : memref<64x77x512xf32, #tpu.memory_space<vmem>>, vector<1x77x512xf32>
      %swap3A_1442 = vector.shape_cast %swap3A_1441 : vector<1x77x512xf32> to vector<77x512xf32>
      %swap3A_1443 = vector.shape_cast %add3A_999 : vector<77x512xf32> to vector<1x77x512xf32>
      tpu.vector_store %arg11[%swap3A_1438, %swap3A_1439, %swap3A_1440], %swap3A_1443 {strides = array<i32>} : memref<64x77x512xf32, #tpu.memory_space<vmem>>, vector<1x77x512xf32>,
      %swap3A_1444 = arith.constant 37 : index
      %swap3A_1445 = arith.constant 0 : index
      %swap3A_1446 = arith.constant 0 : index
      %swap3A_1447 = vector.load %arg10[%swap3A_1444, %swap3A_1445, %swap3A_1446] : memref<64x77x512xf32, #tpu.memory_space<vmem>>, vector<1x77x512xf32>
      %swap3A_1448 = vector.shape_cast %swap3A_1447 : vector<1x77x512xf32> to vector<77x512xf32>
      %swap3A_1449 = vector.shape_cast %add3A_999 : vector<77x512xf32> to vector<1x77x512xf32>
      tpu.vector_store %arg10[%swap3A_1444, %swap3A_1445, %swap3A_1446], %swap3A_1449 {strides = array<i32>} : memref<64x77x512xf32, #tpu.memory_space<vmem>>, vector<1x77x512xf32>,
      %swap3A_1450 = arith.constant 37 : index
      %swap3A_1451 = arith.constant 0 : index
      %swap3A_1452 = arith.constant 0 : index
      %swap3A_1453 = vector.load %arg11[%swap3A_1450, %swap3A_1451, %swap3A_1452] : memref<64x77x512xf32, #tpu.memory_space<vmem>>, vector<1x77x512xf32>
      %swap3A_1454 = vector.shape_cast %swap3A_1453 : vector<1x77x512xf32> to vector<77x512xf32>
      %swap3A_1455 = vector.shape_cast %add3A_999 : vector<77x512xf32> to vector<1x77x512xf32>
      tpu.vector_store %arg11[%swap3A_1450, %swap3A_1451, %swap3A_1452], %swap3A_1455 {strides = array<i32>} : memref<64x77x512xf32, #tpu.memory_space<vmem>>, vector<1x77x512xf32>,
      %swap3A_1456 = arith.constant 38 : index
      %swap3A_1457 = arith.constant 0 : index
      %swap3A_1458 = arith.constant 0 : index
      %swap3A_1459 = vector.load %arg10[%swap3A_1456, %swap3A_1457, %swap3A_1458] : memref<64x77x512xf32, #tpu.memory_space<vmem>>, vector<1x77x512xf32>
      %swap3A_1460 = vector.shape_cast %swap3A_1459 : vector<1x77x512xf32> to vector<77x512xf32>
      %swap3A_1461 = vector.shape_cast %add3A_999 : vector<77x512xf32> to vector<1x77x512xf32>
      tpu.vector_store %arg10[%swap3A_1456, %swap3A_1457, %swap3A_1458], %swap3A_1461 {strides = array<i32>} : memref<64x77x512xf32, #tpu.memory_space<vmem>>, vector<1x77x512xf32>,
      %swap3A_1462 = arith.constant 38 : index
      %swap3A_1463 = arith.constant 0 : index
      %swap3A_1464 = arith.constant 0 : index
      %swap3A_1465 = vector.load %arg11[%swap3A_1462, %swap3A_1463, %swap3A_1464] : memref<64x77x512xf32, #tpu.memory_space<vmem>>, vector<1x77x512xf32>
      %swap3A_1466 = vector.shape_cast %swap3A_1465 : vector<1x77x512xf32> to vector<77x512xf32>
      %swap3A_1467 = vector.shape_cast %add3A_999 : vector<77x512xf32> to vector<1x77x512xf32>
      tpu.vector_store %arg11[%swap3A_1462, %swap3A_1463, %swap3A_1464], %swap3A_1467 {strides = array<i32>} : memref<64x77x512xf32, #tpu.memory_space<vmem>>, vector<1x77x512xf32>,
      %swap3A_1468 = arith.constant 39 : index
      %swap3A_1469 = arith.constant 0 : index
      %swap3A_1470 = arith.constant 0 : index
      %swap3A_1471 = vector.load %arg10[%swap3A_1468, %swap3A_1469, %swap3A_1470] : memref<64x77x512xf32, #tpu.memory_space<vmem>>, vector<1x77x512xf32>
      %swap3A_1472 = vector.shape_cast %swap3A_1471 : vector<1x77x512xf32> to vector<77x512xf32>
      %swap3A_1473 = vector.shape_cast %add3A_999 : vector<77x512xf32> to vector<1x77x512xf32>
      tpu.vector_store %arg10[%swap3A_1468, %swap3A_1469, %swap3A_1470], %swap3A_1473 {strides = array<i32>} : memref<64x77x512xf32, #tpu.memory_space<vmem>>, vector<1x77x512xf32>,
      %swap3A_1474 = arith.constant 39 : index
      %swap3A_1475 = arith.constant 0 : index
      %swap3A_1476 = arith.constant 0 : index
      %swap3A_1477 = vector.load %arg11[%swap3A_1474, %swap3A_1475, %swap3A_1476] : memref<64x77x512xf32, #tpu.memory_space<vmem>>, vector<1x77x512xf32>
      %swap3A_1478 = vector.shape_cast %swap3A_1477 : vector<1x77x512xf32> to vector<77x512xf32>
      %swap3A_1479 = vector.shape_cast %add3A_999 : vector<77x512xf32> to vector<1x77x512xf32>
      tpu.vector_store %arg11[%swap3A_1474, %swap3A_1475, %swap3A_1476], %swap3A_1479 {strides = array<i32>} : memref<64x77x512xf32, #tpu.memory_space<vmem>>, vector<1x77x512xf32>,
      %swap3A_1480 = arith.constant 40 : index
      %swap3A_1481 = arith.constant 0 : index
      %swap3A_1482 = arith.constant 0 : index
      %swap3A_1483 = vector.load %arg10[%swap3A_1480, %swap3A_1481, %swap3A_1482] : memref<64x77x512xf32, #tpu.memory_space<vmem>>, vector<1x77x512xf32>
      %swap3A_1484 = vector.shape_cast %swap3A_1483 : vector<1x77x512xf32> to vector<77x512xf32>
      %swap3A_1485 = vector.shape_cast %add3A_999 : vector<77x512xf32> to vector<1x77x512xf32>
      tpu.vector_store %arg10[%swap3A_1480, %swap3A_1481, %swap3A_1482], %swap3A_1485 {strides = array<i32>} : memref<64x77x512xf32, #tpu.memory_space<vmem>>, vector<1x77x512xf32>,
      %swap3A_1486 = arith.constant 40 : index
      %swap3A_1487 = arith.constant 0 : index
      %swap3A_1488 = arith.constant 0 : index
      %swap3A_1489 = vector.load %arg11[%swap3A_1486, %swap3A_1487, %swap3A_1488] : memref<64x77x512xf32, #tpu.memory_space<vmem>>, vector<1x77x512xf32>
      %swap3A_1490 = vector.shape_cast %swap3A_1489 : vector<1x77x512xf32> to vector<77x512xf32>
      %swap3A_1491 = vector.shape_cast %add3A_999 : vector<77x512xf32> to vector<1x77x512xf32>
      tpu.vector_store %arg11[%swap3A_1486, %swap3A_1487, %swap3A_1488], %swap3A_1491 {strides = array<i32>} : memref<64x77x512xf32, #tpu.memory_space<vmem>>, vector<1x77x512xf32>,
      %swap3A_1492 = arith.constant 41 : index
      %swap3A_1493 = arith.constant 0 : index
      %swap3A_1494 = arith.constant 0 : index
      %swap3A_1495 = vector.load %arg10[%swap3A_1492, %swap3A_1493, %swap3A_1494] : memref<64x77x512xf32, #tpu.memory_space<vmem>>, vector<1x77x512xf32>
      %swap3A_1496 = vector.shape_cast %swap3A_1495 : vector<1x77x512xf32> to vector<77x512xf32>
      %swap3A_1497 = vector.shape_cast %add3A_999 : vector<77x512xf32> to vector<1x77x512xf32>
      tpu.vector_store %arg10[%swap3A_1492, %swap3A_1493, %swap3A_1494], %swap3A_1497 {strides = array<i32>} : memref<64x77x512xf32, #tpu.memory_space<vmem>>, vector<1x77x512xf32>,
      %swap3A_1498 = arith.constant 41 : index
      %swap3A_1499 = arith.constant 0 : index
      %swap3A_1500 = arith.constant 0 : index
      %swap3A_1501 = vector.load %arg11[%swap3A_1498, %swap3A_1499, %swap3A_1500] : memref<64x77x512xf32, #tpu.memory_space<vmem>>, vector<1x77x512xf32>
      %swap3A_1502 = vector.shape_cast %swap3A_1501 : vector<1x77x512xf32> to vector<77x512xf32>
      %swap3A_1503 = vector.shape_cast %add3A_999 : vector<77x512xf32> to vector<1x77x512xf32>
      tpu.vector_store %arg11[%swap3A_1498, %swap3A_1499, %swap3A_1500], %swap3A_1503 {strides = array<i32>} : memref<64x77x512xf32, #tpu.memory_space<vmem>>, vector<1x77x512xf32>,
      %swap3A_1504 = arith.constant 42 : index
      %swap3A_1505 = arith.constant 0 : index
      %swap3A_1506 = arith.constant 0 : index
      %swap3A_1507 = vector.load %arg10[%swap3A_1504, %swap3A_1505, %swap3A_1506] : memref<64x77x512xf32, #tpu.memory_space<vmem>>, vector<1x77x512xf32>
      %swap3A_1508 = vector.shape_cast %swap3A_1507 : vector<1x77x512xf32> to vector<77x512xf32>
      %swap3A_1509 = vector.shape_cast %add3A_999 : vector<77x512xf32> to vector<1x77x512xf32>
      tpu.vector_store %arg10[%swap3A_1504, %swap3A_1505, %swap3A_1506], %swap3A_1509 {strides = array<i32>} : memref<64x77x512xf32, #tpu.memory_space<vmem>>, vector<1x77x512xf32>,
      %swap3A_1510 = arith.constant 42 : index
      %swap3A_1511 = arith.constant 0 : index
      %swap3A_1512 = arith.constant 0 : index
      %swap3A_1513 = vector.load %arg11[%swap3A_1510, %swap3A_1511, %swap3A_1512] : memref<64x77x512xf32, #tpu.memory_space<vmem>>, vector<1x77x512xf32>
      %swap3A_1514 = vector.shape_cast %swap3A_1513 : vector<1x77x512xf32> to vector<77x512xf32>
      %swap3A_1515 = vector.shape_cast %add3A_999 : vector<77x512xf32> to vector<1x77x512xf32>
      tpu.vector_store %arg11[%swap3A_1510, %swap3A_1511, %swap3A_1512], %swap3A_1515 {strides = array<i32>} : memref<64x77x512xf32, #tpu.memory_space<vmem>>, vector<1x77x512xf32>,
      %swap3A_1516 = arith.constant 43 : index
      %swap3A_1517 = arith.constant 0 : index
      %swap3A_1518 = arith.constant 0 : index
      %swap3A_1519 = vector.load %arg10[%swap3A_1516, %swap3A_1517, %swap3A_1518] : memref<64x77x512xf32, #tpu.memory_space<vmem>>, vector<1x77x512xf32>
      %swap3A_1520 = vector.shape_cast %swap3A_1519 : vector<1x77x512xf32> to vector<77x512xf32>
      %swap3A_1521 = vector.shape_cast %add3A_999 : vector<77x512xf32> to vector<1x77x512xf32>
      tpu.vector_store %arg10[%swap3A_1516, %swap3A_1517, %swap3A_1518], %swap3A_1521 {strides = array<i32>} : memref<64x77x512xf32, #tpu.memory_space<vmem>>, vector<1x77x512xf32>,
      %swap3A_1522 = arith.constant 43 : index
      %swap3A_1523 = arith.constant 0 : index
      %swap3A_1524 = arith.constant 0 : index
      %swap3A_1525 = vector.load %arg11[%swap3A_1522, %swap3A_1523, %swap3A_1524] : memref<64x77x512xf32, #tpu.memory_space<vmem>>, vector<1x77x512xf32>
      %swap3A_1526 = vector.shape_cast %swap3A_1525 : vector<1x77x512xf32> to vector<77x512xf32>
      %swap3A_1527 = vector.shape_cast %add3A_999 : vector<77x512xf32> to vector<1x77x512xf32>
      tpu.vector_store %arg11[%swap3A_1522, %swap3A_1523, %swap3A_1524], %swap3A_1527 {strides = array<i32>} : memref<64x77x512xf32, #tpu.memory_space<vmem>>, vector<1x77x512xf32>,
      %swap3A_1528 = arith.constant 44 : index
      %swap3A_1529 = arith.constant 0 : index
      %swap3A_1530 = arith.constant 0 : index
      %swap3A_1531 = vector.load %arg10[%swap3A_1528, %swap3A_1529, %swap3A_1530] : memref<64x77x512xf32, #tpu.memory_space<vmem>>, vector<1x77x512xf32>
      %swap3A_1532 = vector.shape_cast %swap3A_1531 : vector<1x77x512xf32> to vector<77x512xf32>
      %swap3A_1533 = vector.shape_cast %add3A_999 : vector<77x512xf32> to vector<1x77x512xf32>
      tpu.vector_store %arg10[%swap3A_1528, %swap3A_1529, %swap3A_1530], %swap3A_1533 {strides = array<i32>} : memref<64x77x512xf32, #tpu.memory_space<vmem>>, vector<1x77x512xf32>,
      %swap3A_1534 = arith.constant 44 : index
      %swap3A_1535 = arith.constant 0 : index
      %swap3A_1536 = arith.constant 0 : index
      %swap3A_1537 = vector.load %arg11[%swap3A_1534, %swap3A_1535, %swap3A_1536] : memref<64x77x512xf32, #tpu.memory_space<vmem>>, vector<1x77x512xf32>
      %swap3A_1538 = vector.shape_cast %swap3A_1537 : vector<1x77x512xf32> to vector<77x512xf32>
      %swap3A_1539 = vector.shape_cast %add3A_999 : vector<77x512xf32> to vector<1x77x512xf32>
      tpu.vector_store %arg11[%swap3A_1534, %swap3A_1535, %swap3A_1536], %swap3A_1539 {strides = array<i32>} : memref<64x77x512xf32, #tpu.memory_space<vmem>>, vector<1x77x512xf32>,
      %swap3A_1540 = arith.constant 45 : index
      %swap3A_1541 = arith.constant 0 : index
      %swap3A_1542 = arith.constant 0 : index
      %swap3A_1543 = vector.load %arg10[%swap3A_1540, %swap3A_1541, %swap3A_1542] : memref<64x77x512xf32, #tpu.memory_space<vmem>>, vector<1x77x512xf32>
      %swap3A_1544 = vector.shape_cast %swap3A_1543 : vector<1x77x512xf32> to vector<77x512xf32>
      %swap3A_1545 = vector.shape_cast %add3A_999 : vector<77x512xf32> to vector<1x77x512xf32>
      tpu.vector_store %arg10[%swap3A_1540, %swap3A_1541, %swap3A_1542], %swap3A_1545 {strides = array<i32>} : memref<64x77x512xf32, #tpu.memory_space<vmem>>, vector<1x77x512xf32>,
      %swap3A_1546 = arith.constant 45 : index
      %swap3A_1547 = arith.constant 0 : index
      %swap3A_1548 = arith.constant 0 : index
      %swap3A_1549 = vector.load %arg11[%swap3A_1546, %swap3A_1547, %swap3A_1548] : memref<64x77x512xf32, #tpu.memory_space<vmem>>, vector<1x77x512xf32>
      %swap3A_1550 = vector.shape_cast %swap3A_1549 : vector<1x77x512xf32> to vector<77x512xf32>
      %swap3A_1551 = vector.shape_cast %add3A_999 : vector<77x512xf32> to vector<1x77x512xf32>
      tpu.vector_store %arg11[%swap3A_1546, %swap3A_1547, %swap3A_1548], %swap3A_1551 {strides = array<i32>} : memref<64x77x512xf32, #tpu.memory_space<vmem>>, vector<1x77x512xf32>,
      %swap3A_1552 = arith.constant 46 : index
      %swap3A_1553 = arith.constant 0 : index
      %swap3A_1554 = arith.constant 0 : index
      %swap3A_1555 = vector.load %arg10[%swap3A_1552, %swap3A_1553, %swap3A_1554] : memref<64x77x512xf32, #tpu.memory_space<vmem>>, vector<1x77x512xf32>
      %swap3A_1556 = vector.shape_cast %swap3A_1555 : vector<1x77x512xf32> to vector<77x512xf32>
      %swap3A_1557 = vector.shape_cast %add3A_999 : vector<77x512xf32> to vector<1x77x512xf32>
      tpu.vector_store %arg10[%swap3A_1552, %swap3A_1553, %swap3A_1554], %swap3A_1557 {strides = array<i32>} : memref<64x77x512xf32, #tpu.memory_space<vmem>>, vector<1x77x512xf32>,
      %swap3A_1558 = arith.constant 46 : index
      %swap3A_1559 = arith.constant 0 : index
      %swap3A_1560 = arith.constant 0 : index
      %swap3A_1561 = vector.load %arg11[%swap3A_1558, %swap3A_1559, %swap3A_1560] : memref<64x77x512xf32, #tpu.memory_space<vmem>>, vector<1x77x512xf32>
      %swap3A_1562 = vector.shape_cast %swap3A_1561 : vector<1x77x512xf32> to vector<77x512xf32>
      %swap3A_1563 = vector.shape_cast %add3A_999 : vector<77x512xf32> to vector<1x77x512xf32>
      tpu.vector_store %arg11[%swap3A_1558, %swap3A_1559, %swap3A_1560], %swap3A_1563 {strides = array<i32>} : memref<64x77x512xf32, #tpu.memory_space<vmem>>, vector<1x77x512xf32>,
      %swap3A_1564 = arith.constant 47 : index
      %swap3A_1565 = arith.constant 0 : index
      %swap3A_1566 = arith.constant 0 : index
      %swap3A_1567 = vector.load %arg10[%swap3A_1564, %swap3A_1565, %swap3A_1566] : memref<64x77x512xf32, #tpu.memory_space<vmem>>, vector<1x77x512xf32>
      %swap3A_1568 = vector.shape_cast %swap3A_1567 : vector<1x77x512xf32> to vector<77x512xf32>
      %swap3A_1569 = vector.shape_cast %add3A_999 : vector<77x512xf32> to vector<1x77x512xf32>
      tpu.vector_store %arg10[%swap3A_1564, %swap3A_1565, %swap3A_1566], %swap3A_1569 {strides = array<i32>} : memref<64x77x512xf32, #tpu.memory_space<vmem>>, vector<1x77x512xf32>,
      %swap3A_1570 = arith.constant 47 : index
      %swap3A_1571 = arith.constant 0 : index
      %swap3A_1572 = arith.constant 0 : index
      %swap3A_1573 = vector.load %arg11[%swap3A_1570, %swap3A_1571, %swap3A_1572] : memref<64x77x512xf32, #tpu.memory_space<vmem>>, vector<1x77x512xf32>
      %swap3A_1574 = vector.shape_cast %swap3A_1573 : vector<1x77x512xf32> to vector<77x512xf32>
      %swap3A_1575 = vector.shape_cast %add3A_999 : vector<77x512xf32> to vector<1x77x512xf32>
      tpu.vector_store %arg11[%swap3A_1570, %swap3A_1571, %swap3A_1572], %swap3A_1575 {strides = array<i32>} : memref<64x77x512xf32, #tpu.memory_space<vmem>>, vector<1x77x512xf32>,
      %swap3A_1576 = arith.constant 48 : index
      %swap3A_1577 = arith.constant 0 : index
      %swap3A_1578 = arith.constant 0 : index
      %swap3A_1579 = vector.load %arg10[%swap3A_1576, %swap3A_1577, %swap3A_1578] : memref<64x77x512xf32, #tpu.memory_space<vmem>>, vector<1x77x512xf32>
      %swap3A_1580 = vector.shape_cast %swap3A_1579 : vector<1x77x512xf32> to vector<77x512xf32>
      %swap3A_1581 = vector.shape_cast %add3A_999 : vector<77x512xf32> to vector<1x77x512xf32>
      tpu.vector_store %arg10[%swap3A_1576, %swap3A_1577, %swap3A_1578], %swap3A_1581 {strides = array<i32>} : memref<64x77x512xf32, #tpu.memory_space<vmem>>, vector<1x77x512xf32>,
      %swap3A_1582 = arith.constant 48 : index
      %swap3A_1583 = arith.constant 0 : index
      %swap3A_1584 = arith.constant 0 : index
      %swap3A_1585 = vector.load %arg11[%swap3A_1582, %swap3A_1583, %swap3A_1584] : memref<64x77x512xf32, #tpu.memory_space<vmem>>, vector<1x77x512xf32>
      %swap3A_1586 = vector.shape_cast %swap3A_1585 : vector<1x77x512xf32> to vector<77x512xf32>
      %swap3A_1587 = vector.shape_cast %add3A_999 : vector<77x512xf32> to vector<1x77x512xf32>
      tpu.vector_store %arg11[%swap3A_1582, %swap3A_1583, %swap3A_1584], %swap3A_1587 {strides = array<i32>} : memref<64x77x512xf32, #tpu.memory_space<vmem>>, vector<1x77x512xf32>,
      %swap3A_1588 = arith.constant 49 : index
      %swap3A_1589 = arith.constant 0 : index
      %swap3A_1590 = arith.constant 0 : index
      %swap3A_1591 = vector.load %arg10[%swap3A_1588, %swap3A_1589, %swap3A_1590] : memref<64x77x512xf32, #tpu.memory_space<vmem>>, vector<1x77x512xf32>
      %swap3A_1592 = vector.shape_cast %swap3A_1591 : vector<1x77x512xf32> to vector<77x512xf32>
      %swap3A_1593 = vector.shape_cast %add3A_999 : vector<77x512xf32> to vector<1x77x512xf32>
      tpu.vector_store %arg10[%swap3A_1588, %swap3A_1589, %swap3A_1590], %swap3A_1593 {strides = array<i32>} : memref<64x77x512xf32, #tpu.memory_space<vmem>>, vector<1x77x512xf32>,
      %swap3A_1594 = arith.constant 49 : index
      %swap3A_1595 = arith.constant 0 : index
      %swap3A_1596 = arith.constant 0 : index
      %swap3A_1597 = vector.load %arg11[%swap3A_1594, %swap3A_1595, %swap3A_1596] : memref<64x77x512xf32, #tpu.memory_space<vmem>>, vector<1x77x512xf32>
      %swap3A_1598 = vector.shape_cast %swap3A_1597 : vector<1x77x512xf32> to vector<77x512xf32>
      %swap3A_1599 = vector.shape_cast %add3A_999 : vector<77x512xf32> to vector<1x77x512xf32>
      tpu.vector_store %arg11[%swap3A_1594, %swap3A_1595, %swap3A_1596], %swap3A_1599 {strides = array<i32>} : memref<64x77x512xf32, #tpu.memory_space<vmem>>, vector<1x77x512xf32>,
      %swap3A_1600 = arith.constant 50 : index
      %swap3A_1601 = arith.constant 0 : index
      %swap3A_1602 = arith.constant 0 : index
      %swap3A_1603 = vector.load %arg10[%swap3A_1600, %swap3A_1601, %swap3A_1602] : memref<64x77x512xf32, #tpu.memory_space<vmem>>, vector<1x77x512xf32>
      %swap3A_1604 = vector.shape_cast %swap3A_1603 : vector<1x77x512xf32> to vector<77x512xf32>
      %swap3A_1605 = vector.shape_cast %add3A_999 : vector<77x512xf32> to vector<1x77x512xf32>
      tpu.vector_store %arg10[%swap3A_1600, %swap3A_1601, %swap3A_1602], %swap3A_1605 {strides = array<i32>} : memref<64x77x512xf32, #tpu.memory_space<vmem>>, vector<1x77x512xf32>,
      %swap3A_1606 = arith.constant 50 : index
      %swap3A_1607 = arith.constant 0 : index
      %swap3A_1608 = arith.constant 0 : index
      %swap3A_1609 = vector.load %arg11[%swap3A_1606, %swap3A_1607, %swap3A_1608] : memref<64x77x512xf32, #tpu.memory_space<vmem>>, vector<1x77x512xf32>
      %swap3A_1610 = vector.shape_cast %swap3A_1609 : vector<1x77x512xf32> to vector<77x512xf32>
      %swap3A_1611 = vector.shape_cast %add3A_999 : vector<77x512xf32> to vector<1x77x512xf32>
      tpu.vector_store %arg11[%swap3A_1606, %swap3A_1607, %swap3A_1608], %swap3A_1611 {strides = array<i32>} : memref<64x77x512xf32, #tpu.memory_space<vmem>>, vector<1x77x512xf32>,
      %swap3A_1612 = arith.constant 51 : index
      %swap3A_1613 = arith.constant 0 : index
      %swap3A_1614 = arith.constant 0 : index
      %swap3A_1615 = vector.load %arg10[%swap3A_1612, %swap3A_1613, %swap3A_1614] : memref<64x77x512xf32, #tpu.memory_space<vmem>>, vector<1x77x512xf32>
      %swap3A_1616 = vector.shape_cast %swap3A_1615 : vector<1x77x512xf32> to vector<77x512xf32>
      %swap3A_1617 = vector.shape_cast %add3A_999 : vector<77x512xf32> to vector<1x77x512xf32>
      tpu.vector_store %arg10[%swap3A_1612, %swap3A_1613, %swap3A_1614], %swap3A_1617 {strides = array<i32>} : memref<64x77x512xf32, #tpu.memory_space<vmem>>, vector<1x77x512xf32>,
      %swap3A_1618 = arith.constant 51 : index
      %swap3A_1619 = arith.constant 0 : index
      %swap3A_1620 = arith.constant 0 : index
      %swap3A_1621 = vector.load %arg11[%swap3A_1618, %swap3A_1619, %swap3A_1620] : memref<64x77x512xf32, #tpu.memory_space<vmem>>, vector<1x77x512xf32>
      %swap3A_1622 = vector.shape_cast %swap3A_1621 : vector<1x77x512xf32> to vector<77x512xf32>
      %swap3A_1623 = vector.shape_cast %add3A_999 : vector<77x512xf32> to vector<1x77x512xf32>
      tpu.vector_store %arg11[%swap3A_1618, %swap3A_1619, %swap3A_1620], %swap3A_1623 {strides = array<i32>} : memref<64x77x512xf32, #tpu.memory_space<vmem>>, vector<1x77x512xf32>,
      %swap3A_1624 = arith.constant 52 : index
      %swap3A_1625 = arith.constant 0 : index
      %swap3A_1626 = arith.constant 0 : index
      %swap3A_1627 = vector.load %arg10[%swap3A_1624, %swap3A_1625, %swap3A_1626] : memref<64x77x512xf32, #tpu.memory_space<vmem>>, vector<1x77x512xf32>
      %swap3A_1628 = vector.shape_cast %swap3A_1627 : vector<1x77x512xf32> to vector<77x512xf32>
      %swap3A_1629 = vector.shape_cast %add3A_999 : vector<77x512xf32> to vector<1x77x512xf32>
      tpu.vector_store %arg10[%swap3A_1624, %swap3A_1625, %swap3A_1626], %swap3A_1629 {strides = array<i32>} : memref<64x77x512xf32, #tpu.memory_space<vmem>>, vector<1x77x512xf32>,
      %swap3A_1630 = arith.constant 52 : index
      %swap3A_1631 = arith.constant 0 : index
      %swap3A_1632 = arith.constant 0 : index
      %swap3A_1633 = vector.load %arg11[%swap3A_1630, %swap3A_1631, %swap3A_1632] : memref<64x77x512xf32, #tpu.memory_space<vmem>>, vector<1x77x512xf32>
      %swap3A_1634 = vector.shape_cast %swap3A_1633 : vector<1x77x512xf32> to vector<77x512xf32>
      %swap3A_1635 = vector.shape_cast %add3A_999 : vector<77x512xf32> to vector<1x77x512xf32>
      tpu.vector_store %arg11[%swap3A_1630, %swap3A_1631, %swap3A_1632], %swap3A_1635 {strides = array<i32>} : memref<64x77x512xf32, #tpu.memory_space<vmem>>, vector<1x77x512xf32>,
      %swap3A_1636 = arith.constant 53 : index
      %swap3A_1637 = arith.constant 0 : index
      %swap3A_1638 = arith.constant 0 : index
      %swap3A_1639 = vector.load %arg10[%swap3A_1636, %swap3A_1637, %swap3A_1638] : memref<64x77x512xf32, #tpu.memory_space<vmem>>, vector<1x77x512xf32>
      %swap3A_1640 = vector.shape_cast %swap3A_1639 : vector<1x77x512xf32> to vector<77x512xf32>
      %swap3A_1641 = vector.shape_cast %add3A_999 : vector<77x512xf32> to vector<1x77x512xf32>
      tpu.vector_store %arg10[%swap3A_1636, %swap3A_1637, %swap3A_1638], %swap3A_1641 {strides = array<i32>} : memref<64x77x512xf32, #tpu.memory_space<vmem>>, vector<1x77x512xf32>,
      %swap3A_1642 = arith.constant 53 : index
      %swap3A_1643 = arith.constant 0 : index
      %swap3A_1644 = arith.constant 0 : index
      %swap3A_1645 = vector.load %arg11[%swap3A_1642, %swap3A_1643, %swap3A_1644] : memref<64x77x512xf32, #tpu.memory_space<vmem>>, vector<1x77x512xf32>
      %swap3A_1646 = vector.shape_cast %swap3A_1645 : vector<1x77x512xf32> to vector<77x512xf32>
      %swap3A_1647 = vector.shape_cast %add3A_999 : vector<77x512xf32> to vector<1x77x512xf32>
      tpu.vector_store %arg11[%swap3A_1642, %swap3A_1643, %swap3A_1644], %swap3A_1647 {strides = array<i32>} : memref<64x77x512xf32, #tpu.memory_space<vmem>>, vector<1x77x512xf32>,
      %swap3A_1648 = arith.constant 54 : index
      %swap3A_1649 = arith.constant 0 : index
      %swap3A_1650 = arith.constant 0 : index
      %swap3A_1651 = vector.load %arg10[%swap3A_1648, %swap3A_1649, %swap3A_1650] : memref<64x77x512xf32, #tpu.memory_space<vmem>>, vector<1x77x512xf32>
      %swap3A_1652 = vector.shape_cast %swap3A_1651 : vector<1x77x512xf32> to vector<77x512xf32>
      %swap3A_1653 = vector.shape_cast %add3A_999 : vector<77x512xf32> to vector<1x77x512xf32>
      tpu.vector_store %arg10[%swap3A_1648, %swap3A_1649, %swap3A_1650], %swap3A_1653 {strides = array<i32>} : memref<64x77x512xf32, #tpu.memory_space<vmem>>, vector<1x77x512xf32>,
      %swap3A_1654 = arith.constant 54 : index
      %swap3A_1655 = arith.constant 0 : index
      %swap3A_1656 = arith.constant 0 : index
      %swap3A_1657 = vector.load %arg11[%swap3A_1654, %swap3A_1655, %swap3A_1656] : memref<64x77x512xf32, #tpu.memory_space<vmem>>, vector<1x77x512xf32>
      %swap3A_1658 = vector.shape_cast %swap3A_1657 : vector<1x77x512xf32> to vector<77x512xf32>
      %swap3A_1659 = vector.shape_cast %add3A_999 : vector<77x512xf32> to vector<1x77x512xf32>
      tpu.vector_store %arg11[%swap3A_1654, %swap3A_1655, %swap3A_1656], %swap3A_1659 {strides = array<i32>} : memref<64x77x512xf32, #tpu.memory_space<vmem>>, vector<1x77x512xf32>,
      %swap3A_1660 = arith.constant 55 : index
      %swap3A_1661 = arith.constant 0 : index
      %swap3A_1662 = arith.constant 0 : index
      %swap3A_1663 = vector.load %arg10[%swap3A_1660, %swap3A_1661, %swap3A_1662] : memref<64x77x512xf32, #tpu.memory_space<vmem>>, vector<1x77x512xf32>
      %swap3A_1664 = vector.shape_cast %swap3A_1663 : vector<1x77x512xf32> to vector<77x512xf32>
      %swap3A_1665 = vector.shape_cast %add3A_999 : vector<77x512xf32> to vector<1x77x512xf32>
      tpu.vector_store %arg10[%swap3A_1660, %swap3A_1661, %swap3A_1662], %swap3A_1665 {strides = array<i32>} : memref<64x77x512xf32, #tpu.memory_space<vmem>>, vector<1x77x512xf32>,
      %swap3A_1666 = arith.constant 55 : index
      %swap3A_1667 = arith.constant 0 : index
      %swap3A_1668 = arith.constant 0 : index
      %swap3A_1669 = vector.load %arg11[%swap3A_1666, %swap3A_1667, %swap3A_1668] : memref<64x77x512xf32, #tpu.memory_space<vmem>>, vector<1x77x512xf32>
      %swap3A_1670 = vector.shape_cast %swap3A_1669 : vector<1x77x512xf32> to vector<77x512xf32>
      %swap3A_1671 = vector.shape_cast %add3A_999 : vector<77x512xf32> to vector<1x77x512xf32>
      tpu.vector_store %arg11[%swap3A_1666, %swap3A_1667, %swap3A_1668], %swap3A_1671 {strides = array<i32>} : memref<64x77x512xf32, #tpu.memory_space<vmem>>, vector<1x77x512xf32>,
      %swap3A_1672 = arith.constant 56 : index
      %swap3A_1673 = arith.constant 0 : index
      %swap3A_1674 = arith.constant 0 : index
      %swap3A_1675 = vector.load %arg10[%swap3A_1672, %swap3A_1673, %swap3A_1674] : memref<64x77x512xf32, #tpu.memory_space<vmem>>, vector<1x77x512xf32>
      %swap3A_1676 = vector.shape_cast %swap3A_1675 : vector<1x77x512xf32> to vector<77x512xf32>
      %swap3A_1677 = vector.shape_cast %add3A_999 : vector<77x512xf32> to vector<1x77x512xf32>
      tpu.vector_store %arg10[%swap3A_1672, %swap3A_1673, %swap3A_1674], %swap3A_1677 {strides = array<i32>} : memref<64x77x512xf32, #tpu.memory_space<vmem>>, vector<1x77x512xf32>,
      %swap3A_1678 = arith.constant 56 : index
      %swap3A_1679 = arith.constant 0 : index
      %swap3A_1680 = arith.constant 0 : index
      %swap3A_1681 = vector.load %arg11[%swap3A_1678, %swap3A_1679, %swap3A_1680] : memref<64x77x512xf32, #tpu.memory_space<vmem>>, vector<1x77x512xf32>
      %swap3A_1682 = vector.shape_cast %swap3A_1681 : vector<1x77x512xf32> to vector<77x512xf32>
      %swap3A_1683 = vector.shape_cast %add3A_999 : vector<77x512xf32> to vector<1x77x512xf32>
      tpu.vector_store %arg11[%swap3A_1678, %swap3A_1679, %swap3A_1680], %swap3A_1683 {strides = array<i32>} : memref<64x77x512xf32, #tpu.memory_space<vmem>>, vector<1x77x512xf32>,
      %swap3A_1684 = arith.constant 57 : index
      %swap3A_1685 = arith.constant 0 : index
      %swap3A_1686 = arith.constant 0 : index
      %swap3A_1687 = vector.load %arg10[%swap3A_1684, %swap3A_1685, %swap3A_1686] : memref<64x77x512xf32, #tpu.memory_space<vmem>>, vector<1x77x512xf32>
      %swap3A_1688 = vector.shape_cast %swap3A_1687 : vector<1x77x512xf32> to vector<77x512xf32>
      %swap3A_1689 = vector.shape_cast %add3A_999 : vector<77x512xf32> to vector<1x77x512xf32>
      tpu.vector_store %arg10[%swap3A_1684, %swap3A_1685, %swap3A_1686], %swap3A_1689 {strides = array<i32>} : memref<64x77x512xf32, #tpu.memory_space<vmem>>, vector<1x77x512xf32>,
      %swap3A_1690 = arith.constant 57 : index
      %swap3A_1691 = arith.constant 0 : index
      %swap3A_1692 = arith.constant 0 : index
      %swap3A_1693 = vector.load %arg11[%swap3A_1690, %swap3A_1691, %swap3A_1692] : memref<64x77x512xf32, #tpu.memory_space<vmem>>, vector<1x77x512xf32>
      %swap3A_1694 = vector.shape_cast %swap3A_1693 : vector<1x77x512xf32> to vector<77x512xf32>
      %swap3A_1695 = vector.shape_cast %add3A_999 : vector<77x512xf32> to vector<1x77x512xf32>
      tpu.vector_store %arg11[%swap3A_1690, %swap3A_1691, %swap3A_1692], %swap3A_1695 {strides = array<i32>} : memref<64x77x512xf32, #tpu.memory_space<vmem>>, vector<1x77x512xf32>,
      %swap3A_1696 = arith.constant 58 : index
      %swap3A_1697 = arith.constant 0 : index
      %swap3A_1698 = arith.constant 0 : index
      %swap3A_1699 = vector.load %arg10[%swap3A_1696, %swap3A_1697, %swap3A_1698] : memref<64x77x512xf32, #tpu.memory_space<vmem>>, vector<1x77x512xf32>
      %swap3A_1700 = vector.shape_cast %swap3A_1699 : vector<1x77x512xf32> to vector<77x512xf32>
      %swap3A_1701 = vector.shape_cast %add3A_999 : vector<77x512xf32> to vector<1x77x512xf32>
      tpu.vector_store %arg10[%swap3A_1696, %swap3A_1697, %swap3A_1698], %swap3A_1701 {strides = array<i32>} : memref<64x77x512xf32, #tpu.memory_space<vmem>>, vector<1x77x512xf32>,
      %swap3A_1702 = arith.constant 58 : index
      %swap3A_1703 = arith.constant 0 : index
      %swap3A_1704 = arith.constant 0 : index
      %swap3A_1705 = vector.load %arg11[%swap3A_1702, %swap3A_1703, %swap3A_1704] : memref<64x77x512xf32, #tpu.memory_space<vmem>>, vector<1x77x512xf32>
      %swap3A_1706 = vector.shape_cast %swap3A_1705 : vector<1x77x512xf32> to vector<77x512xf32>
      %swap3A_1707 = vector.shape_cast %add3A_999 : vector<77x512xf32> to vector<1x77x512xf32>
      tpu.vector_store %arg11[%swap3A_1702, %swap3A_1703, %swap3A_1704], %swap3A_1707 {strides = array<i32>} : memref<64x77x512xf32, #tpu.memory_space<vmem>>, vector<1x77x512xf32>,
      %swap3A_1708 = arith.constant 59 : index
      %swap3A_1709 = arith.constant 0 : index
      %swap3A_1710 = arith.constant 0 : index
      %swap3A_1711 = vector.load %arg10[%swap3A_1708, %swap3A_1709, %swap3A_1710] : memref<64x77x512xf32, #tpu.memory_space<vmem>>, vector<1x77x512xf32>
      %swap3A_1712 = vector.shape_cast %swap3A_1711 : vector<1x77x512xf32> to vector<77x512xf32>
      %swap3A_1713 = vector.shape_cast %add3A_999 : vector<77x512xf32> to vector<1x77x512xf32>
      tpu.vector_store %arg10[%swap3A_1708, %swap3A_1709, %swap3A_1710], %swap3A_1713 {strides = array<i32>} : memref<64x77x512xf32, #tpu.memory_space<vmem>>, vector<1x77x512xf32>,
      %swap3A_1714 = arith.constant 59 : index
      %swap3A_1715 = arith.constant 0 : index
      %swap3A_1716 = arith.constant 0 : index
      %swap3A_1717 = vector.load %arg11[%swap3A_1714, %swap3A_1715, %swap3A_1716] : memref<64x77x512xf32, #tpu.memory_space<vmem>>, vector<1x77x512xf32>
      %swap3A_1718 = vector.shape_cast %swap3A_1717 : vector<1x77x512xf32> to vector<77x512xf32>
      %swap3A_1719 = vector.shape_cast %add3A_999 : vector<77x512xf32> to vector<1x77x512xf32>
      tpu.vector_store %arg11[%swap3A_1714, %swap3A_1715, %swap3A_1716], %swap3A_1719 {strides = array<i32>} : memref<64x77x512xf32, #tpu.memory_space<vmem>>, vector<1x77x512xf32>,
      %swap3A_1720 = arith.constant 60 : index
      %swap3A_1721 = arith.constant 0 : index
      %swap3A_1722 = arith.constant 0 : index
      %swap3A_1723 = vector.load %arg10[%swap3A_1720, %swap3A_1721, %swap3A_1722] : memref<64x77x512xf32, #tpu.memory_space<vmem>>, vector<1x77x512xf32>
      %swap3A_1724 = vector.shape_cast %swap3A_1723 : vector<1x77x512xf32> to vector<77x512xf32>
      %swap3A_1725 = vector.shape_cast %add3A_999 : vector<77x512xf32> to vector<1x77x512xf32>
      tpu.vector_store %arg10[%swap3A_1720, %swap3A_1721, %swap3A_1722], %swap3A_1725 {strides = array<i32>} : memref<64x77x512xf32, #tpu.memory_space<vmem>>, vector<1x77x512xf32>,
      %swap3A_1726 = arith.constant 60 : index
      %swap3A_1727 = arith.constant 0 : index
      %swap3A_1728 = arith.constant 0 : index
      %swap3A_1729 = vector.load %arg11[%swap3A_1726, %swap3A_1727, %swap3A_1728] : memref<64x77x512xf32, #tpu.memory_space<vmem>>, vector<1x77x512xf32>
      %swap3A_1730 = vector.shape_cast %swap3A_1729 : vector<1x77x512xf32> to vector<77x512xf32>
      %swap3A_1731 = vector.shape_cast %add3A_999 : vector<77x512xf32> to vector<1x77x512xf32>
      tpu.vector_store %arg11[%swap3A_1726, %swap3A_1727, %swap3A_1728], %swap3A_1731 {strides = array<i32>} : memref<64x77x512xf32, #tpu.memory_space<vmem>>, vector<1x77x512xf32>,
      %swap3A_1732 = arith.constant 61 : index
      %swap3A_1733 = arith.constant 0 : index
      %swap3A_1734 = arith.constant 0 : index
      %swap3A_1735 = vector.load %arg10[%swap3A_1732, %swap3A_1733, %swap3A_1734] : memref<64x77x512xf32, #tpu.memory_space<vmem>>, vector<1x77x512xf32>
      %swap3A_1736 = vector.shape_cast %swap3A_1735 : vector<1x77x512xf32> to vector<77x512xf32>
      %swap3A_1737 = vector.shape_cast %add3A_999 : vector<77x512xf32> to vector<1x77x512xf32>
      tpu.vector_store %arg10[%swap3A_1732, %swap3A_1733, %swap3A_1734], %swap3A_1737 {strides = array<i32>} : memref<64x77x512xf32, #tpu.memory_space<vmem>>, vector<1x77x512xf32>,
      %swap3A_1738 = arith.constant 61 : index
      %swap3A_1739 = arith.constant 0 : index
      %swap3A_1740 = arith.constant 0 : index
      %swap3A_1741 = vector.load %arg11[%swap3A_1738, %swap3A_1739, %swap3A_1740] : memref<64x77x512xf32, #tpu.memory_space<vmem>>, vector<1x77x512xf32>
      %swap3A_1742 = vector.shape_cast %swap3A_1741 : vector<1x77x512xf32> to vector<77x512xf32>
      %swap3A_1743 = vector.shape_cast %add3A_999 : vector<77x512xf32> to vector<1x77x512xf32>
      tpu.vector_store %arg11[%swap3A_1738, %swap3A_1739, %swap3A_1740], %swap3A_1743 {strides = array<i32>} : memref<64x77x512xf32, #tpu.memory_space<vmem>>, vector<1x77x512xf32>,
      %swap3A_1744 = arith.constant 62 : index
      %swap3A_1745 = arith.constant 0 : index
      %swap3A_1746 = arith.constant 0 : index
      %swap3A_1747 = vector.load %arg10[%swap3A_1744, %swap3A_1745, %swap3A_1746] : memref<64x77x512xf32, #tpu.memory_space<vmem>>, vector<1x77x512xf32>
      %swap3A_1748 = vector.shape_cast %swap3A_1747 : vector<1x77x512xf32> to vector<77x512xf32>
      %swap3A_1749 = vector.shape_cast %add3A_999 : vector<77x512xf32> to vector<1x77x512xf32>
      tpu.vector_store %arg10[%swap3A_1744, %swap3A_1745, %swap3A_1746], %swap3A_1749 {strides = array<i32>} : memref<64x77x512xf32, #tpu.memory_space<vmem>>, vector<1x77x512xf32>,
      %swap3A_1750 = arith.constant 62 : index
      %swap3A_1751 = arith.constant 0 : index
      %swap3A_1752 = arith.constant 0 : index
      %swap3A_1753 = vector.load %arg11[%swap3A_1750, %swap3A_1751, %swap3A_1752] : memref<64x77x512xf32, #tpu.memory_space<vmem>>, vector<1x77x512xf32>
      %swap3A_1754 = vector.shape_cast %swap3A_1753 : vector<1x77x512xf32> to vector<77x512xf32>
      %swap3A_1755 = vector.shape_cast %add3A_999 : vector<77x512xf32> to vector<1x77x512xf32>
      tpu.vector_store %arg11[%swap3A_1750, %swap3A_1751, %swap3A_1752], %swap3A_1755 {strides = array<i32>} : memref<64x77x512xf32, #tpu.memory_space<vmem>>, vector<1x77x512xf32>,
      %swap3A_1756 = arith.constant 63 : index
      %swap3A_1757 = arith.constant 0 : index
      %swap3A_1758 = arith.constant 0 : index
      %swap3A_1759 = vector.load %arg10[%swap3A_1756, %swap3A_1757, %swap3A_1758] : memref<64x77x512xf32, #tpu.memory_space<vmem>>, vector<1x77x512xf32>
      %swap3A_1760 = vector.shape_cast %swap3A_1759 : vector<1x77x512xf32> to vector<77x512xf32>
      %swap3A_1761 = vector.shape_cast %add3A_999 : vector<77x512xf32> to vector<1x77x512xf32>
      tpu.vector_store %arg10[%swap3A_1756, %swap3A_1757, %swap3A_1758], %swap3A_1761 {strides = array<i32>} : memref<64x77x512xf32, #tpu.memory_space<vmem>>, vector<1x77x512xf32>,
      %swap3A_1762 = arith.constant 63 : index
      %swap3A_1763 = arith.constant 0 : index
      %swap3A_1764 = arith.constant 0 : index
      %swap3A_1765 = vector.load %arg11[%swap3A_1762, %swap3A_1763, %swap3A_1764] : memref<64x77x512xf32, #tpu.memory_space<vmem>>, vector<1x77x512xf32>
      %swap3A_1766 = vector.shape_cast %swap3A_1765 : vector<1x77x512xf32> to vector<77x512xf32>
      %swap3A_1767 = vector.shape_cast %add3A_999 : vector<77x512xf32> to vector<1x77x512xf32>
      tpu.vector_store %arg11[%swap3A_1762, %swap3A_1763, %swap3A_1764], %swap3A_1767 {strides = array<i32>} : memref<64x77x512xf32, #tpu.memory_space<vmem>>, vector<1x77x512xf32>,
    } else {
    }
    %get3A = arith.constant 0 : index
    %get3A_2 = arith.constant 0 : index
    %get3A_3 = vector.load %arg6[%get3A, %get3A_2] : memref<64x512xf32, #tpu.memory_space<vmem>>, vector<64x512xf32>
    %get3A_4 = arith.constant 5 : index
    %get3A_5 = arith.constant 0 : index
    %get3A_6 = vector.load %arg3[%get3A_4, %get3A_5] : memref<77x512xf32, #tpu.memory_space<vmem>>, vector<1x512xf32>
    %get3A_7 = vector.shape_cast %get3A_6 : vector<1x512xf32> to vector<512xf32>
    %broadcast_in_dim3A = vector.shape_cast %get3A_7 : vector<512xf32> to vector<1x512xf32>
    %add3A = vector.broadcast %broadcast_in_dim3A : vector<1x512xf32> to vector<64x512xf32>
    %add3A_8 = arith.addf %get3A_3, %add3A : vector<64x512xf32>
    %get3A_9 = arith.constant 0 : index
    %get3A_10 = arith.constant 0 : index
    %get3A_11 = vector.load %arg7[%get3A_9, %get3A_10] : memref<64x512xf32, #tpu.memory_space<vmem>>, vector<64x512xf32>
    %get3A_12 = arith.constant 9 : index
    %get3A_13 = arith.constant 0 : index
    %get3A_14 = vector.load %arg3[%get3A_12, %get3A_13] : memref<77x512xf32, #tpu.memory_space<vmem>>, vector<1x512xf32>
    %get3A_15 = vector.shape_cast %get3A_14 : vector<1x512xf32> to vector<512xf32>
    %broadcast_in_dim3A_16 = vector.shape_cast %get3A_15 : vector<512xf32> to vector<1x512xf32>
    %add3A_17 = vector.broadcast %broadcast_in_dim3A_16 : vector<1x512xf32> to vector<64x512xf32>
    %add3A_18 = arith.addf %get3A_11, %add3A_17 : vector<64x512xf32>
    %jit3A = arith.constant 2 : i32
    %eq3A_19 = arith.constant 0 : i32
    %eq3A_20 = arith.cmpi eq, %jit3A, %eq3A_19 : i32
    %jit3A_21 = arith.constant 1 : i32
    %select_n3A = arith.select %eq3A_20, %jit3A_21, %jit3A : i32
    %rem3A = arith.remsi %arg0, %select_n3A : i32
    %ne3A = arith.constant 0 : i32
    %ne3A_22 = arith.cmpi ne, %rem3A, %ne3A : i32
    %lt3A = arith.constant 0 : i32
    %lt3A_23 = arith.cmpi slt, %rem3A, %lt3A : i32
    %lt3A_24 = arith.constant 0 : i32
    %lt3A_25 = arith.cmpi slt, %select_n3A, %lt3A_24 : i32
    %ne3A_26 = arith.xori %lt3A_23, %lt3A_25 : i1
    %and3A = arith.andi %ne3A_26, %ne3A_22 : i1
    %add3A_27 = arith.addi %rem3A, %select_n3A : i32
    %select_n3A_28 = arith.select %and3A, %add3A_27, %rem3A : i32
    %eq3A_29 = arith.constant 0 : i32
    %eq3A_30 = arith.cmpi eq, %select_n3A_28, %eq3A_29 : i32
    %convert_element_type3A_31 = arith.extui %eq3A_30 : i1 to i32
    %cond3A_32 = arith.constant 0 : i32
    %cond3A_33 = arith.cmpi ne, %convert_element_type3A_31, %cond3A_32 : i32
    scf.if %cond3A_33 {
      %ge3A = arith.constant 2 : i32
      %ge3A_60 = arith.cmpi sge, %arg0, %ge3A : i32
      %convert_element_type3A_61 = arith.extui %ge3A_60 : i1 to i32
      %cond3A_62 = arith.constant 0 : i32
      %cond3A_63 = arith.cmpi ne, %convert_element_type3A_61, %cond3A_62 : i32
      scf.if %cond3A_63 {
        %sub3A = arith.constant 2 : i32
        %sub3A_78 = arith.subi %arg0, %sub3A : i32
        %mul3A_79 = arith.constant 64 : i32
        %mul3A_80 = arith.muli %sub3A_78, %mul3A_79 : i32
        %dma_wait3A = arith.constant 0 : i32
        %dma_wait3A_81 = arith.constant 0 : i32
        %dma_wait3A_82 = tpu.memref_slice %arg8[%mul3A_80, %dma_wait3A, %dma_wait3A_81] : memref<4096x77x512xf32, #tpu.memory_space<any>> -> memref<64x77x512xf32, #tpu.memory_space<any>>
        tpu.wait_dma2 semaphore(%arg13 : memref<!tpu.dma_semaphore, #tpu.memory_space<semaphore_mem>>) src(%arg10 : memref<64x77x512xf32, #tpu.memory_space<vmem>>) dst(%dma_wait3A_82 : memref<64x77x512xf32, #tpu.memory_space<any>>)
      } else {
      }
      %swap3A = arith.constant 0 : index
      %swap3A_64 = arith.constant 5 : index
      %swap3A_65 = arith.constant 0 : index
      %swap3A_66 = vector.load %arg10[%swap3A, %swap3A_64, %swap3A_65] : memref<64x77x512xf32, #tpu.memory_space<vmem>>, vector<64x1x512xf32>
      %swap3A_67 = vector.shape_cast %swap3A_66 : vector<64x1x512xf32> to vector<64x512xf32>
      %swap3A_68 = vector.shape_cast %add3A_8 : vector<64x512xf32> to vector<64x1x512xf32>
      tpu.vector_store %arg10[%swap3A, %swap3A_64, %swap3A_65], %swap3A_68 {strides = array<i32>} : memref<64x77x512xf32, #tpu.memory_space<vmem>>, vector<64x1x512xf32>,
      %swap3A_69 = arith.constant 0 : index
      %swap3A_70 = arith.constant 9 : index
      %swap3A_71 = arith.constant 0 : index
      %swap3A_72 = vector.load %arg10[%swap3A_69, %swap3A_70, %swap3A_71] : memref<64x77x512xf32, #tpu.memory_space<vmem>>, vector<64x1x512xf32>
      %swap3A_73 = vector.shape_cast %swap3A_72 : vector<64x1x512xf32> to vector<64x512xf32>
      %swap3A_74 = vector.shape_cast %add3A_18 : vector<64x512xf32> to vector<64x1x512xf32>
      tpu.vector_store %arg10[%swap3A_69, %swap3A_70, %swap3A_71], %swap3A_74 {strides = array<i32>} : memref<64x77x512xf32, #tpu.memory_space<vmem>>, vector<64x1x512xf32>,
      %mul3A = arith.constant 64 : i32
      %mul3A_75 = arith.muli %arg0, %mul3A : i32
      %dma_start3A = arith.constant 0 : i32
      %dma_start3A_76 = arith.constant 0 : i32
      %dma_start3A_77 = tpu.memref_slice %arg8[%mul3A_75, %dma_start3A, %dma_start3A_76] : memref<4096x77x512xf32, #tpu.memory_space<any>> -> memref<64x77x512xf32, #tpu.memory_space<any>>
      tpu.enqueue_dma source(%arg10 : memref<64x77x512xf32, #tpu.memory_space<vmem>>) target(%dma_start3A_77 : memref<64x77x512xf32, #tpu.memory_space<any>>) target_semaphore(%arg13 : memref<!tpu.dma_semaphore, #tpu.memory_space<semaphore_mem>>)
    } else {
    }
    %jit3A_34 = arith.constant 2 : i32
    %eq3A_35 = arith.constant 0 : i32
    %eq3A_36 = arith.cmpi eq, %jit3A_34, %eq3A_35 : i32
    %jit3A_37 = arith.constant 1 : i32
    %select_n3A_38 = arith.select %eq3A_36, %jit3A_37, %jit3A_34 : i32
    %rem3A_39 = arith.remsi %arg0, %select_n3A_38 : i32
    %ne3A_40 = arith.constant 0 : i32
    %ne3A_41 = arith.cmpi ne, %rem3A_39, %ne3A_40 : i32
    %lt3A_42 = arith.constant 0 : i32
    %lt3A_43 = arith.cmpi slt, %rem3A_39, %lt3A_42 : i32
    %lt3A_44 = arith.constant 0 : i32
    %lt3A_45 = arith.cmpi slt, %select_n3A_38, %lt3A_44 : i32
    %ne3A_46 = arith.xori %lt3A_43, %lt3A_45 : i1
    %and3A_47 = arith.andi %ne3A_46, %ne3A_41 : i1
    %add3A_48 = arith.addi %rem3A_39, %select_n3A_38 : i32
    %select_n3A_49 = arith.select %and3A_47, %add3A_48, %rem3A_39 : i32
    %eq3A_50 = arith.constant 1 : i32
    %eq3A_51 = arith.cmpi eq, %select_n3A_49, %eq3A_50 : i32
    %convert_element_type3A_52 = arith.extui %eq3A_51 : i1 to i32
    %cond3A_53 = arith.constant 0 : i32
    %cond3A_54 = arith.cmpi ne, %convert_element_type3A_52, %cond3A_53 : i32
    scf.if %cond3A_54 {
      %ge3A = arith.constant 2 : i32
      %ge3A_60 = arith.cmpi sge, %arg0, %ge3A : i32
      %convert_element_type3A_61 = arith.extui %ge3A_60 : i1 to i32
      %cond3A_62 = arith.constant 0 : i32
      %cond3A_63 = arith.cmpi ne, %convert_element_type3A_61, %cond3A_62 : i32
      scf.if %cond3A_63 {
        %sub3A = arith.constant 2 : i32
        %sub3A_78 = arith.subi %arg0, %sub3A : i32
        %mul3A_79 = arith.constant 64 : i32
        %mul3A_80 = arith.muli %sub3A_78, %mul3A_79 : i32
        %dma_wait3A = arith.constant 0 : i32
        %dma_wait3A_81 = arith.constant 0 : i32
        %dma_wait3A_82 = tpu.memref_slice %arg8[%mul3A_80, %dma_wait3A, %dma_wait3A_81] : memref<4096x77x512xf32, #tpu.memory_space<any>> -> memref<64x77x512xf32, #tpu.memory_space<any>>
        tpu.wait_dma2 semaphore(%arg14 : memref<!tpu.dma_semaphore, #tpu.memory_space<semaphore_mem>>) src(%arg11 : memref<64x77x512xf32, #tpu.memory_space<vmem>>) dst(%dma_wait3A_82 : memref<64x77x512xf32, #tpu.memory_space<any>>)
      } else {
      }
      %swap3A = arith.constant 0 : index
      %swap3A_64 = arith.constant 5 : index
      %swap3A_65 = arith.constant 0 : index
      %swap3A_66 = vector.load %arg11[%swap3A, %swap3A_64, %swap3A_65] : memref<64x77x512xf32, #tpu.memory_space<vmem>>, vector<64x1x512xf32>
      %swap3A_67 = vector.shape_cast %swap3A_66 : vector<64x1x512xf32> to vector<64x512xf32>
      %swap3A_68 = vector.shape_cast %add3A_8 : vector<64x512xf32> to vector<64x1x512xf32>
      tpu.vector_store %arg11[%swap3A, %swap3A_64, %swap3A_65], %swap3A_68 {strides = array<i32>} : memref<64x77x512xf32, #tpu.memory_space<vmem>>, vector<64x1x512xf32>,
      %swap3A_69 = arith.constant 0 : index
      %swap3A_70 = arith.constant 9 : index
      %swap3A_71 = arith.constant 0 : index
      %swap3A_72 = vector.load %arg11[%swap3A_69, %swap3A_70, %swap3A_71] : memref<64x77x512xf32, #tpu.memory_space<vmem>>, vector<64x1x512xf32>
      %swap3A_73 = vector.shape_cast %swap3A_72 : vector<64x1x512xf32> to vector<64x512xf32>
      %swap3A_74 = vector.shape_cast %add3A_18 : vector<64x512xf32> to vector<64x1x512xf32>
      tpu.vector_store %arg11[%swap3A_69, %swap3A_70, %swap3A_71], %swap3A_74 {strides = array<i32>} : memref<64x77x512xf32, #tpu.memory_space<vmem>>, vector<64x1x512xf32>,
      %mul3A = arith.constant 64 : i32
      %mul3A_75 = arith.muli %arg0, %mul3A : i32
      %dma_start3A = arith.constant 0 : i32
      %dma_start3A_76 = arith.constant 0 : i32
      %dma_start3A_77 = tpu.memref_slice %arg8[%mul3A_75, %dma_start3A, %dma_start3A_76] : memref<4096x77x512xf32, #tpu.memory_space<any>> -> memref<64x77x512xf32, #tpu.memory_space<any>>
      tpu.enqueue_dma source(%arg11 : memref<64x77x512xf32, #tpu.memory_space<vmem>>) target(%dma_start3A_77 : memref<64x77x512xf32, #tpu.memory_space<any>>) target_semaphore(%arg14 : memref<!tpu.dma_semaphore, #tpu.memory_space<semaphore_mem>>)
    } else {
    }
    %eq3A_55 = arith.constant 63 : i32
    %eq3A_56 = arith.cmpi eq, %arg0, %eq3A_55 : i32
    %convert_element_type3A_57 = arith.extui %eq3A_56 : i1 to i32
    %cond3A_58 = arith.constant 0 : i32
    %cond3A_59 = arith.cmpi ne, %convert_element_type3A_57, %cond3A_58 : i32
    scf.if %cond3A_59 {
      %mul3A = arith.constant 64 : i32
      %mul3A_60 = arith.muli %arg0, %mul3A : i32
      %dma_wait3A = arith.constant 0 : i32
      %dma_wait3A_61 = arith.constant 0 : i32
      %dma_wait3A_62 = tpu.memref_slice %arg8[%mul3A_60, %dma_wait3A, %dma_wait3A_61] : memref<4096x77x512xf32, #tpu.memory_space<any>> -> memref<64x77x512xf32, #tpu.memory_space<any>>
      tpu.wait_dma2 semaphore(%arg13 : memref<!tpu.dma_semaphore, #tpu.memory_space<semaphore_mem>>) src(%arg10 : memref<64x77x512xf32, #tpu.memory_space<vmem>>) dst(%dma_wait3A_62 : memref<64x77x512xf32, #tpu.memory_space<any>>)
      %mul3A_63 = arith.constant 64 : i32
      %mul3A_64 = arith.muli %arg0, %mul3A_63 : i32
      %dma_wait3A_65 = arith.constant 0 : i32
      %dma_wait3A_66 = arith.constant 0 : i32
      %dma_wait3A_67 = tpu.memref_slice %arg8[%mul3A_64, %dma_wait3A_65, %dma_wait3A_66] : memref<4096x77x512xf32, #tpu.memory_space<any>> -> memref<64x77x512xf32, #tpu.memory_space<any>>
      tpu.wait_dma2 semaphore(%arg14 : memref<!tpu.dma_semaphore, #tpu.memory_space<semaphore_mem>>) src(%arg11 : memref<64x77x512xf32, #tpu.memory_space<vmem>>) dst(%dma_wait3A_67 : memref<64x77x512xf32, #tpu.memory_space<any>>)
    } else {
    }
    return
  }
  func.func @transform_1(%arg0: i32, %arg1: memref<77xi32, #tpu.memory_space<smem>>) -> (i32, i32) {
    %c0_i32 = arith.constant 0 : i32
    %c0_i32_0 = arith.constant 0 : i32
    %c0_i32_1 = arith.constant 0 : i32
    return %c0_i32, %c0_i32_0 : i32, i32
  }
  func.func @transform_2(%arg0: i32, %arg1: memref<77xi32, #tpu.memory_space<smem>>) -> (i32, i32) {
    %c0_i32 = arith.constant 0 : i32
    %c0_i32_0 = arith.constant 0 : i32
    %c0_i32_1 = arith.constant 0 : i32
    return %c0_i32, %c0_i32_0 : i32, i32
  }
  func.func @transform_3(%arg0: i32, %arg1: memref<77xi32, #tpu.memory_space<smem>>) -> (i32, i32) {
    %c0_i32 = arith.constant 0 : i32
    %c0_i32_0 = arith.constant 0 : i32
    %c0_i32_1 = arith.constant 0 : i32
    return %c0_i32, %c0_i32_0 : i32, i32
  }
  func.func @transform_4(%arg0: i32, %arg1: memref<77xi32, #tpu.memory_space<smem>>) -> (i32, i32) {
    %c0_i32 = arith.constant 0 : i32
    %c0_i32_0 = arith.constant 0 : i32
    return %arg0, %c0_i32 : i32, i32
  }
  func.func @transform_5(%arg0: i32, %arg1: memref<77xi32, #tpu.memory_space<smem>>) -> (i32, i32) {
    %c0_i32 = arith.constant 0 : i32
    %c0_i32_0 = arith.constant 0 : i32
    return %arg0, %c0_i32 : i32, i32
  }
}

</mosaic_0001>

<sc_bundles>
// kernel: kernel.4.cloned.1.call-start
scs
__scs_entry_jumppad:
0x0: {  	(pc) =	sbr.rel $0x88, $3  }
0x1: {  	(tag) =	ssettag $0x0;
	lr =	simm.s32 $0x1  }
0x2: {  	[smem:$0x3F99] =	sst lr;
	_ =	strace $0xD0000000  }
0x3: {  	_ = 	snop  }
0x4: {  	_ = 	snop  }
0x5: {  	_ = 	snop  }
0x6: {  	_ = 	snop  }
0x7: {  	_ = 	snop  }
__scs_overlays_trampoline_lowered:
0x8: {  	[smem:$0x3FA8] =	sst s0  }
0x9: {  	[smem:$0x3FA9] =	sst s1  }
0xa: {  	[smem:$0x3FAA] =	sst s2  }
0xb: {  	[smem:$0x3FAB] =	sst s3  }
0xc: {  	[smem:$0x3FAC] =	sst s4  }
0xd: {  	[smem:$0x3FAD] =	sst s5  }
0xe: {  	[smem:$0x3FAE] =	sst s6  }
0xf: {  	[smem:$0x3FAF] =	sst s7  }
0x10: {  	[smem:$0x3FB0] =	sst s8  }
0x11: {  	[smem:$0x3FB1] =	sst s9;
	s0 =	simm.s32 @!p0 $0x0  }
0x12: {  	s1 =	sld [smem:$0x3F97];
	s0 =	simm.s32 @p0 $0x1  }
0x13: {  	[smem:$0x3FB2] =	sst s0;
	s0 =	simm.s32 @!p1 $0x0  }
0x14: {  	s2 =	sld [smem:$0x3F96];
	s0 =	simm.s32 @p1 $0x1  }
0x15: {  	[smem:$0x3FB3] =	sst s0;
	s0 =	simm.s32 @!p2 $0x0  }
0x16: {  	s3 =	sld [smem:$0x3FDB];
	s0 =	simm.s32 @p2 $0x1  }
0x17: {  	s4 =	simm.s32 $0x1BF5;
	[smem:$0x3FB5] =	sst s0  }
0x18: {  	s0 =	sld [smem:$0x3F98];
	_ =	swait.ge [sflag:s4], $0x0  }
0x19: {  	s7 =	sld [smem:$0x3F99]  }
0x1a: {  	s8 =	sadd.s32 $0xFFFFE003, lr  }
0x1b: {  	s9 =	sadd.s32 $0xFFFFFEF7, lr;
	s5 =	simm.s32 $0xFFFFFFFF;
	p2 =	slt.u32 s8, $0xFFFFF086  }
0x1c: {  	p1 =	slt.u32 s9, $0xF7A;
	s5 =	simm.s32 @!p2 $0x0  }
0x1d: {  	s5 =	simm.s32 @p1 $0x1;
	p0 =	seq.s32 s7, s2  }
0x1e: {  	s7 =	smul.u32 @!p0 $0xF7A, s2;
	p2 =	seq.s32 @!p0 s5, $0x0  }
0x1f: {  	s9 =	smul.u32 $0xF7A, s1;
	s8 =	simm.s32 @!p0 $0x1BF5;
	p2 =	por !p2, p0  }
0x20: {  	[sflag:s8] =	ssyncset.s32 @!p0 $0xFFFFF086;
	s6 =	sadd.s32 @!p0 s3, s7;
	s7 =	simm.s32 @!p0 $0x108  }
0x21: {  	s3 =	sadd.s32 s3, s9;
	s6 =	sadd.s32 @!p0 $0x88, s6;
	s7 =	simm.s32 @p2 $0x1082  }
0x22: {  	[simem:s7], [sflag:s8] =	dma.local @!p0 [hbm:s6], $0xF7A  }
0x23: {  	s9 =	sor.u32 $0xD0000000, s2;
	s6 =	simm.s32 $0x108;
	_ =	swait.ge @!p0 [sflag:s8], $0x0  }
0x24: {  	s3 =	sadd.s32 $0x88, s3;
	s6 =	simm.s32 @!p1 $0x1082;
	[sflag:s4] =	ssyncset.s32 $0xFFFFF086  }
0x25: {  	[simem:s6], [sflag:s4] =	dma.local [hbm:s3], $0xF7A  }
0x26: {  	[smem:$0x3F99] =	sst s1;
	(tag) =	ssettag s2;
	_ =	strace s9  }
0x27: {  	s1 =	sld [smem:$0x3FA9]  }
0x28: {  	s2 =	sld [smem:$0x3FAA]  }
0x29: {  	s4 =	sld [smem:$0x3FAC]  }
0x2a: {  	p0 =	seq.s32 s5, $0x0;
	s5 =	sld [smem:$0x3FAD]  }
0x2b: {  	s6 =	sld [smem:$0x3FAE]  }
0x2c: {  	s7 =	sld [smem:$0x3FAF]  }
0x2d: {  	s3 =	simm.s32 $0x108;
	s8 =	sld [smem:$0x3FB0]  }
0x2e: {  	s3 =	simm.s32 @!p0 $0x1082;
	s9 =	sld [smem:$0x3FB1]  }
0x2f: {  	lr =	sadd.s32 s0, s3;
	s0 =	sld [smem:$0x3FA8]  }
0x30: {  	s3 =	sld [smem:$0x3FAB]  }
0x31: {  	[smem:$0x3FB4] =	sst s10  }
0x32: {  	s10 =	sld [smem:$0x3FB2];
	_ =	sdelay $0x3  }
0x33: {  	p0 =	seq.s32 s10, $0x1;
	s10 =	sld [smem:$0x3FB4];
	_ =	sdelay $0x3  }
0x34: {  	[smem:$0x3FB4] =	sst s10  }
0x35: {  	s10 =	sld [smem:$0x3FB3];
	_ =	sdelay $0x3  }
0x36: {  	p1 =	seq.s32 s10, $0x1;
	s10 =	sld [smem:$0x3FB4];
	_ =	sdelay $0x3  }
0x37: {  	[smem:$0x3FB4] =	sst s10  }
0x38: {  	s10 =	sld [smem:$0x3FB5]  }
0x39: {  	_ = 	snop;
	(pc) =	sbr.ind lr, $3  }
0x3a: {  	_ = 	snop  }
0x3b: {  	_ = 	snop  }
0x3c: {  	p2 =	seq.s32 s10, $0x1;
	s10 =	sld [smem:$0x3FB4]  }
0x3d: {  	_ =	shalt  }
0x3e: {  	_ =	shalt  }
0x3f: {  	_ =	shalt  }
0x40: {  	_ =	shalt  }
0x41: {  	_ =	shalt  }
0x42: {  	_ =	shalt  }
0x43: {  	_ =	shalt  }
0x44: {  	_ =	shalt  }
0x45: {  	_ =	shalt  }
0x46: {  	_ =	shalt  }
0x47: {  	_ =	shalt  }
0x48: {  	_ =	shalt  }
0x49: {  	_ =	shalt  }
0x4a: {  	_ =	shalt  }
0x4b: {  	_ =	shalt  }
0x4c: {  	_ =	shalt  }
0x4d: {  	_ =	shalt  }
0x4e: {  	_ =	shalt  }
0x4f: {  	_ =	shalt  }
0x50: {  	_ =	shalt  }
0x51: {  	_ =	shalt  }
0x52: {  	_ =	shalt  }
0x53: {  	_ =	shalt  }
0x54: {  	_ =	shalt  }
0x55: {  	_ =	shalt  }
0x56: {  	_ =	shalt  }
0x57: {  	_ =	shalt  }
0x58: {  	_ =	shalt  }
0x59: {  	_ =	shalt  }
0x5a: {  	_ =	shalt  }
0x5b: {  	_ =	shalt  }
0x5c: {  	_ =	shalt  }
0x5d: {  	_ =	shalt  }
0x5e: {  	_ =	shalt  }
0x5f: {  	_ =	shalt  }
0x60: {  	_ =	shalt  }
0x61: {  	_ =	shalt  }
0x62: {  	_ =	shalt  }
0x63: {  	_ =	shalt  }
0x64: {  	_ =	shalt  }
0x65: {  	_ =	shalt  }
0x66: {  	_ =	shalt  }
0x67: {  	_ =	shalt  }
0x68: {  	_ =	shalt  }
0x69: {  	_ =	shalt  }
0x6a: {  	_ =	shalt  }
0x6b: {  	_ =	shalt  }
0x6c: {  	_ =	shalt  }
0x6d: {  	_ =	shalt  }
0x6e: {  	_ =	shalt  }
0x6f: {  	_ =	shalt  }
0x70: {  	_ =	shalt  }
0x71: {  	_ =	shalt  }
0x72: {  	_ =	shalt  }
0x73: {  	_ =	shalt  }
0x74: {  	_ =	shalt  }
0x75: {  	_ =	shalt  }
0x76: {  	_ =	shalt  }
0x77: {  	_ =	shalt  }
0x78: {  	_ =	shalt  }
0x79: {  	_ =	shalt  }
0x7a: {  	_ =	shalt  }
0x7b: {  	_ =	shalt  }
0x7c: {  	_ =	shalt  }
0x7d: {  	_ =	shalt  }
0x7e: {  	_ =	shalt  }
0x7f: {  	_ =	shalt  }
0x80: {  	_ =	shalt  }
0x81: {  	_ =	shalt  }
0x82: {  	_ =	shalt  }
0x83: {  	_ =	shalt  }
0x84: {  	_ =	shalt  }
0x85: {  	_ =	shalt  }
0x86: {  	_ =	shalt  }
0x87: {  	_ =	shalt  }
.Lfunc_end0:
.L_simem_size_0:
called_computation_lowered:
.L_overlay_start_0:
0x88: {  	s2 =	sld [smem:$0x3FD9]  }
0x89: {  	s3 =	sld [smem:$0x3FFE];
	_ =	sdelay $0x1  }
0x8a: {  	s1 =	srdreg.scid  }
0x8b: {  	s0 =	sand.u32 $0x1, s1  }
0x8c: {  	s17 =	sshll.u32 s0, $0xA;
	s2 =	sadd.s32 s3, s2  }
0x8d: {  	s2 =	sadd.s32 s2, s17  }
0x8e: {  	[smem:$0x3FC0] =	sst s2  }
0x8f: {  	_ = 	snop  }
0x90: {  	s2 =	sld [smem:$0x3FD0];
	(tm) =	ssettm $0x1  }
0x91: {  	s18 =	sld [smem:$0x3FFB];
	_ =	sdelay $0x3  }
0x92: {  	_ =	strace s18  }
0x93: {  	s3 =	sld [smem:$0x3FFC];
	_ =	sdelay $0x3  }
0x94: {  	_ =	strace s3  }
0x95: {  	s3 =	sld [smem:$0x3FFD];
	_ =	sdelay $0x3  }
0x96: {  	_ =	strace s3  }
0x97: {  	_ =	strace $0x8FFFFFFF  }
0x98: {  	s19 =	sld [smem:$0x3FDB];
	_ =	sdelay $0x1  }
0x99: {  	s4 =	simm.s32 $_scs_section_size  }
0x9a: {  	s5 =	simm.s32 $_size__tile_overlayer_lowered;
	s6 =	simm.s32 $_tile_overlayer_lowered  }
0x9b: {  	s22 =	simm.s32 $0x1BFF;
	s21 =	sshll.u32 s6, $0x1;
	s3 =	sadd.s32 s4, s19  }
0x9c: {  	s7 =	simm.s32 $0x0;
	s20 =	sshll.u32 s5, $0x1;
	s5 =	sadd.s32 s21, s3  }
0x9d: {  	[timem:s7], [sflag:s22] =	dma.local [hbm:s5], s20  }
0x9e: {  	_ =	swait.ge [sflag:s22], s20  }
0x9f: {  	s4 =	ssub.s32 $0x0, s20;
	[sflag:s22] =	ssyncset.done $0x0  }
0xa0: {  	[sflag:s22] =	ssyncadd.s32 s4;
	_ =	sdelay $0x1  }
0xa1: {  	s23 =	simm.s32 $0x1B8B  }
0xa2: {  	_ =	swait.ge [sflag:s23], $0x1  }
0xa3: {  	[sflag:s23] =	ssyncset.done $0x0  }
0xa4: {  	s25 =	simm.s32 $0x1B8E;
	s24 =	sld [smem:$0x3FFE];
	[sflag:s23] =	ssyncadd.s32 $0xFFFFFFFF  }
0xa5: {  	s26 =	simm.s32 $execute0_lowered;
	[smem:$0x3FD2] =	sst s25  }
0xa6: {  	s5 =	sshll.u32 s26, $0x1;
	_ =	strace $0x80000046;
	[dreg:$0x1] =	wrdreg $0xFFFFFFFF  }
0xa7: {  	s28 =	simm.s32 $_size_execute0_lowered;
	s3 =	sadd.s32 s3, s5;
	[dreg:$0x0] =	wrdreg $0x0  }
0xa8: {  	s5 =	sshll.u32 s28, $0x1;
	[dreg:$0x2] =	wrdreg s3  }
0xa9: {  	[dreg:$0x3] =	wrdreg s5  }
0xaa: {  	[dreg:$0x4] =	wrdreg $0xC0  }
0xab: {  	_ =	task [dreg:s7], $0x5FFFF  }
0xac: {  	[dreg:$0x1] =	wrdreg $0xFFFFFFFF  }
0xad: {  	[dreg:$0x0] =	wrdreg $0x60  }
0xae: {  	[dreg:$0x2] =	wrdreg s24  }
0xaf: {  	[dreg:$0x3] =	wrdreg s2  }
0xb0: {  	[dreg:$0x4] =	wrdreg $0x9  }
0xb1: {  	_ =	task.clear_ibuf [dreg:s7], $0x5FFFF;
	_ =	strace $0x90000046  }
0xb2: {  	s29 =	simm.s32 $0x9;
	_ =	strace $0x80000048  }
0xb3: {  	_ =	swait.ge [sflag:s29], $0x1  }
0xb4: {  	[sflag:s29] =	ssyncadd.s32 $0xFFFFFFFF  }
0xb5: {  	_ =	strace $0x90000048  }
0xb6: {  	_ =	sfence  }
0xb7: {  	s30 =	sld [smem:$0x0];
	_ =	sdelay $0x2  }
0xb8: {  	s31 =	sshll.u32 s1, $0xD;
	s1 =	sshrl.u32 s1, $0x2  }
0xb9: {  	s3 =	sand.u32 $0x4000, s31;
	s1 =	sadd.s32 s1, s30  }
0xba: {  	s0 =	sor.u32 s3, s0;
	s1 =	sshll.u32 s1, $0x11  }
0xbb: {  	s0 =	sor.u32 s1, s0  }
0xbc: {  	s0 =	sadd.s32 $0x8F2B, s0  }
0xbd: {  	[sflag:s0] =	ssyncadd.remote.s32 $0x1  }
0xbe: {  	_ =	sfence.sel $0xFFFF  }
0xbf: {  	[dreg:$0x0] =	wrdreg $0xFFFFFFFF;
	(pc) =	sbr.abs _section_cstart, $3  }
0xc0: {  	[dreg:$0x1] =	wrdreg $0xFFFFFFFF  }
0xc1: {  	_ =	task.clear_ibuf [dreg:s7], $0x2FFFF;
	_ =	strace $0x9FFFFFFF  }
0xc2: {  	(tm) =	ssettm $0x7FFFFFFF  }
0xc3: {  	_ =	shalt  }
tec
execute0_lowered:
.L_overlay_start_1:
0x0: {  	(tag) =	ssettag $0x1  }
0x1: {  	s0 =	rddreg [dreg:$0x0]  }
0x2: {  	s1 =	rddreg [dreg:$0x1];
	s3 =	srdreg.scid  }
0x3: {  	s2 =	simm.s32 $0x0;
	s4 =	stileid.u32;
	s18 =	simm.s32 $0x1  }
0x4: {  	s20 =	simm.s32 $0x880;
	s21 =	simm.s32 $0x1080;
	s22 =	simm.s32 $0x1880  }
0x5: {  	s28 =	simm.s32 $0x4080;
	s29 =	simm.s32 $0x4880;
	s30 =	simm.s32 $0x5080  }
0x6: {  	s31 =	simm.s32 $0x5880;
	s11 =	simm.s32 $0x7880;
	s12 =	simm.s32 $0x8080  }
0x7: {  	s13 =	simm.s32 $0x8880;
	s14 =	simm.s32 $0x9080;
	s15 =	simm.s32 $0x9880  }
0x8: {  	s16 =	simm.s32 $0xA080;
	s17 =	simm.s32 $0xA880;
	s5 =	sand.u32 $0x1, s3  }
0x9: {  	[smem:$0x7FF] =	sst s2;
	s23 =	sshll.u32 s4, $0x8;
	s3 =	sadd.s32 $0x11600, s0  }
0xa: {  	s4 =	sadd.s32 $0x1C00, s0;
	s24 =	sshll.u32 s5, $0x7;
	s5 =	ssub.s32 $0x2, s5  }
0xb: {  	_ =	strace $0x80000047;
	s6 =	sor.u32 s24, s23;
	s9 =	sshrl.u32 s5, $0x1  }
0xc: {  	s23 =	simm.s32 $0x2080;
	s24 =	simm.s32 $0x2880;
	s7 =	sshrl.u32 s6, $0x3  }
0xd: {  	s6 =	sshll.u32 s6, $0x6;
	s9 =	ssub.s32 s5, s9;
	s5 =	sadd.s32 $0x11700, s0  }
0xe: {  	s7 =	sadd.s32 s7, s0;
	s8 =	sadd.s32 s6, s0;
	s1 =	sadd.s32 s1, s6  }
0xf: {  	s6 =	sadd.s32 $0x1D00, s0;
	s10 =	sadd.s32 $0x1A00, s7;
	[dreg:$0x4] =	wrdreg s1  }
0x10: {  	s25 =	sadd.s32 $0x1800, s7;
	s26 =	sadd.s32 $0x21000, s8;
	[dreg:$0x3] =	wrdreg s10  }
0x11: {  	v2 =	vlaneseq.u32;
	s7 =	smax.u32 s9, $0x1;
	s8 =	simm.s32 $0x2;
	[dreg:$0x5] =	wrdreg s25  }
0x12: {  	vm0 =	vmmov $0xffff;
	v1 =	vshrl.u32 v2, $0x3;
	s1 =	simm.s32 $0x6880;
	s9 =	simm.s32 $0xB080;
	[dreg:$0x6] =	wrdreg s26  }
0x13: {  	v0 =	vand.u32 $0x7, v2;
	v2 =	vor.u32 $0x8, v2;
	v1 =	vmul.u32 $0x8, v1;
	s25 =	simm.s32 $0x3080;
	s26 =	simm.s32 $0x3880;
	s10 =	simm.s32 $0x7080  }
.LBB2_1:
0x14: {  	s19 =	rddreg [dreg:$0x3]  }
0x15: {  	[tilespmem:s2], [sflag:$0x2] =	stream.linear.gather [hbm4b:s19+s2], $0x80, $0x38;
	[tilespmem:$0x10080] =	vst v63  }
0x16: {  	_ =	swait.ge [sflag:s8], $0x80  }
0x17: {  	[sflag:s8] =	ssyncset.done $0x0  }
0x18: {  	[sflag:s8] =	ssyncadd.s32 $0xFFFFFF80  }
0x19: {  	v3 =	vld [tilespmem:$0x0];
	_ =	sdelay $0x4  }
0x1a: {  	v4 =	vshll.u32 v3, $0x2  }
0x1b: {  	v3 =	vand.u32 $0x7, v3;
	v4 =	vand.u32 $0xFFFFFFE0, v4  }
0x1c: {  	v3 =	vor.u32 v3, v4  }
0x1d: {  	v4 =	vperm.xlane v3, v0;
	_ =	sdelay $0x1  }
0x1e: {  	v4 =	vadd.s32 v1, v4;
	_ =	sdelay $0x1  }
0x1f: {  	v3 =	vperm.xlane v3, v2;
	_ =	sdelay $0x1  }
0x20: {  	s0 =	simm.s32 $0x80;
	v3 =	vadd.s32 v1, v3  }
0x21: {  	[tilespmem:s0], [sflag:$0x1] =	stream.indirect_vreg.gather [hbm4b:s3+s2], $0x80, v4, vm0, $0xb8;
	[tilespmem:$0x10080] =	vst v63  }
0x22: {  	_ = 	snop  }
0x23: {  	[tilespmem:s20], [sflag:$0x1] =	stream.indirect_vreg.gather [hbm4b:s5+s2], $0x80, v4, vm0, $0xb8;
	[tilespmem:$0x10080] =	vst v63  }
0x24: {  	_ = 	snop  }
0x25: {  	[tilespmem:s21], [sflag:$0x1] =	stream.indirect_vreg.gather [hbm4b:s3+s2], $0x80, v3, vm0, $0xb8;
	[tilespmem:$0x10080] =	vst v63  }
0x26: {  	_ = 	snop  }
0x27: {  	[tilespmem:s22], [sflag:$0x1] =	stream.indirect_vreg.gather [hbm4b:s5+s2], $0x80, v3, vm0, $0xb8;
	[tilespmem:$0x10080] =	vst v63  }
0x28: {  	v3 =	vld [tilespmem:$0x10];
	_ =	sdelay $0x4  }
0x29: {  	v49 =	vshll.u32 v3, $0x2  }
0x2a: {  	v3 =	vand.u32 $0x7, v3;
	v4 =	vand.u32 $0xFFFFFFE0, v49  }
0x2b: {  	v3 =	vor.u32 v3, v4  }
0x2c: {  	v4 =	vperm.xlane v3, v0;
	_ =	sdelay $0x1  }
0x2d: {  	v4 =	vadd.s32 v1, v4;
	_ =	sdelay $0x1  }
0x2e: {  	v3 =	vperm.xlane v3, v2;
	_ =	sdelay $0x1  }
0x2f: {  	v3 =	vadd.s32 v1, v3  }
0x30: {  	[tilespmem:s23], [sflag:$0x1] =	stream.indirect_vreg.gather [hbm4b:s3+s2], $0x80, v4, vm0, $0xb8;
	[tilespmem:$0x10080] =	vst v63  }
0x31: {  	_ = 	snop  }
0x32: {  	[tilespmem:s24], [sflag:$0x1] =	stream.indirect_vreg.gather [hbm4b:s5+s2], $0x80, v4, vm0, $0xb8;
	[tilespmem:$0x10080] =	vst v63  }
0x33: {  	_ = 	snop  }
0x34: {  	[tilespmem:s25], [sflag:$0x1] =	stream.indirect_vreg.gather [hbm4b:s3+s2], $0x80, v3, vm0, $0xb8;
	[tilespmem:$0x10080] =	vst v63  }
0x35: {  	_ = 	snop  }
0x36: {  	[tilespmem:s26], [sflag:$0x1] =	stream.indirect_vreg.gather [hbm4b:s5+s2], $0x80, v3, vm0, $0xb8;
	[tilespmem:$0x10080] =	vst v63  }
0x37: {  	v3 =	vld [tilespmem:$0x20];
	_ =	sdelay $0x4  }
0x38: {  	v50 =	vshll.u32 v3, $0x2  }
0x39: {  	v3 =	vand.u32 $0x7, v3;
	v4 =	vand.u32 $0xFFFFFFE0, v50  }
0x3a: {  	v3 =	vor.u32 v3, v4  }
0x3b: {  	v4 =	vperm.xlane v3, v0;
	_ =	sdelay $0x1  }
0x3c: {  	v4 =	vadd.s32 v1, v4;
	_ =	sdelay $0x1  }
0x3d: {  	v3 =	vperm.xlane v3, v2;
	_ =	sdelay $0x1  }
0x3e: {  	v3 =	vadd.s32 v1, v3  }
0x3f: {  	[tilespmem:s28], [sflag:$0x1] =	stream.indirect_vreg.gather [hbm4b:s3+s2], $0x80, v4, vm0, $0xb8;
	[tilespmem:$0x10080] =	vst v63  }
0x40: {  	_ = 	snop  }
0x41: {  	[tilespmem:s29], [sflag:$0x1] =	stream.indirect_vreg.gather [hbm4b:s5+s2], $0x80, v4, vm0, $0xb8;
	[tilespmem:$0x10080] =	vst v63  }
0x42: {  	_ = 	snop  }
0x43: {  	[tilespmem:s30], [sflag:$0x1] =	stream.indirect_vreg.gather [hbm4b:s3+s2], $0x80, v3, vm0, $0xb8;
	[tilespmem:$0x10080] =	vst v63  }
0x44: {  	_ = 	snop  }
0x45: {  	[tilespmem:s31], [sflag:$0x1] =	stream.indirect_vreg.gather [hbm4b:s5+s2], $0x80, v3, vm0, $0xb8;
	[tilespmem:$0x10080] =	vst v63  }
0x46: {  	v3 =	vld [tilespmem:$0x30];
	_ =	sdelay $0x4  }
0x47: {  	v51 =	vshll.u32 v3, $0x2  }
0x48: {  	v3 =	vand.u32 $0x7, v3;
	v4 =	vand.u32 $0xFFFFFFE0, v51  }
0x49: {  	v3 =	vor.u32 v3, v4  }
0x4a: {  	v4 =	vperm.xlane v3, v0;
	_ =	sdelay $0x1  }
0x4b: {  	v4 =	vadd.s32 v1, v4;
	_ =	sdelay $0x1  }
0x4c: {  	v3 =	vperm.xlane v3, v2;
	_ =	sdelay $0x1  }
0x4d: {  	s19 =	simm.s32 $0x6080;
	v3 =	vadd.s32 v1, v3  }
0x4e: {  	[tilespmem:s19], [sflag:$0x1] =	stream.indirect_vreg.gather [hbm4b:s3+s2], $0x80, v4, vm0, $0xb8;
	[tilespmem:$0x10080] =	vst v63  }
0x4f: {  	_ = 	snop  }
0x50: {  	[tilespmem:s1], [sflag:$0x1] =	stream.indirect_vreg.gather [hbm4b:s5+s2], $0x80, v4, vm0, $0xb8;
	[tilespmem:$0x10080] =	vst v63  }
0x51: {  	_ = 	snop  }
0x52: {  	[tilespmem:s10], [sflag:$0x1] =	stream.indirect_vreg.gather [hbm4b:s3+s2], $0x80, v3, vm0, $0xb8;
	[tilespmem:$0x10080] =	vst v63  }
0x53: {  	_ = 	snop  }
0x54: {  	[tilespmem:s11], [sflag:$0x1] =	stream.indirect_vreg.gather [hbm4b:s5+s2], $0x80, v3, vm0, $0xb8;
	[tilespmem:$0x10080] =	vst v63  }
0x55: {  	v3 =	vld [tilespmem:$0x40];
	_ =	sdelay $0x4  }
0x56: {  	v52 =	vshll.u32 v3, $0x2  }
0x57: {  	v3 =	vand.u32 $0x7, v3;
	v4 =	vand.u32 $0xFFFFFFE0, v52  }
0x58: {  	v3 =	vor.u32 v3, v4  }
0x59: {  	v4 =	vperm.xlane v3, v0;
	_ =	sdelay $0x1  }
0x5a: {  	v4 =	vadd.s32 v1, v4;
	_ =	sdelay $0x1  }
0x5b: {  	v3 =	vperm.xlane v3, v2;
	_ =	sdelay $0x1  }
0x5c: {  	v3 =	vadd.s32 v1, v3  }
0x5d: {  	[tilespmem:s12], [sflag:$0x1] =	stream.indirect_vreg.gather [hbm4b:s3+s2], $0x80, v4, vm0, $0xb8;
	[tilespmem:$0x10080] =	vst v63  }
0x5e: {  	_ = 	snop  }
0x5f: {  	[tilespmem:s13], [sflag:$0x1] =	stream.indirect_vreg.gather [hbm4b:s5+s2], $0x80, v4, vm0, $0xb8;
	[tilespmem:$0x10080] =	vst v63  }
0x60: {  	_ = 	snop  }
0x61: {  	[tilespmem:s14], [sflag:$0x1] =	stream.indirect_vreg.gather [hbm4b:s3+s2], $0x80, v3, vm0, $0xb8;
	[tilespmem:$0x10080] =	vst v63  }
0x62: {  	_ = 	snop  }
0x63: {  	[tilespmem:s15], [sflag:$0x1] =	stream.indirect_vreg.gather [hbm4b:s5+s2], $0x80, v3, vm0, $0xb8;
	[tilespmem:$0x10080] =	vst v63  }
0x64: {  	v3 =	vld [tilespmem:$0x50];
	_ =	sdelay $0x4  }
0x65: {  	v53 =	vshll.u32 v3, $0x2  }
0x66: {  	v3 =	vand.u32 $0x7, v3;
	v4 =	vand.u32 $0xFFFFFFE0, v53  }
0x67: {  	v3 =	vor.u32 v3, v4  }
0x68: {  	v4 =	vperm.xlane v3, v0;
	_ =	sdelay $0x1  }
0x69: {  	v4 =	vadd.s32 v1, v4;
	_ =	sdelay $0x1  }
0x6a: {  	v3 =	vperm.xlane v3, v2;
	_ =	sdelay $0x1  }
0x6b: {  	v3 =	vadd.s32 v1, v3  }
0x6c: {  	[tilespmem:s16], [sflag:$0x1] =	stream.indirect_vreg.gather [hbm4b:s3+s2], $0x80, v4, vm0, $0xb8;
	[tilespmem:$0x10080] =	vst v63  }
0x6d: {  	_ = 	snop  }
0x6e: {  	[tilespmem:s17], [sflag:$0x1] =	stream.indirect_vreg.gather [hbm4b:s5+s2], $0x80, v4, vm0, $0xb8;
	[tilespmem:$0x10080] =	vst v63  }
0x6f: {  	_ = 	snop  }
0x70: {  	[tilespmem:s9], [sflag:$0x1] =	stream.indirect_vreg.gather [hbm4b:s3+s2], $0x80, v3, vm0, $0xb8;
	[tilespmem:$0x10080] =	vst v63  }
0x71: {  	s19 =	simm.s32 $0xB880  }
0x72: {  	[tilespmem:s19], [sflag:$0x1] =	stream.indirect_vreg.gather [hbm4b:s5+s2], $0x80, v3, vm0, $0xb8;
	[tilespmem:$0x10080] =	vst v63  }
0x73: {  	v3 =	vld [tilespmem:$0x60];
	_ =	sdelay $0x4  }
0x74: {  	v54 =	vshll.u32 v3, $0x2  }
0x75: {  	v3 =	vand.u32 $0x7, v3;
	v4 =	vand.u32 $0xFFFFFFE0, v54  }
0x76: {  	v3 =	vor.u32 v3, v4  }
0x77: {  	v4 =	vperm.xlane v3, v0;
	_ =	sdelay $0x1  }
0x78: {  	v4 =	vadd.s32 v1, v4;
	_ =	sdelay $0x1  }
0x79: {  	v3 =	vperm.xlane v3, v2;
	_ =	sdelay $0x1  }
0x7a: {  	s19 =	simm.s32 $0xC080;
	v3 =	vadd.s32 v1, v3  }
0x7b: {  	[tilespmem:s19], [sflag:$0x1] =	stream.indirect_vreg.gather [hbm4b:s3+s2], $0x80, v4, vm0, $0xb8;
	[tilespmem:$0x10080] =	vst v63  }
0x7c: {  	s19 =	simm.s32 $0xC880  }
0x7d: {  	[tilespmem:s19], [sflag:$0x1] =	stream.indirect_vreg.gather [hbm4b:s5+s2], $0x80, v4, vm0, $0xb8;
	[tilespmem:$0x10080] =	vst v63  }
0x7e: {  	s19 =	simm.s32 $0xD080  }
0x7f: {  	[tilespmem:s19], [sflag:$0x1] =	stream.indirect_vreg.gather [hbm4b:s3+s2], $0x80, v3, vm0, $0xb8;
	[tilespmem:$0x10080] =	vst v63  }
0x80: {  	s19 =	simm.s32 $0xD880  }
0x81: {  	[tilespmem:s19], [sflag:$0x1] =	stream.indirect_vreg.gather [hbm4b:s5+s2], $0x80, v3, vm0, $0xb8;
	[tilespmem:$0x10080] =	vst v63  }
0x82: {  	v3 =	vld [tilespmem:$0x70];
	_ =	sdelay $0x4  }
0x83: {  	v55 =	vshll.u32 v3, $0x2  }
0x84: {  	v3 =	vand.u32 $0x7, v3;
	v4 =	vand.u32 $0xFFFFFFE0, v55  }
0x85: {  	v3 =	vor.u32 v3, v4  }
0x86: {  	v4 =	vperm.xlane v3, v0;
	_ =	sdelay $0x1  }
0x87: {  	v4 =	vadd.s32 v1, v4;
	_ =	sdelay $0x1  }
0x88: {  	v3 =	vperm.xlane v3, v2;
	_ =	sdelay $0x1  }
0x89: {  	s19 =	simm.s32 $0xE080;
	v3 =	vadd.s32 v1, v3  }
0x8a: {  	[tilespmem:s19], [sflag:$0x1] =	stream.indirect_vreg.gather [hbm4b:s3+s2], $0x80, v4, vm0, $0xb8;
	[tilespmem:$0x10080] =	vst v63  }
0x8b: {  	s19 =	simm.s32 $0xE880  }
0x8c: {  	[tilespmem:s19], [sflag:$0x1] =	stream.indirect_vreg.gather [hbm4b:s5+s2], $0x80, v4, vm0, $0xb8;
	[tilespmem:$0x10080] =	vst v63  }
0x8d: {  	s19 =	simm.s32 $0xF080  }
0x8e: {  	[tilespmem:s19], [sflag:$0x1] =	stream.indirect_vreg.gather [hbm4b:s3+s2], $0x80, v3, vm0, $0xb8;
	[tilespmem:$0x10080] =	vst v63  }
0x8f: {  	s19 =	simm.s32 $0xF880  }
0x90: {  	[tilespmem:s19], [sflag:$0x1] =	stream.indirect_vreg.gather [hbm4b:s5+s2], $0x80, v3, vm0, $0xb8;
	[tilespmem:$0x10080] =	vst v63  }
0x91: {  	_ =	swait.ge [sflag:s18], $0x10000  }
0x92: {  	[sflag:s18] =	ssyncset.done $0x0  }
0x93: {  	s0 =	simm.s32 $0x80;
	s19 =	rddreg [dreg:$0x4];
	[sflag:s18] =	ssyncadd.s32 $0xFFFF0000  }
0x94: {  	[hbm4b:s19+s2] =	stream.linear.scatter [tilespmem:s0], [sflag:$0x2], $0x10000, $0x38;
	[tilespmem:$0x10080] =	vst v63  }
0x95: {  	_ =	swait.ge [sflag:s8], $0x10000  }
0x96: {  	[sflag:s8] =	ssyncset.done $0x0  }
0x97: {  	s19 =	rddreg [dreg:$0x5];
	[sflag:s8] =	ssyncadd.s32 $0xFFFF0000  }
0x98: {  	[tilespmem:s2], [sflag:$0x2] =	stream.linear.gather [hbm4b:s19+s2], $0x80, $0x38;
	[tilespmem:$0x10080] =	vst v63  }
0x99: {  	_ =	swait.ge [sflag:s8], $0x80  }
0x9a: {  	[sflag:s8] =	ssyncset.done $0x0  }
0x9b: {  	[sflag:s8] =	ssyncadd.s32 $0xFFFFFF80  }
0x9c: {  	v3 =	vld [tilespmem:$0x0];
	_ =	sdelay $0x4  }
0x9d: {  	v56 =	vshll.u32 v3, $0x2  }
0x9e: {  	v3 =	vand.u32 $0x7, v3;
	v4 =	vand.u32 $0xFFFFFFE0, v56  }
0x9f: {  	v3 =	vor.u32 v3, v4  }
0xa0: {  	v4 =	vperm.xlane v3, v0;
	_ =	sdelay $0x1  }
0xa1: {  	v4 =	vadd.s32 v1, v4;
	_ =	sdelay $0x1  }
0xa2: {  	v3 =	vperm.xlane v3, v2;
	_ =	sdelay $0x1  }
0xa3: {  	v3 =	vadd.s32 v1, v3  }
0xa4: {  	[tilespmem:s0], [sflag:$0x1] =	stream.indirect_vreg.gather [hbm4b:s4+s2], $0x80, v4, vm0, $0xb8;
	[tilespmem:$0x10080] =	vst v63  }
0xa5: {  	_ = 	snop  }
0xa6: {  	[tilespmem:s20], [sflag:$0x1] =	stream.indirect_vreg.gather [hbm4b:s6+s2], $0x80, v4, vm0, $0xb8;
	[tilespmem:$0x10080] =	vst v63  }
0xa7: {  	_ = 	snop  }
0xa8: {  	[tilespmem:s21], [sflag:$0x1] =	stream.indirect_vreg.gather [hbm4b:s4+s2], $0x80, v3, vm0, $0xb8;
	[tilespmem:$0x10080] =	vst v63  }
0xa9: {  	_ = 	snop  }
0xaa: {  	[tilespmem:s22], [sflag:$0x1] =	stream.indirect_vreg.gather [hbm4b:s6+s2], $0x80, v3, vm0, $0xb8;
	[tilespmem:$0x10080] =	vst v63  }
0xab: {  	v3 =	vld [tilespmem:$0x10];
	_ =	sdelay $0x4  }
0xac: {  	v57 =	vshll.u32 v3, $0x2  }
0xad: {  	v3 =	vand.u32 $0x7, v3;
	v4 =	vand.u32 $0xFFFFFFE0, v57  }
0xae: {  	v3 =	vor.u32 v3, v4  }
0xaf: {  	v4 =	vperm.xlane v3, v0;
	_ =	sdelay $0x1  }
0xb0: {  	v4 =	vadd.s32 v1, v4;
	_ =	sdelay $0x1  }
0xb1: {  	v3 =	vperm.xlane v3, v2;
	_ =	sdelay $0x1  }
0xb2: {  	v3 =	vadd.s32 v1, v3  }
0xb3: {  	[tilespmem:s23], [sflag:$0x1] =	stream.indirect_vreg.gather [hbm4b:s4+s2], $0x80, v4, vm0, $0xb8;
	[tilespmem:$0x10080] =	vst v63  }
0xb4: {  	_ = 	snop  }
0xb5: {  	[tilespmem:s24], [sflag:$0x1] =	stream.indirect_vreg.gather [hbm4b:s6+s2], $0x80, v4, vm0, $0xb8;
	[tilespmem:$0x10080] =	vst v63  }
0xb6: {  	_ = 	snop  }
0xb7: {  	[tilespmem:s25], [sflag:$0x1] =	stream.indirect_vreg.gather [hbm4b:s4+s2], $0x80, v3, vm0, $0xb8;
	[tilespmem:$0x10080] =	vst v63  }
0xb8: {  	_ = 	snop  }
0xb9: {  	[tilespmem:s26], [sflag:$0x1] =	stream.indirect_vreg.gather [hbm4b:s6+s2], $0x80, v3, vm0, $0xb8;
	[tilespmem:$0x10080] =	vst v63  }
0xba: {  	v3 =	vld [tilespmem:$0x20];
	_ =	sdelay $0x4  }
0xbb: {  	v58 =	vshll.u32 v3, $0x2  }
0xbc: {  	v3 =	vand.u32 $0x7, v3;
	v4 =	vand.u32 $0xFFFFFFE0, v58  }
0xbd: {  	v3 =	vor.u32 v3, v4  }
0xbe: {  	v4 =	vperm.xlane v3, v0;
	_ =	sdelay $0x1  }
0xbf: {  	v4 =	vadd.s32 v1, v4;
	_ =	sdelay $0x1  }
0xc0: {  	v3 =	vperm.xlane v3, v2;
	_ =	sdelay $0x1  }
0xc1: {  	v3 =	vadd.s32 v1, v3  }
0xc2: {  	[tilespmem:s28], [sflag:$0x1] =	stream.indirect_vreg.gather [hbm4b:s4+s2], $0x80, v4, vm0, $0xb8;
	[tilespmem:$0x10080] =	vst v63  }
0xc3: {  	_ = 	snop  }
0xc4: {  	[tilespmem:s29], [sflag:$0x1] =	stream.indirect_vreg.gather [hbm4b:s6+s2], $0x80, v4, vm0, $0xb8;
	[tilespmem:$0x10080] =	vst v63  }
0xc5: {  	_ = 	snop  }
0xc6: {  	[tilespmem:s30], [sflag:$0x1] =	stream.indirect_vreg.gather [hbm4b:s4+s2], $0x80, v3, vm0, $0xb8;
	[tilespmem:$0x10080] =	vst v63  }
0xc7: {  	_ = 	snop  }
0xc8: {  	[tilespmem:s31], [sflag:$0x1] =	stream.indirect_vreg.gather [hbm4b:s6+s2], $0x80, v3, vm0, $0xb8;
	[tilespmem:$0x10080] =	vst v63  }
0xc9: {  	v3 =	vld [tilespmem:$0x30];
	_ =	sdelay $0x4  }
0xca: {  	v59 =	vshll.u32 v3, $0x2  }
0xcb: {  	v3 =	vand.u32 $0x7, v3;
	v4 =	vand.u32 $0xFFFFFFE0, v59  }
0xcc: {  	v3 =	vor.u32 v3, v4  }
0xcd: {  	v4 =	vperm.xlane v3, v0;
	_ =	sdelay $0x1  }
0xce: {  	v4 =	vadd.s32 v1, v4;
	_ =	sdelay $0x1  }
0xcf: {  	v3 =	vperm.xlane v3, v2;
	_ =	sdelay $0x1  }
0xd0: {  	s19 =	simm.s32 $0x6080;
	v3 =	vadd.s32 v1, v3  }
0xd1: {  	[tilespmem:s19], [sflag:$0x1] =	stream.indirect_vreg.gather [hbm4b:s4+s2], $0x80, v4, vm0, $0xb8;
	[tilespmem:$0x10080] =	vst v63  }
0xd2: {  	_ = 	snop  }
0xd3: {  	[tilespmem:s1], [sflag:$0x1] =	stream.indirect_vreg.gather [hbm4b:s6+s2], $0x80, v4, vm0, $0xb8;
	[tilespmem:$0x10080] =	vst v63  }
0xd4: {  	_ = 	snop  }
0xd5: {  	[tilespmem:s10], [sflag:$0x1] =	stream.indirect_vreg.gather [hbm4b:s4+s2], $0x80, v3, vm0, $0xb8;
	[tilespmem:$0x10080] =	vst v63  }
0xd6: {  	_ = 	snop  }
0xd7: {  	[tilespmem:s11], [sflag:$0x1] =	stream.indirect_vreg.gather [hbm4b:s6+s2], $0x80, v3, vm0, $0xb8;
	[tilespmem:$0x10080] =	vst v63  }
0xd8: {  	v3 =	vld [tilespmem:$0x40];
	_ =	sdelay $0x4  }
0xd9: {  	v60 =	vshll.u32 v3, $0x2  }
0xda: {  	v3 =	vand.u32 $0x7, v3;
	v4 =	vand.u32 $0xFFFFFFE0, v60  }
0xdb: {  	v3 =	vor.u32 v3, v4  }
0xdc: {  	v4 =	vperm.xlane v3, v0;
	_ =	sdelay $0x1  }
0xdd: {  	v4 =	vadd.s32 v1, v4;
	_ =	sdelay $0x1  }
0xde: {  	v3 =	vperm.xlane v3, v2;
	_ =	sdelay $0x1  }
0xdf: {  	v3 =	vadd.s32 v1, v3  }
0xe0: {  	[tilespmem:s12], [sflag:$0x1] =	stream.indirect_vreg.gather [hbm4b:s4+s2], $0x80, v4, vm0, $0xb8;
	[tilespmem:$0x10080] =	vst v63  }
0xe1: {  	_ = 	snop  }
0xe2: {  	[tilespmem:s13], [sflag:$0x1] =	stream.indirect_vreg.gather [hbm4b:s6+s2], $0x80, v4, vm0, $0xb8;
	[tilespmem:$0x10080] =	vst v63  }
0xe3: {  	_ = 	snop  }
0xe4: {  	[tilespmem:s14], [sflag:$0x1] =	stream.indirect_vreg.gather [hbm4b:s4+s2], $0x80, v3, vm0, $0xb8;
	[tilespmem:$0x10080] =	vst v63  }
0xe5: {  	_ = 	snop  }
0xe6: {  	[tilespmem:s15], [sflag:$0x1] =	stream.indirect_vreg.gather [hbm4b:s6+s2], $0x80, v3, vm0, $0xb8;
	[tilespmem:$0x10080] =	vst v63  }
0xe7: {  	v3 =	vld [tilespmem:$0x50];
	_ =	sdelay $0x4  }
0xe8: {  	v61 =	vshll.u32 v3, $0x2  }
0xe9: {  	v3 =	vand.u32 $0x7, v3;
	v4 =	vand.u32 $0xFFFFFFE0, v61  }
0xea: {  	v3 =	vor.u32 v3, v4  }
0xeb: {  	v4 =	vperm.xlane v3, v0;
	_ =	sdelay $0x1  }
0xec: {  	v4 =	vadd.s32 v1, v4;
	_ =	sdelay $0x1  }
0xed: {  	v3 =	vperm.xlane v3, v2;
	_ =	sdelay $0x1  }
0xee: {  	v3 =	vadd.s32 v1, v3  }
0xef: {  	[tilespmem:s16], [sflag:$0x1] =	stream.indirect_vreg.gather [hbm4b:s4+s2], $0x80, v4, vm0, $0xb8;
	[tilespmem:$0x10080] =	vst v63  }
0xf0: {  	_ = 	snop  }
0xf1: {  	[tilespmem:s17], [sflag:$0x1] =	stream.indirect_vreg.gather [hbm4b:s6+s2], $0x80, v4, vm0, $0xb8;
	[tilespmem:$0x10080] =	vst v63  }
0xf2: {  	_ = 	snop  }
0xf3: {  	[tilespmem:s9], [sflag:$0x1] =	stream.indirect_vreg.gather [hbm4b:s4+s2], $0x80, v3, vm0, $0xb8;
	[tilespmem:$0x10080] =	vst v63  }
0xf4: {  	s19 =	simm.s32 $0xB880  }
0xf5: {  	[tilespmem:s19], [sflag:$0x1] =	stream.indirect_vreg.gather [hbm4b:s6+s2], $0x80, v3, vm0, $0xb8;
	[tilespmem:$0x10080] =	vst v63  }
0xf6: {  	v3 =	vld [tilespmem:$0x60];
	_ =	sdelay $0x4  }
0xf7: {  	v62 =	vshll.u32 v3, $0x2  }
0xf8: {  	v3 =	vand.u32 $0x7, v3;
	v4 =	vand.u32 $0xFFFFFFE0, v62  }
0xf9: {  	v3 =	vor.u32 v3, v4  }
0xfa: {  	v4 =	vperm.xlane v3, v0;
	_ =	sdelay $0x1  }
0xfb: {  	v4 =	vadd.s32 v1, v4;
	_ =	sdelay $0x1  }
0xfc: {  	v3 =	vperm.xlane v3, v2;
	_ =	sdelay $0x1  }
0xfd: {  	s19 =	simm.s32 $0xC080;
	v3 =	vadd.s32 v1, v3  }
0xfe: {  	[tilespmem:s19], [sflag:$0x1] =	stream.indirect_vreg.gather [hbm4b:s4+s2], $0x80, v4, vm0, $0xb8;
	[tilespmem:$0x10080] =	vst v63  }
0xff: {  	s19 =	simm.s32 $0xC880  }
0x100: {  	[tilespmem:s19], [sflag:$0x1] =	stream.indirect_vreg.gather [hbm4b:s6+s2], $0x80, v4, vm0, $0xb8;
	[tilespmem:$0x10080] =	vst v63  }
0x101: {  	s19 =	simm.s32 $0xD080  }
0x102: {  	[tilespmem:s19], [sflag:$0x1] =	stream.indirect_vreg.gather [hbm4b:s4+s2], $0x80, v3, vm0, $0xb8;
	[tilespmem:$0x10080] =	vst v63  }
0x103: {  	s19 =	simm.s32 $0xD880  }
0x104: {  	[tilespmem:s19], [sflag:$0x1] =	stream.indirect_vreg.gather [hbm4b:s6+s2], $0x80, v3, vm0, $0xb8;
	[tilespmem:$0x10080] =	vst v63  }
0x105: {  	v3 =	vld [tilespmem:$0x70];
	_ =	sdelay $0x4  }
0x106: {  	v63 =	vshll.u32 v3, $0x2  }
0x107: {  	v3 =	vand.u32 $0x7, v3;
	v4 =	vand.u32 $0xFFFFFFE0, v63  }
0x108: {  	v3 =	vor.u32 v3, v4  }
0x109: {  	v4 =	vperm.xlane v3, v0;
	_ =	sdelay $0x1  }
0x10a: {  	v4 =	vadd.s32 v1, v4;
	_ =	sdelay $0x1  }
0x10b: {  	v3 =	vperm.xlane v3, v2;
	_ =	sdelay $0x1  }
0x10c: {  	s19 =	simm.s32 $0xE080;
	v3 =	vadd.s32 v1, v3  }
0x10d: {  	[tilespmem:s19], [sflag:$0x1] =	stream.indirect_vreg.gather [hbm4b:s4+s2], $0x80, v4, vm0, $0xb8;
	[tilespmem:$0x10080] =	vst v63  }
0x10e: {  	s19 =	simm.s32 $0xE880  }
0x10f: {  	[tilespmem:s19], [sflag:$0x1] =	stream.indirect_vreg.gather [hbm4b:s6+s2], $0x80, v4, vm0, $0xb8;
	[tilespmem:$0x10080] =	vst v63  }
0x110: {  	s19 =	simm.s32 $0xF080  }
0x111: {  	[tilespmem:s19], [sflag:$0x1] =	stream.indirect_vreg.gather [hbm4b:s4+s2], $0x80, v3, vm0, $0xb8;
	[tilespmem:$0x10080] =	vst v63  }
0x112: {  	s19 =	simm.s32 $0xF880  }
0x113: {  	[tilespmem:s19], [sflag:$0x1] =	stream.indirect_vreg.gather [hbm4b:s6+s2], $0x80, v3, vm0, $0xb8;
	[tilespmem:$0x10080] =	vst v63  }
0x114: {  	_ =	swait.ge [sflag:s18], $0x10000  }
0x115: {  	p0 =	sne.s32 s7, $0x1;
	s0 =	simm.s32 $0x80;
	[sflag:s18] =	ssyncset.done $0x0  }
.Ltmp0:
0x116: {  	s19 =	rddreg [dreg:$0x6];
	[sflag:s18] =	ssyncadd.s32 $0xFFFF0000;
	(pc) =	sbr.rel @p0 .LBB2_1-.Ltmp0, $4  }
0x117: {  	[hbm4b:s19+s2] =	stream.linear.scatter [tilespmem:s0], [sflag:$0x2], $0x10000, $0x38;
	[tilespmem:$0x10080] =	vst v63  }
0x118: {  	_ =	swait.ge [sflag:s8], $0x10000  }
0x119: {  	[sflag:s8] =	ssyncset.done $0x0  }
0x11a: {  	s7 =	sadd.s32 $0xFFFFFFFF, s7;
	[sflag:s8] =	ssyncadd.s32 $0xFFFF0000  }
0x11b: {  	_ =	sfence.sel $0x180000  }
0x11c: {  	[bflag:$0x0] =	sbarrier.arrive $0xFFFF  }
0x11d: {  	_ =	strace $0x90000047  }
0x11e: {  	s0 =	stileid.u32;
	[bflag:$0x2] =	sbarrier.arrive $0xFFFF  }
0x11f: {  	p0 =	sne.s32 s0, $0x0;
	s0 =	rddreg [dreg:$0x2]  }
0x120: {  	s0 =	sadd.s32 @!p0 $0x100000, s0  }
0x121: {  	[sflag:s0] =	ssyncadd.tile.s32 @!p0 $0x1;
	_ =	shalt  }
.Lfunc_end2:
_tile_overlayer_lowered:
.L_overlay_start_2:
0x122: {  	(tag) =	ssettag $0x2  }
0x123: {  	s0 =	rddreg [dreg:$0x0];
	s2 =	stileid.u32  }
0x124: {  	s1 =	rddreg [dreg:$0x1];
	p0 =	sne.s32 s2, $0x0  }
0x125: {  	s3 =	rddreg [dreg:$0x2];
	[bflag:$0x3] =	sbarrier.arrive $0xFFFF;
	s2 =	simm.s32 @!p0 $0x1C02  }
0x126: {  	[timem:s3], [sflag:s2] =	dma.local @!p0 [hbm:s0], s1  }
0x127: {  	s0 =	simm.s32 @!p0 $0x2  }
0x128: {  	_ =	swait.ge @!p0 [sflag:s0], s1  }
0x129: {  	s1 =	ssub.s32 @!p0 $0x0, s1;
	[sflag:s0] =	ssyncset.done @!p0 $0x0  }
0x12a: {  	[sflag:s0] =	ssyncadd.s32 @!p0 s1  }
0x12b: {  	[bflag:$0x3] =	sbarrier.arrive $0xFFFF  }
0x12c: {  	_ =	shalt  }

</sc_bundles>
